<compile_context>
chip_gen: v7x
topology: tpu7x:2x2x1
jax: 0.10.2.dev20260603
libtpu: 0.0.44.dev20260713+nightly
codegen_flags: <defaults>
</compile_context>

<pallas_src>
import dataclasses
import functools

import jax
import jax.numpy as jnp
from jax import lax
from jax.experimental import pallas as pl
from jax.experimental.pallas import tpu as pltpu
from jax.experimental.pallas import tpu_sc as plsc

N_RAW = 10000
N_PAD = 10240
E_RAW = 160000
E_PAD = 163840
D = 256
DH = 128
D_OUT = 64
B_G = 100
B_PAD = 128
ROW_BLK = 512
N_BLKS = N_PAD // ROW_BLK


def _mm_body(x_ref, w_ref, o_ref):
    o_ref[...] = jnp.dot(x_ref[...], w_ref[...],
                         preferred_element_type=jnp.float32)


def _tc_matmul(x, w):
    return pl.pallas_call(
        _mm_body,
        grid=(N_BLKS,),
        in_specs=[
            pl.BlockSpec((ROW_BLK, D), lambda i: (i, 0)),
            pl.BlockSpec((D, D), lambda i: (0, 0)),
        ],
        out_specs=pl.BlockSpec((ROW_BLK, D), lambda i: (i, 0)),
        out_shape=jax.ShapeDtypeStruct((N_PAD, D), jnp.float32),
    )(x, w)


def _scale_body(m_ref, deg_ref, p_ref, norm_ref):
    deg = jnp.sum(deg_ref[...], axis=0)
    norm = lax.rsqrt(jnp.maximum(deg, 1.0))[:, None]
    p = m_ref[...] * norm
    p_ref[0] = p[:, :DH]
    p_ref[1] = p[:, DH:]
    norm_ref[...] = norm


def _tc_scale_split(m, deg_parts):
    return pl.pallas_call(
        _scale_body,
        grid=(N_BLKS,),
        in_specs=[
            pl.BlockSpec((ROW_BLK, D), lambda i: (i, 0)),
            pl.BlockSpec((N_WORKER, ROW_BLK), lambda i: (0, i)),
        ],
        out_specs=[
            pl.BlockSpec((2, ROW_BLK, DH), lambda i: (0, i, 0)),
            pl.BlockSpec((ROW_BLK, 1), lambda i: (i, 0)),
        ],
        out_shape=[
            jax.ShapeDtypeStruct((2, N_PAD, DH), jnp.float32),
            jax.ShapeDtypeStruct((N_PAD, 1), jnp.float32),
        ],
    )(m, deg_parts)


def _layer2_body(s_ref, norm_ref, b_ref, w_ref, p_ref):
    norm = norm_ref[...]
    x = jnp.concatenate([s_ref[0], s_ref[1]], axis=1)
    h = jax.nn.relu(x * norm + b_ref[...]) * norm
    p = jnp.dot(h, w_ref[...], preferred_element_type=jnp.float32)
    p_ref[0] = p[:, :DH]
    p_ref[1] = p[:, DH:]


def _tc_layer2(s_parts, norm, b1, w2):
    return pl.pallas_call(
        _layer2_body,
        grid=(N_BLKS,),
        in_specs=[
            pl.BlockSpec((2, ROW_BLK, DH), lambda i: (0, i, 0)),
            pl.BlockSpec((ROW_BLK, 1), lambda i: (i, 0)),
            pl.BlockSpec((1, D), lambda i: (0, 0)),
            pl.BlockSpec((D, D), lambda i: (0, 0)),
        ],
        out_specs=pl.BlockSpec((2, ROW_BLK, DH), lambda i: (0, i, 0)),
        out_shape=jax.ShapeDtypeStruct((2, N_PAD, DH), jnp.float32),
    )(s_parts, norm, b1, w2)


def _readout_body(fetch_ref, g_ref, norm_ref, b_ref, wlt_ref, bl_ref,
                  o_ref, gn):
    def body(i, _):
        idx = fetch_ref[i]
        gn[pl.ds(i, 1), :] = norm_ref[pl.ds(idx, 1), :]
        return 0

    lax.fori_loop(0, B_PAD, body, 0)
    x = jnp.concatenate([g_ref[0], g_ref[1]], axis=1)
    h = jax.nn.relu(x * gn[...] + b_ref[...])
    o_ref[...] = jnp.dot(h, wlt_ref[...],
                         preferred_element_type=jnp.float32) + bl_ref[...]


def _tc_readout(fetch_idx, gath, norm, b2, wl_t, bl):
    return pl.pallas_call(
        _readout_body,
        in_specs=[
            pl.BlockSpec(memory_space=pltpu.SMEM),
            pl.BlockSpec((2, B_PAD, DH), lambda: (0, 0, 0)),
            pl.BlockSpec((N_PAD, 1), lambda: (0, 0)),
            pl.BlockSpec((1, D), lambda: (0, 0)),
            pl.BlockSpec((D, D_OUT), lambda: (0, 0)),
            pl.BlockSpec((1, D_OUT), lambda: (0, 0)),
        ],
        out_specs=pl.BlockSpec((B_PAD, D_OUT), lambda: (0, 0)),
        out_shape=jax.ShapeDtypeStruct((B_PAD, D_OUT), jnp.float32),
        scratch_shapes=[
            pltpu.VMEM((B_PAD, 1), jnp.float32),
        ],
    )(fetch_idx, gath, norm, b2, wl_t, bl)


_SC_MESH = plsc.VectorSubcoreMesh(core_axis_name="c", subcore_axis_name="s")
_SC_CP = pltpu.CompilerParams()
if "needs_layout_passes" in pltpu.CompilerParams.__dataclass_fields__:
    _SC_CP = dataclasses.replace(_SC_CP, needs_layout_passes=False)
N_TEC = 16
N_WORKER = 32
E_PER_TEC = E_PAD // N_TEC
CHUNK = 128
N_CHUNKS = E_PER_TEC // CHUNK
N_PAIRS = N_CHUNKS // 2
ROWS_PER_TEC = N_PAD // N_TEC
E_PER_W = E_PAD // N_WORKER
LANES = 16
PHASES = 2
CPP = N_CHUNKS // PHASES


@functools.partial(
    pl.kernel,
    mesh=_SC_MESH,
    out_type=jax.ShapeDtypeStruct((N_WORKER, N_PAD), jnp.float32),
    scratch_types=[
        pltpu.VMEM((E_PER_W,), jnp.int32),
        pltpu.VMEM((N_PAD,), jnp.float32),
    ],
    compiler_params=_SC_CP,
)
def _sc_degree(dst_hbm, out_hbm, idx_v, hist_v):
    c = lax.axis_index("c")
    s = lax.axis_index("s")
    wid = s * 2 + c
    zeros = jnp.zeros((LANES,), jnp.float32)
    ones = jnp.full((LANES,), 1.0, jnp.float32)

    @pl.loop(0, N_PAD // LANES)
    def _(i):
        hist_v[pl.ds(i * LANES, LANES)] = zeros

    pltpu.sync_copy(dst_hbm.at[pl.ds(wid * E_PER_W, E_PER_W)], idx_v)

    @pl.loop(0, E_PER_W // LANES)
    def _(i):
        idx = idx_v[pl.ds(i * LANES, LANES)]
        plsc.addupdate_scatter(hist_v, [idx], ones)

    pltpu.sync_copy(hist_v, out_hbm.at[wid])


def _make_sc_scatter(with_gather):
    if with_gather:
        out_type = jax.ShapeDtypeStruct((2, B_PAD, DH), jnp.float32)
    else:
        out_type = jax.ShapeDtypeStruct((2 * N_PAD, DH), jnp.float32)

    @functools.partial(
        pl.kernel,
        mesh=_SC_MESH,
        out_type=out_type,
        scratch_types=[
            pltpu.VMEM((CPP, CHUNK), jnp.int32),
            pltpu.VMEM((CPP, CHUNK), jnp.int32),
            pltpu.VMEM((CHUNK, DH), jnp.float32),
            pltpu.VMEM((CHUNK, DH), jnp.float32),
            pltpu.VMEM_SHARED((N_PAD, DH), jnp.float32),
            pltpu.SemaphoreType.DMA,
            pltpu.SemaphoreType.DMA,
        ],
        compiler_params=_SC_CP,
    )
    def _sc_scatter(p_hbm, srcp_hbm, dstp_hbm, fetch_hbm, out_hbm,
                    src_v, dst_v, rows0, rows1, acc_sh, sr0, sr1):
        c = lax.axis_index("c")
        s = lax.axis_index("s")
        zeros = jnp.zeros((LANES,), jnp.float32)

        @pl.loop(0, CHUNK)
        def _(r):
            @pl.loop(0, DH // LANES)
            def _(k):
                rows0[r, pl.ds(k * LANES, LANES)] = zeros

        pltpu.async_copy(srcp_hbm.at[c, s, 0], src_v, sr1)
        for b in range(ROWS_PER_TEC // CHUNK):
            pltpu.async_copy(
                rows0,
                acc_sh.at[pl.ds(s * ROWS_PER_TEC + b * CHUNK, CHUNK)], sr0)
        pltpu.sync_copy(dstp_hbm.at[s, 0], dst_v)
        pltpu.make_async_copy(srcp_hbm.at[c, s, 0], src_v, sr1).wait()
        for b in range(ROWS_PER_TEC // CHUNK):
            pltpu.make_async_copy(
                rows0,
                acc_sh.at[pl.ds(s * ROWS_PER_TEC + b * CHUNK, CHUNK)],
                sr0).wait()

        plsc.subcore_barrier()

        def gat(j, rows, sem):
            return pltpu.make_async_copy(p_hbm.at[src_v.at[j]], rows, sem)

        def sca(j, rows):
            pltpu.sync_copy(rows, acc_sh.at[dst_v.at[j]], add=True)

        for p in range(PHASES):
            if p > 0:
                pltpu.sync_copy(srcp_hbm.at[c, s, p], src_v)
                pltpu.sync_copy(dstp_hbm.at[s, p], dst_v)
            gat(0, rows0, sr0).start()

            @pl.loop(0, CPP // 2 - 1)
            def _(k):
                j0 = 2 * k
                gat(j0 + 1, rows1, sr1).start()
                gat(j0, rows0, sr0).wait()
                sca(j0, rows0)
                gat(j0 + 2, rows0, sr0).start()
                gat(j0 + 1, rows1, sr1).wait()
                sca(j0 + 1, rows1)

            gat(CPP - 1, rows1, sr1).start()
            gat(CPP - 2, rows0, sr0).wait()
            sca(CPP - 2, rows0)
            gat(CPP - 1, rows1, sr1).wait()
            sca(CPP - 1, rows1)

        plsc.subcore_barrier()
        if with_gather:
            @pl.when(s == 0)
            def _():
                pltpu.sync_copy(fetch_hbm, src_v.at[0])
                pltpu.async_copy(acc_sh.at[src_v.at[0]], rows0, sr0).wait()
                pltpu.sync_copy(rows0, out_hbm.at[c])
        else:
            pltpu.sync_copy(
                acc_sh.at[pl.ds(s * ROWS_PER_TEC, ROWS_PER_TEC)],
                out_hbm.at[pl.ds(c * N_PAD + s * ROWS_PER_TEC, ROWS_PER_TEC)])

    return _sc_scatter


_sc_scatter_plain = _make_sc_scatter(False)
_sc_scatter_gath = _make_sc_scatter(True)


def _deg_parts(dst_pad_flat):
    return _sc_degree(dst_pad_flat)


def _scatter_parts(p_parts, srcp, dstp, fetch_idx):
    p_flat = p_parts.reshape(2 * N_PAD, DH)
    s_flat = _sc_scatter_plain(p_flat, srcp, dstp, fetch_idx)
    return s_flat.reshape(2, N_PAD, DH)


def _scatter_parts_gath(p_parts, srcp, dstp, fetch_idx):
    p_flat = p_parts.reshape(2 * N_PAD, DH)
    return _sc_scatter_gath(p_flat, srcp, dstp, fetch_idx)


def kernel(features, edge_index, to_fetch, W1, b1, W2, b2, Wl, bl):
    src = edge_index[0].astype(jnp.int32)
    dst = edge_index[1].astype(jnp.int32)

    junk = N_RAW + jnp.arange(E_PAD - E_RAW, dtype=jnp.int32) % (N_PAD - N_RAW)
    src_pad = jnp.concatenate([src, junk])
    dst_pad = jnp.concatenate([dst, junk])
    srcp = jnp.stack([src_pad, src_pad + N_PAD]).reshape(
        2, N_TEC, PHASES, CPP, CHUNK)
    dstp = dst_pad.reshape(N_TEC, PHASES, CPP, CHUNK)

    feats = jnp.zeros((N_PAD, D), jnp.float32).at[:N_RAW].set(
        features.astype(jnp.float32))
    fetch_idx = jnp.zeros((B_PAD,), jnp.int32).at[:B_G].set(
        to_fetch.astype(jnp.int32)
        + jnp.arange(B_G, dtype=jnp.int32) * (N_RAW // B_G))

    deg_parts = _deg_parts(dst_pad)

    m1 = _tc_matmul(feats, W1)
    p1, norm = _tc_scale_split(m1, deg_parts)
    s1 = _scatter_parts(p1, srcp, dstp, fetch_idx)
    p2 = _tc_layer2(s1, norm, b1.reshape(1, D), W2)
    gath2 = _scatter_parts_gath(p2, srcp, dstp, fetch_idx)
    out = _tc_readout(fetch_idx, gath2, norm, b2.reshape(1, D),
                      Wl.T, bl.reshape(1, D_OUT))
    h = out[:B_G]
    return (h, h)

# --- scband reference (transcript-rebuilt; emitter-appended) ---
"""Pipeline reference for scband-classifier-18537078850016 (READ-ONLY COPY).

The authoritative reference and input builder live on the scoring server;
editing this copy changes nothing except your own understanding.
"""

import jax, jax.numpy as jnp
import numpy as np

N_NODES = 10000
N_EDGES = 160000
D_FEAT = 256
D_OUT = 64
B_GRAPHS = 100
NODES_PER_GRAPH = 100


def setup_inputs(seed: int = 0) -> dict:
    key = jax.random.key(seed)
    ks = jax.random.split(key, 8)
    features = jax.random.normal(ks[0], (N_NODES, D_FEAT), dtype=jnp.float32)
    edge_index = jax.random.randint(ks[1], (2, N_EDGES), 0, N_NODES, dtype=jnp.int64)
    to_fetch = jax.random.randint(ks[2], (B_GRAPHS,), 0, NODES_PER_GRAPH, dtype=jnp.int64)
    # GraphConv weights: xavier_uniform
    limit = float(np.sqrt(6.0 / (D_FEAT + D_FEAT)))
    W1 = jax.random.uniform(ks[3], (D_FEAT, D_FEAT), minval=-limit, maxval=limit, dtype=jnp.float32)
    b1 = jnp.zeros((D_FEAT,), dtype=jnp.float32)
    W2 = jax.random.uniform(ks[4], (D_FEAT, D_FEAT), minval=-limit, maxval=limit, dtype=jnp.float32)
    b2 = jnp.zeros((D_FEAT,), dtype=jnp.float32)
    # Linear weight: kaiming_normal, shape (out, in)
    std = float(np.sqrt(2.0 / D_FEAT))
    Wl = jax.random.normal(ks[5], (D_OUT, D_FEAT), dtype=jnp.float32) * std
    bl = jnp.zeros((D_OUT,), dtype=jnp.float32)
    return {"features": features, "edge_index": edge_index, "to_fetch": to_fetch,
            "W1": W1, "b1": b1, "W2": W2, "b2": b2, "Wl": Wl, "bl": bl}


def reference(features, edge_index, to_fetch, W1, b1, W2, b2, Wl, bl):
    n = features.shape[0]
    src = edge_index[0]
    dst = edge_index[1]
    # in-degree of each node (edges point src -> dst)
    in_deg = jnp.zeros((n,), dtype=jnp.float32).at[dst].add(1.0)
    norm = jnp.power(jnp.clip(in_deg, 1.0, None), -0.5)[:, None]

    def graph_conv(h, W, b):
        h = h * norm
        # copy_src + sum: scatter-add source features into destination nodes
        agg = jnp.zeros_like(h).at[dst].add(h[src])
        rst = jnp.matmul(agg, W)
        rst = rst * norm
        rst = rst + b
        return jax.nn.relu(rst)

    h = features.astype(jnp.float32)
    h = graph_conv(h, W1, b1)
    h = graph_conv(h, W2, b2)
    # readout: one node per batched subgraph (batch_num_nodes = [100]*100)
    offsets = (jnp.arange(B_GRAPHS, dtype=to_fetch.dtype) * NODES_PER_GRAPH)
    h = h[to_fetch + offsets]
    # final Linear classifier: F.linear(h, Wl, bl)
    h = jnp.matmul(h, Wl.T) + bl
    return (h, h)

if __name__ == "__main__":
    import jax
    _d = setup_inputs()
    print(jax.jit(kernel)(*tuple(_d.values())))

</pallas_src>

<mosaic_0001>
#map = affine_map<(d0, d1) -> (0)>
#map1 = affine_map<(d0, d1) -> (0, 0)>
module attributes {stable_mosaic.version = 14 : i64} {
  func.func @_sc_degree(%arg0: i32, %arg1: i32, %arg2: memref<163840xi32, #tpu.memory_space<hbm>>, %arg3: memref<32x10240xf32, #tpu.memory_space<hbm>>, %arg4: memref<5120xi32, #tpu.memory_space<vmem>>, %arg5: memref<10240xf32, #tpu.memory_space<vmem>>) attributes {dimension_semantics = [#tpu.dimension_semantics<core_parallel>, #tpu.dimension_semantics<subcore_parallel>], iteration_bounds = array<i64: 2, 16>, scalar_prefetch = 0 : i64, scratch_operands = 2 : i64, tpu.core_type = #tpu.core_type<sc_vector_subcore>, window_params = [{transform_indices = #map}, {transform_indices = #map1}]} {
    %mul3A = arith.constant 2 : i32
    %mul3A_0 = arith.muli %arg1, %mul3A : i32
    %add3A = arith.addi %mul3A_0, %arg0 : i32
    %broadcast_in_dim3A = arith.constant 0.000000e+00 : f32
    %broadcast_in_dim3A_1 = vector.broadcast %broadcast_in_dim3A : f32 to vector<16xf32>
    %broadcast_in_dim3A_2 = arith.constant 1.000000e+00 : f32
    %broadcast_in_dim3A_3 = vector.broadcast %broadcast_in_dim3A_2 : f32 to vector<16xf32>
    %scan3A = arith.constant 0 : i32
    %scan3A_4 = arith.constant 640 : i32
    %scan3A_5 = arith.addi %scan3A, %scan3A_4 : i32
    %scan3A_6 = arith.constant 1 : i32
    scf.for %scan3A_15 = %scan3A to %scan3A_5 step %scan3A_6  : i32 {
      %mul3A_16 = arith.constant 1 : i32
      %mul3A_17 = arith.muli %scan3A_15, %mul3A_16 : i32
      %add3A_18 = arith.constant 0 : i32
      %add3A_19 = arith.addi %add3A_18, %mul3A_17 : i32
      %mul3A_20 = arith.constant 16 : i32
      %mul3A_21 = arith.muli %add3A_19, %mul3A_20 : i32
      %swap3A = arith.index_cast %mul3A_21 : i32 to index
      %swap3A_22 = tpu.vector_load %arg5[%swap3A] {strides = array<i32>} : memref<10240xf32, #tpu.memory_space<vmem>>, vector<16xf32>,
      tpu.vector_store %arg5[%swap3A], %broadcast_in_dim3A_1 {strides = array<i32>} : memref<10240xf32, #tpu.memory_space<vmem>>, vector<16xf32>,
    }
    %scan3A_7 = arith.constant 640 : i32
    %mul3A_8 = arith.constant 5120 : i32
    %mul3A_9 = arith.muli %add3A, %mul3A_8 : i32
    "tpu.region"() ({
      %run_scoped3A = tpu.sem_alloc : memref<!tpu.dma_semaphore, #tpu.memory_space<semaphore_mem>>
      %dma_start3A = tpu.memref_slice %arg2[%mul3A_9] : memref<163840xi32, #tpu.memory_space<hbm>> -> memref<5120xi32, #tpu.memory_space<hbm>>
      %dma_start3A_15 = tpu.memref_slice %arg2[%mul3A_9] : memref<163840xi32, #tpu.memory_space<hbm>> -> memref<5120xi32, #tpu.memory_space<hbm>>
      tpu.enqueue_dma source(%dma_start3A_15 : memref<5120xi32, #tpu.memory_space<hbm>>) target(%arg4 : memref<5120xi32, #tpu.memory_space<vmem>>) target_semaphore(%run_scoped3A : memref<!tpu.dma_semaphore, #tpu.memory_space<semaphore_mem>>)
      %dma_wait3A = tpu.memref_slice %arg2[%mul3A_9] : memref<163840xi32, #tpu.memory_space<hbm>> -> memref<5120xi32, #tpu.memory_space<hbm>>
      %dma_wait3A_16 = tpu.memref_slice %arg2[%mul3A_9] : memref<163840xi32, #tpu.memory_space<hbm>> -> memref<5120xi32, #tpu.memory_space<hbm>>
      tpu.wait_dma2 semaphore(%run_scoped3A : memref<!tpu.dma_semaphore, #tpu.memory_space<semaphore_mem>>) src(%dma_wait3A_16 : memref<5120xi32, #tpu.memory_space<hbm>>) dst(%arg4 : memref<5120xi32, #tpu.memory_space<vmem>>)
      tpu.yield
    }) : () -> ()
    %scan3A_10 = arith.constant 0 : i32
    %scan3A_11 = arith.constant 320 : i32
    %scan3A_12 = arith.addi %scan3A_10, %scan3A_11 : i32
    %scan3A_13 = arith.constant 1 : i32
    scf.for %scan3A_15 = %scan3A_10 to %scan3A_12 step %scan3A_13  : i32 {
      %mul3A_16 = arith.constant 1 : i32
      %mul3A_17 = arith.muli %scan3A_15, %mul3A_16 : i32
      %add3A_18 = arith.constant 0 : i32
      %add3A_19 = arith.addi %add3A_18, %mul3A_17 : i32
      %mul3A_20 = arith.constant 16 : i32
      %mul3A_21 = arith.muli %add3A_19, %mul3A_20 : i32
      %get3A = arith.index_cast %mul3A_21 : i32 to index
      %get3A_22 = tpu.vector_load %arg4[%get3A] {strides = array<i32>} : memref<5120xi32, #tpu.memory_space<vmem>>, vector<16xi32>,
      tpu.vector_store_idx %arg5[%get3A_22], %broadcast_in_dim3A_3 {add = true} : memref<10240xf32, #tpu.memory_space<vmem>>[vector<16xi32>], vector<16xf32>,
    }
    %scan3A_14 = arith.constant 320 : i32
    "tpu.region"() ({
      %run_scoped3A = tpu.sem_alloc : memref<!tpu.dma_semaphore, #tpu.memory_space<semaphore_mem>>
      %dma_start3A = arith.constant 0 : i32
      %dma_start3A_15 = tpu.memref_slice %arg3[%add3A, %dma_start3A] : memref<32x10240xf32, #tpu.memory_space<hbm>> -> memref<1x10240xf32, #tpu.memory_space<hbm>>
      %dma_start3A_16 = tpu.memref_squeeze %dma_start3A_15 : memref<1x10240xf32, #tpu.memory_space<hbm>> -> memref<10240xf32, #tpu.memory_space<hbm>>
      %dma_start3A_17 = arith.constant 0 : i32
      %dma_start3A_18 = tpu.memref_slice %arg3[%add3A, %dma_start3A_17] : memref<32x10240xf32, #tpu.memory_space<hbm>> -> memref<1x10240xf32, #tpu.memory_space<hbm>>
      %dma_start3A_19 = tpu.memref_squeeze %dma_start3A_18 : memref<1x10240xf32, #tpu.memory_space<hbm>> -> memref<10240xf32, #tpu.memory_space<hbm>>
      tpu.enqueue_dma source(%arg5 : memref<10240xf32, #tpu.memory_space<vmem>>) target(%dma_start3A_19 : memref<10240xf32, #tpu.memory_space<hbm>>) target_semaphore(%run_scoped3A : memref<!tpu.dma_semaphore, #tpu.memory_space<semaphore_mem>>)
      %dma_wait3A = arith.constant 0 : i32
      %dma_wait3A_20 = tpu.memref_slice %arg3[%add3A, %dma_wait3A] : memref<32x10240xf32, #tpu.memory_space<hbm>> -> memref<1x10240xf32, #tpu.memory_space<hbm>>
      %dma_wait3A_21 = tpu.memref_squeeze %dma_wait3A_20 : memref<1x10240xf32, #tpu.memory_space<hbm>> -> memref<10240xf32, #tpu.memory_space<hbm>>
      %dma_wait3A_22 = arith.constant 0 : i32
      %dma_wait3A_23 = tpu.memref_slice %arg3[%add3A, %dma_wait3A_22] : memref<32x10240xf32, #tpu.memory_space<hbm>> -> memref<1x10240xf32, #tpu.memory_space<hbm>>
      %dma_wait3A_24 = tpu.memref_squeeze %dma_wait3A_23 : memref<1x10240xf32, #tpu.memory_space<hbm>> -> memref<10240xf32, #tpu.memory_space<hbm>>
      tpu.wait_dma2 semaphore(%run_scoped3A : memref<!tpu.dma_semaphore, #tpu.memory_space<semaphore_mem>>) src(%arg5 : memref<10240xf32, #tpu.memory_space<vmem>>) dst(%dma_wait3A_24 : memref<10240xf32, #tpu.memory_space<hbm>>)
      tpu.yield
    }) : () -> ()
    return
  }
}

#map = affine_map<(d0, d1) -> (0, 0)>
#map1 = affine_map<(d0, d1) -> (0, 0, 0, 0, 0)>
#map2 = affine_map<(d0, d1) -> (0, 0, 0, 0)>
#map3 = affine_map<(d0, d1) -> (0)>
#map4 = affine_map<(d0, d1) -> (0, 0, 0)>
module attributes {stable_mosaic.version = 14 : i64} {
  func.func @_sc_scatter(%arg0: i32, %arg1: i32, %arg2: memref<20480x128xf32, #tpu.memory_space<hbm>>, %arg3: memref<2x16x2x40x128xi32, #tpu.memory_space<hbm>>, %arg4: memref<16x2x40x128xi32, #tpu.memory_space<hbm>>, %arg5: memref<128xi32, #tpu.memory_space<hbm>>, %arg6: memref<2x128x128xf32, #tpu.memory_space<hbm>>, %arg7: memref<40x128xi32, #tpu.memory_space<vmem>>, %arg8: memref<40x128xi32, #tpu.memory_space<vmem>>, %arg9: memref<128x128xf32, #tpu.memory_space<vmem>>, %arg10: memref<128x128xf32, #tpu.memory_space<vmem>>, %arg11: memref<10240x128xf32, #tpu.memory_space<vmem_shared>>, %arg12: memref<!tpu.dma_semaphore, #tpu.memory_space<semaphore_mem>>, %arg13: memref<!tpu.dma_semaphore, #tpu.memory_space<semaphore_mem>>) attributes {dimension_semantics = [#tpu.dimension_semantics<core_parallel>, #tpu.dimension_semantics<subcore_parallel>], iteration_bounds = array<i64: 2, 16>, scalar_prefetch = 0 : i64, scratch_operands = 7 : i64, tpu.core_type = #tpu.core_type<sc_vector_subcore>, window_params = [{transform_indices = #map}, {transform_indices = #map1}, {transform_indices = #map2}, {transform_indices = #map3}, {transform_indices = #map4}]} {
    %broadcast_in_dim3A = arith.constant 0.000000e+00 : f32
    %broadcast_in_dim3A_0 = vector.broadcast %broadcast_in_dim3A : f32 to vector<16xf32>
    %scan3A = arith.constant 0 : i32
    %scan3A_1 = arith.constant 128 : i32
    %scan3A_2 = arith.addi %scan3A, %scan3A_1 : i32
    %scan3A_3 = arith.constant 1 : i32
    scf.for %scan3A_174 = %scan3A to %scan3A_2 step %scan3A_3  : i32 {
      %mul3A_175 = arith.constant 1 : i32
      %mul3A_176 = arith.muli %scan3A_174, %mul3A_175 : i32
      %add3A_177 = arith.constant 0 : i32
      %add3A_178 = arith.addi %add3A_177, %mul3A_176 : i32
      %scan3A_179 = arith.constant 0 : i32
      %scan3A_180 = arith.constant 8 : i32
      %scan3A_181 = arith.addi %scan3A_179, %scan3A_180 : i32
      %scan3A_182 = arith.constant 1 : i32
      scf.for %scan3A_184 = %scan3A_179 to %scan3A_181 step %scan3A_182  : i32 {
        %mul3A_185 = arith.constant 1 : i32
        %mul3A_186 = arith.muli %scan3A_184, %mul3A_185 : i32
        %add3A_187 = arith.constant 0 : i32
        %add3A_188 = arith.addi %add3A_187, %mul3A_186 : i32
        %mul3A_189 = arith.constant 16 : i32
        %mul3A_190 = arith.muli %add3A_188, %mul3A_189 : i32
        %swap3A = arith.index_cast %add3A_178 : i32 to index
        %swap3A_191 = arith.index_cast %mul3A_190 : i32 to index
        %swap3A_192 = tpu.vector_load %arg9[%swap3A, %swap3A_191] {strides = array<i32>} : memref<128x128xf32, #tpu.memory_space<vmem>>, vector<16xf32>,
        tpu.vector_store %arg9[%swap3A, %swap3A_191], %broadcast_in_dim3A_0 {strides = array<i32>} : memref<128x128xf32, #tpu.memory_space<vmem>>, vector<16xf32>,
      }
      %scan3A_183 = arith.constant 8 : i32
    }
    %scan3A_4 = arith.constant 128 : i32
    %dma_start3A = arith.constant 0 : i32
    %dma_start3A_5 = arith.constant 0 : i32
    %dma_start3A_6 = arith.constant 0 : i32
    %dma_start3A_7 = tpu.memref_slice %arg3[%arg0, %arg1, %dma_start3A, %dma_start3A_5, %dma_start3A_6] : memref<2x16x2x40x128xi32, #tpu.memory_space<hbm>> -> memref<1x1x1x40x128xi32, #tpu.memory_space<hbm>>
    %dma_start3A_8 = tpu.memref_squeeze %dma_start3A_7 : memref<1x1x1x40x128xi32, #tpu.memory_space<hbm>> -> memref<40x128xi32, #tpu.memory_space<hbm>>
    %dma_start3A_9 = arith.constant 0 : i32
    %dma_start3A_10 = arith.constant 0 : i32
    %dma_start3A_11 = tpu.memref_slice %arg3[%arg0, %arg1, %dma_start3A, %dma_start3A_9, %dma_start3A_10] : memref<2x16x2x40x128xi32, #tpu.memory_space<hbm>> -> memref<1x1x1x40x128xi32, #tpu.memory_space<hbm>>
    %dma_start3A_12 = tpu.memref_squeeze %dma_start3A_11 : memref<1x1x1x40x128xi32, #tpu.memory_space<hbm>> -> memref<40x128xi32, #tpu.memory_space<hbm>>
    tpu.enqueue_dma source(%dma_start3A_12 : memref<40x128xi32, #tpu.memory_space<hbm>>) target(%arg7 : memref<40x128xi32, #tpu.memory_space<vmem>>) target_semaphore(%arg13 : memref<!tpu.dma_semaphore, #tpu.memory_space<semaphore_mem>>)
    %mul3A = arith.constant 640 : i32
    %mul3A_13 = arith.muli %arg1, %mul3A : i32
    %add3A = arith.constant 0 : i32
    %add3A_14 = arith.addi %mul3A_13, %add3A : i32
    %dma_start3A_15 = arith.constant 0 : i32
    %dma_start3A_16 = tpu.memref_slice %arg11[%add3A_14, %dma_start3A_15] : memref<10240x128xf32, #tpu.memory_space<vmem_shared>> -> memref<128x128xf32, #tpu.memory_space<vmem_shared>>
    %dma_start3A_17 = arith.constant 0 : i32
    %dma_start3A_18 = tpu.memref_slice %arg11[%add3A_14, %dma_start3A_17] : memref<10240x128xf32, #tpu.memory_space<vmem_shared>> -> memref<128x128xf32, #tpu.memory_space<vmem_shared>>
    tpu.enqueue_dma source(%arg9 : memref<128x128xf32, #tpu.memory_space<vmem>>) target(%dma_start3A_18 : memref<128x128xf32, #tpu.memory_space<vmem_shared>>) target_semaphore(%arg12 : memref<!tpu.dma_semaphore, #tpu.memory_space<semaphore_mem>>)
    %mul3A_19 = arith.constant 640 : i32
    %mul3A_20 = arith.muli %arg1, %mul3A_19 : i32
    %add3A_21 = arith.constant 128 : i32
    %add3A_22 = arith.addi %mul3A_20, %add3A_21 : i32
    %dma_start3A_23 = arith.constant 0 : i32
    %dma_start3A_24 = tpu.memref_slice %arg11[%add3A_22, %dma_start3A_23] : memref<10240x128xf32, #tpu.memory_space<vmem_shared>> -> memref<128x128xf32, #tpu.memory_space<vmem_shared>>
    %dma_start3A_25 = arith.constant 0 : i32
    %dma_start3A_26 = tpu.memref_slice %arg11[%add3A_22, %dma_start3A_25] : memref<10240x128xf32, #tpu.memory_space<vmem_shared>> -> memref<128x128xf32, #tpu.memory_space<vmem_shared>>
    tpu.enqueue_dma source(%arg9 : memref<128x128xf32, #tpu.memory_space<vmem>>) target(%dma_start3A_26 : memref<128x128xf32, #tpu.memory_space<vmem_shared>>) target_semaphore(%arg12 : memref<!tpu.dma_semaphore, #tpu.memory_space<semaphore_mem>>)
    %mul3A_27 = arith.constant 640 : i32
    %mul3A_28 = arith.muli %arg1, %mul3A_27 : i32
    %add3A_29 = arith.constant 256 : i32
    %add3A_30 = arith.addi %mul3A_28, %add3A_29 : i32
    %dma_start3A_31 = arith.constant 0 : i32
    %dma_start3A_32 = tpu.memref_slice %arg11[%add3A_30, %dma_start3A_31] : memref<10240x128xf32, #tpu.memory_space<vmem_shared>> -> memref<128x128xf32, #tpu.memory_space<vmem_shared>>
    %dma_start3A_33 = arith.constant 0 : i32
    %dma_start3A_34 = tpu.memref_slice %arg11[%add3A_30, %dma_start3A_33] : memref<10240x128xf32, #tpu.memory_space<vmem_shared>> -> memref<128x128xf32, #tpu.memory_space<vmem_shared>>
    tpu.enqueue_dma source(%arg9 : memref<128x128xf32, #tpu.memory_space<vmem>>) target(%dma_start3A_34 : memref<128x128xf32, #tpu.memory_space<vmem_shared>>) target_semaphore(%arg12 : memref<!tpu.dma_semaphore, #tpu.memory_space<semaphore_mem>>)
    %mul3A_35 = arith.constant 640 : i32
    %mul3A_36 = arith.muli %arg1, %mul3A_35 : i32
    %add3A_37 = arith.constant 384 : i32
    %add3A_38 = arith.addi %mul3A_36, %add3A_37 : i32
    %dma_start3A_39 = arith.constant 0 : i32
    %dma_start3A_40 = tpu.memref_slice %arg11[%add3A_38, %dma_start3A_39] : memref<10240x128xf32, #tpu.memory_space<vmem_shared>> -> memref<128x128xf32, #tpu.memory_space<vmem_shared>>
    %dma_start3A_41 = arith.constant 0 : i32
    %dma_start3A_42 = tpu.memref_slice %arg11[%add3A_38, %dma_start3A_41] : memref<10240x128xf32, #tpu.memory_space<vmem_shared>> -> memref<128x128xf32, #tpu.memory_space<vmem_shared>>
    tpu.enqueue_dma source(%arg9 : memref<128x128xf32, #tpu.memory_space<vmem>>) target(%dma_start3A_42 : memref<128x128xf32, #tpu.memory_space<vmem_shared>>) target_semaphore(%arg12 : memref<!tpu.dma_semaphore, #tpu.memory_space<semaphore_mem>>)
    %mul3A_43 = arith.constant 640 : i32
    %mul3A_44 = arith.muli %arg1, %mul3A_43 : i32
    %add3A_45 = arith.constant 512 : i32
    %add3A_46 = arith.addi %mul3A_44, %add3A_45 : i32
    %dma_start3A_47 = arith.constant 0 : i32
    %dma_start3A_48 = tpu.memref_slice %arg11[%add3A_46, %dma_start3A_47] : memref<10240x128xf32, #tpu.memory_space<vmem_shared>> -> memref<128x128xf32, #tpu.memory_space<vmem_shared>>
    %dma_start3A_49 = arith.constant 0 : i32
    %dma_start3A_50 = tpu.memref_slice %arg11[%add3A_46, %dma_start3A_49] : memref<10240x128xf32, #tpu.memory_space<vmem_shared>> -> memref<128x128xf32, #tpu.memory_space<vmem_shared>>
    tpu.enqueue_dma source(%arg9 : memref<128x128xf32, #tpu.memory_space<vmem>>) target(%dma_start3A_50 : memref<128x128xf32, #tpu.memory_space<vmem_shared>>) target_semaphore(%arg12 : memref<!tpu.dma_semaphore, #tpu.memory_space<semaphore_mem>>)
    %run_scoped3A = arith.constant 0 : i32
    "tpu.region"() ({
      %run_scoped3A_174 = tpu.sem_alloc : memref<!tpu.dma_semaphore, #tpu.memory_space<semaphore_mem>>
      %dma_start3A_175 = arith.constant 0 : i32
      %dma_start3A_176 = arith.constant 0 : i32
      %dma_start3A_177 = tpu.memref_slice %arg4[%arg1, %run_scoped3A, %dma_start3A_175, %dma_start3A_176] : memref<16x2x40x128xi32, #tpu.memory_space<hbm>> -> memref<1x1x40x128xi32, #tpu.memory_space<hbm>>
      %dma_start3A_178 = tpu.memref_squeeze %dma_start3A_177 : memref<1x1x40x128xi32, #tpu.memory_space<hbm>> -> memref<40x128xi32, #tpu.memory_space<hbm>>
      %dma_start3A_179 = arith.constant 0 : i32
      %dma_start3A_180 = arith.constant 0 : i32
      %dma_start3A_181 = tpu.memref_slice %arg4[%arg1, %run_scoped3A, %dma_start3A_179, %dma_start3A_180] : memref<16x2x40x128xi32, #tpu.memory_space<hbm>> -> memref<1x1x40x128xi32, #tpu.memory_space<hbm>>
      %dma_start3A_182 = tpu.memref_squeeze %dma_start3A_181 : memref<1x1x40x128xi32, #tpu.memory_space<hbm>> -> memref<40x128xi32, #tpu.memory_space<hbm>>
      tpu.enqueue_dma source(%dma_start3A_182 : memref<40x128xi32, #tpu.memory_space<hbm>>) target(%arg8 : memref<40x128xi32, #tpu.memory_space<vmem>>) target_semaphore(%run_scoped3A_174 : memref<!tpu.dma_semaphore, #tpu.memory_space<semaphore_mem>>)
      %dma_wait3A_183 = arith.constant 0 : i32
      %dma_wait3A_184 = arith.constant 0 : i32
      %dma_wait3A_185 = tpu.memref_slice %arg4[%arg1, %run_scoped3A, %dma_wait3A_183, %dma_wait3A_184] : memref<16x2x40x128xi32, #tpu.memory_space<hbm>> -> memref<1x1x40x128xi32, #tpu.memory_space<hbm>>
      %dma_wait3A_186 = tpu.memref_squeeze %dma_wait3A_185 : memref<1x1x40x128xi32, #tpu.memory_space<hbm>> -> memref<40x128xi32, #tpu.memory_space<hbm>>
      %dma_wait3A_187 = arith.constant 0 : i32
      %dma_wait3A_188 = arith.constant 0 : i32
      %dma_wait3A_189 = tpu.memref_slice %arg4[%arg1, %run_scoped3A, %dma_wait3A_187, %dma_wait3A_188] : memref<16x2x40x128xi32, #tpu.memory_space<hbm>> -> memref<1x1x40x128xi32, #tpu.memory_space<hbm>>
      %dma_wait3A_190 = tpu.memref_squeeze %dma_wait3A_189 : memref<1x1x40x128xi32, #tpu.memory_space<hbm>> -> memref<40x128xi32, #tpu.memory_space<hbm>>
      tpu.wait_dma2 semaphore(%run_scoped3A_174 : memref<!tpu.dma_semaphore, #tpu.memory_space<semaphore_mem>>) src(%dma_wait3A_190 : memref<40x128xi32, #tpu.memory_space<hbm>>) dst(%arg8 : memref<40x128xi32, #tpu.memory_space<vmem>>)
      tpu.yield
    }) : () -> ()
    %dma_wait3A = arith.constant 0 : i32
    %dma_wait3A_51 = arith.constant 0 : i32
    %dma_wait3A_52 = arith.constant 0 : i32
    %dma_wait3A_53 = tpu.memref_slice %arg3[%arg0, %arg1, %dma_wait3A, %dma_wait3A_51, %dma_wait3A_52] : memref<2x16x2x40x128xi32, #tpu.memory_space<hbm>> -> memref<1x1x1x40x128xi32, #tpu.memory_space<hbm>>
    %dma_wait3A_54 = tpu.memref_squeeze %dma_wait3A_53 : memref<1x1x1x40x128xi32, #tpu.memory_space<hbm>> -> memref<40x128xi32, #tpu.memory_space<hbm>>
    %dma_wait3A_55 = arith.constant 0 : i32
    %dma_wait3A_56 = arith.constant 0 : i32
    %dma_wait3A_57 = tpu.memref_slice %arg3[%arg0, %arg1, %dma_wait3A, %dma_wait3A_55, %dma_wait3A_56] : memref<2x16x2x40x128xi32, #tpu.memory_space<hbm>> -> memref<1x1x1x40x128xi32, #tpu.memory_space<hbm>>
    %dma_wait3A_58 = tpu.memref_squeeze %dma_wait3A_57 : memref<1x1x1x40x128xi32, #tpu.memory_space<hbm>> -> memref<40x128xi32, #tpu.memory_space<hbm>>
    tpu.wait_dma2 semaphore(%arg13 : memref<!tpu.dma_semaphore, #tpu.memory_space<semaphore_mem>>) src(%dma_wait3A_58 : memref<40x128xi32, #tpu.memory_space<hbm>>) dst(%arg7 : memref<40x128xi32, #tpu.memory_space<vmem>>)
    %mul3A_59 = arith.constant 640 : i32
    %mul3A_60 = arith.muli %arg1, %mul3A_59 : i32
    %add3A_61 = arith.constant 0 : i32
    %add3A_62 = arith.addi %mul3A_60, %add3A_61 : i32
    %dma_wait3A_63 = arith.constant 0 : i32
    %dma_wait3A_64 = tpu.memref_slice %arg11[%add3A_62, %dma_wait3A_63] : memref<10240x128xf32, #tpu.memory_space<vmem_shared>> -> memref<128x128xf32, #tpu.memory_space<vmem_shared>>
    %dma_wait3A_65 = arith.constant 0 : i32
    %dma_wait3A_66 = tpu.memref_slice %arg11[%add3A_62, %dma_wait3A_65] : memref<10240x128xf32, #tpu.memory_space<vmem_shared>> -> memref<128x128xf32, #tpu.memory_space<vmem_shared>>
    tpu.wait_dma2 semaphore(%arg12 : memref<!tpu.dma_semaphore, #tpu.memory_space<semaphore_mem>>) src(%arg9 : memref<128x128xf32, #tpu.memory_space<vmem>>) dst(%dma_wait3A_66 : memref<128x128xf32, #tpu.memory_space<vmem_shared>>)
    %mul3A_67 = arith.constant 640 : i32
    %mul3A_68 = arith.muli %arg1, %mul3A_67 : i32
    %add3A_69 = arith.constant 128 : i32
    %add3A_70 = arith.addi %mul3A_68, %add3A_69 : i32
    %dma_wait3A_71 = arith.constant 0 : i32
    %dma_wait3A_72 = tpu.memref_slice %arg11[%add3A_70, %dma_wait3A_71] : memref<10240x128xf32, #tpu.memory_space<vmem_shared>> -> memref<128x128xf32, #tpu.memory_space<vmem_shared>>
    %dma_wait3A_73 = arith.constant 0 : i32
    %dma_wait3A_74 = tpu.memref_slice %arg11[%add3A_70, %dma_wait3A_73] : memref<10240x128xf32, #tpu.memory_space<vmem_shared>> -> memref<128x128xf32, #tpu.memory_space<vmem_shared>>
    tpu.wait_dma2 semaphore(%arg12 : memref<!tpu.dma_semaphore, #tpu.memory_space<semaphore_mem>>) src(%arg9 : memref<128x128xf32, #tpu.memory_space<vmem>>) dst(%dma_wait3A_74 : memref<128x128xf32, #tpu.memory_space<vmem_shared>>)
    %mul3A_75 = arith.constant 640 : i32
    %mul3A_76 = arith.muli %arg1, %mul3A_75 : i32
    %add3A_77 = arith.constant 256 : i32
    %add3A_78 = arith.addi %mul3A_76, %add3A_77 : i32
    %dma_wait3A_79 = arith.constant 0 : i32
    %dma_wait3A_80 = tpu.memref_slice %arg11[%add3A_78, %dma_wait3A_79] : memref<10240x128xf32, #tpu.memory_space<vmem_shared>> -> memref<128x128xf32, #tpu.memory_space<vmem_shared>>
    %dma_wait3A_81 = arith.constant 0 : i32
    %dma_wait3A_82 = tpu.memref_slice %arg11[%add3A_78, %dma_wait3A_81] : memref<10240x128xf32, #tpu.memory_space<vmem_shared>> -> memref<128x128xf32, #tpu.memory_space<vmem_shared>>
    tpu.wait_dma2 semaphore(%arg12 : memref<!tpu.dma_semaphore, #tpu.memory_space<semaphore_mem>>) src(%arg9 : memref<128x128xf32, #tpu.memory_space<vmem>>) dst(%dma_wait3A_82 : memref<128x128xf32, #tpu.memory_space<vmem_shared>>)
    %mul3A_83 = arith.constant 640 : i32
    %mul3A_84 = arith.muli %arg1, %mul3A_83 : i32
    %add3A_85 = arith.constant 384 : i32
    %add3A_86 = arith.addi %mul3A_84, %add3A_85 : i32
    %dma_wait3A_87 = arith.constant 0 : i32
    %dma_wait3A_88 = tpu.memref_slice %arg11[%add3A_86, %dma_wait3A_87] : memref<10240x128xf32, #tpu.memory_space<vmem_shared>> -> memref<128x128xf32, #tpu.memory_space<vmem_shared>>
    %dma_wait3A_89 = arith.constant 0 : i32
    %dma_wait3A_90 = tpu.memref_slice %arg11[%add3A_86, %dma_wait3A_89] : memref<10240x128xf32, #tpu.memory_space<vmem_shared>> -> memref<128x128xf32, #tpu.memory_space<vmem_shared>>
    tpu.wait_dma2 semaphore(%arg12 : memref<!tpu.dma_semaphore, #tpu.memory_space<semaphore_mem>>) src(%arg9 : memref<128x128xf32, #tpu.memory_space<vmem>>) dst(%dma_wait3A_90 : memref<128x128xf32, #tpu.memory_space<vmem_shared>>)
    %mul3A_91 = arith.constant 640 : i32
    %mul3A_92 = arith.muli %arg1, %mul3A_91 : i32
    %add3A_93 = arith.constant 512 : i32
    %add3A_94 = arith.addi %mul3A_92, %add3A_93 : i32
    %dma_wait3A_95 = arith.constant 0 : i32
    %dma_wait3A_96 = tpu.memref_slice %arg11[%add3A_94, %dma_wait3A_95] : memref<10240x128xf32, #tpu.memory_space<vmem_shared>> -> memref<128x128xf32, #tpu.memory_space<vmem_shared>>
    %dma_wait3A_97 = arith.constant 0 : i32
    %dma_wait3A_98 = tpu.memref_slice %arg11[%add3A_94, %dma_wait3A_97] : memref<10240x128xf32, #tpu.memory_space<vmem_shared>> -> memref<128x128xf32, #tpu.memory_space<vmem_shared>>
    tpu.wait_dma2 semaphore(%arg12 : memref<!tpu.dma_semaphore, #tpu.memory_space<semaphore_mem>>) src(%arg9 : memref<128x128xf32, #tpu.memory_space<vmem>>) dst(%dma_wait3A_98 : memref<128x128xf32, #tpu.memory_space<vmem_shared>>)
    %barrier3A = arith.constant 0 : index
    tpu.barrier barrier_id(%barrier3A)
    %dma_start3A_99 = arith.constant 0 : i32
    %dma_start3A_100 = arith.constant 0 : i32
    %dma_start3A_101 = tpu.memref_slice %arg7[%dma_start3A_99, %dma_start3A_100] : memref<40x128xi32, #tpu.memory_space<vmem>> -> memref<1x128xi32, #tpu.memory_space<vmem>>
    %dma_start3A_102 = tpu.memref_squeeze %dma_start3A_101 : memref<1x128xi32, #tpu.memory_space<vmem>> -> memref<128xi32, #tpu.memory_space<vmem>>
    %dma_start3A_103 = arith.constant 0 : i32
    %dma_start3A_104 = arith.constant 0 : i32
    %dma_start3A_105 = tpu.memref_slice %arg2[%dma_start3A_103, %dma_start3A_104] : memref<20480x128xf32, #tpu.memory_space<hbm>> -> memref<20480x128xf32, #tpu.memory_space<hbm>>
    tpu.enqueue_indirect_dma source(%dma_start3A_105 : memref<20480x128xf32, #tpu.memory_space<hbm>>) target(%arg9 : memref<128x128xf32, #tpu.memory_space<vmem>>) offsets(%dma_start3A_102 : memref<128xi32, #tpu.memory_space<vmem>>) semaphore(%arg12 : memref<!tpu.dma_semaphore, #tpu.memory_space<semaphore_mem>>)
    %scan3A_106 = arith.constant 0 : i32
    %scan3A_107 = arith.constant 19 : i32
    %scan3A_108 = arith.addi %scan3A_106, %scan3A_107 : i32
    %scan3A_109 = arith.constant 1 : i32
    scf.for %scan3A_174 = %scan3A_106 to %scan3A_108 step %scan3A_109  : i32 {
      %mul3A_175 = arith.constant 1 : i32
      %mul3A_176 = arith.muli %scan3A_174, %mul3A_175 : i32
      %add3A_177 = arith.constant 0 : i32
      %add3A_178 = arith.addi %add3A_177, %mul3A_176 : i32
      %mul3A_179 = arith.constant 2 : i32
      %mul3A_180 = arith.muli %mul3A_179, %add3A_178 : i32
      %add3A_181 = arith.constant 1 : i32
      %add3A_182 = arith.addi %mul3A_180, %add3A_181 : i32
      %dma_start3A_183 = arith.constant 0 : i32
      %dma_start3A_184 = tpu.memref_slice %arg7[%add3A_182, %dma_start3A_183] : memref<40x128xi32, #tpu.memory_space<vmem>> -> memref<1x128xi32, #tpu.memory_space<vmem>>
      %dma_start3A_185 = tpu.memref_squeeze %dma_start3A_184 : memref<1x128xi32, #tpu.memory_space<vmem>> -> memref<128xi32, #tpu.memory_space<vmem>>
      %dma_start3A_186 = arith.constant 0 : i32
      %dma_start3A_187 = arith.constant 0 : i32
      %dma_start3A_188 = tpu.memref_slice %arg2[%dma_start3A_186, %dma_start3A_187] : memref<20480x128xf32, #tpu.memory_space<hbm>> -> memref<20480x128xf32, #tpu.memory_space<hbm>>
      tpu.enqueue_indirect_dma source(%dma_start3A_188 : memref<20480x128xf32, #tpu.memory_space<hbm>>) target(%arg10 : memref<128x128xf32, #tpu.memory_space<vmem>>) offsets(%dma_start3A_185 : memref<128xi32, #tpu.memory_space<vmem>>) semaphore(%arg13 : memref<!tpu.dma_semaphore, #tpu.memory_space<semaphore_mem>>)
      %dma_wait3A_189 = arith.constant 0 : i32
      %dma_wait3A_190 = tpu.memref_slice %arg7[%mul3A_180, %dma_wait3A_189] : memref<40x128xi32, #tpu.memory_space<vmem>> -> memref<1x128xi32, #tpu.memory_space<vmem>>
      %dma_wait3A_191 = tpu.memref_squeeze %dma_wait3A_190 : memref<1x128xi32, #tpu.memory_space<vmem>> -> memref<128xi32, #tpu.memory_space<vmem>>
      %dma_wait3A_192 = arith.constant 0 : i32
      %dma_wait3A_193 = arith.constant 0 : i32
      %dma_wait3A_194 = tpu.memref_slice %arg2[%dma_wait3A_192, %dma_wait3A_193] : memref<20480x128xf32, #tpu.memory_space<hbm>> -> memref<20480x128xf32, #tpu.memory_space<hbm>>
      tpu.wait_indirect_dma semaphore(%arg12 : memref<!tpu.dma_semaphore, #tpu.memory_space<semaphore_mem>>) src(%dma_wait3A_194 : memref<20480x128xf32, #tpu.memory_space<hbm>>) dst(%arg9 : memref<128x128xf32, #tpu.memory_space<vmem>>)
      "tpu.region"() ({
        %run_scoped3A_213 = tpu.sem_alloc : memref<!tpu.dma_semaphore, #tpu.memory_space<semaphore_mem>>
        %dma_start3A_214 = arith.constant 0 : i32
        %dma_start3A_215 = tpu.memref_slice %arg8[%mul3A_180, %dma_start3A_214] : memref<40x128xi32, #tpu.memory_space<vmem>> -> memref<1x128xi32, #tpu.memory_space<vmem>>
        %dma_start3A_216 = tpu.memref_squeeze %dma_start3A_215 : memref<1x128xi32, #tpu.memory_space<vmem>> -> memref<128xi32, #tpu.memory_space<vmem>>
        %dma_start3A_217 = arith.constant 0 : i32
        %dma_start3A_218 = arith.constant 0 : i32
        %dma_start3A_219 = tpu.memref_slice %arg11[%dma_start3A_217, %dma_start3A_218] : memref<10240x128xf32, #tpu.memory_space<vmem_shared>> -> memref<10240x128xf32, #tpu.memory_space<vmem_shared>>
        tpu.enqueue_indirect_dma source(%arg9 : memref<128x128xf32, #tpu.memory_space<vmem>>) target(%dma_start3A_219 : memref<10240x128xf32, #tpu.memory_space<vmem_shared>>) offsets(%dma_start3A_216 : memref<128xi32, #tpu.memory_space<vmem>>) semaphore(%run_scoped3A_213 : memref<!tpu.dma_semaphore, #tpu.memory_space<semaphore_mem>>) {add = true}
        %dma_wait3A_220 = arith.constant 0 : i32
        %dma_wait3A_221 = tpu.memref_slice %arg8[%mul3A_180, %dma_wait3A_220] : memref<40x128xi32, #tpu.memory_space<vmem>> -> memref<1x128xi32, #tpu.memory_space<vmem>>
        %dma_wait3A_222 = tpu.memref_squeeze %dma_wait3A_221 : memref<1x128xi32, #tpu.memory_space<vmem>> -> memref<128xi32, #tpu.memory_space<vmem>>
        %dma_wait3A_223 = arith.constant 0 : i32
        %dma_wait3A_224 = arith.constant 0 : i32
        %dma_wait3A_225 = tpu.memref_slice %arg11[%dma_wait3A_223, %dma_wait3A_224] : memref<10240x128xf32, #tpu.memory_space<vmem_shared>> -> memref<10240x128xf32, #tpu.memory_space<vmem_shared>>
        tpu.wait_indirect_dma semaphore(%run_scoped3A_213 : memref<!tpu.dma_semaphore, #tpu.memory_space<semaphore_mem>>) src(%arg9 : memref<128x128xf32, #tpu.memory_space<vmem>>) dst(%dma_wait3A_225 : memref<10240x128xf32, #tpu.memory_space<vmem_shared>>)
        tpu.yield
      }) : () -> ()
      %add3A_195 = arith.constant 2 : i32
      %add3A_196 = arith.addi %mul3A_180, %add3A_195 : i32
      %dma_start3A_197 = arith.constant 0 : i32
      %dma_start3A_198 = tpu.memref_slice %arg7[%add3A_196, %dma_start3A_197] : memref<40x128xi32, #tpu.memory_space<vmem>> -> memref<1x128xi32, #tpu.memory_space<vmem>>
      %dma_start3A_199 = tpu.memref_squeeze %dma_start3A_198 : memref<1x128xi32, #tpu.memory_space<vmem>> -> memref<128xi32, #tpu.memory_space<vmem>>
      %dma_start3A_200 = arith.constant 0 : i32
      %dma_start3A_201 = arith.constant 0 : i32
      %dma_start3A_202 = tpu.memref_slice %arg2[%dma_start3A_200, %dma_start3A_201] : memref<20480x128xf32, #tpu.memory_space<hbm>> -> memref<20480x128xf32, #tpu.memory_space<hbm>>
      tpu.enqueue_indirect_dma source(%dma_start3A_202 : memref<20480x128xf32, #tpu.memory_space<hbm>>) target(%arg9 : memref<128x128xf32, #tpu.memory_space<vmem>>) offsets(%dma_start3A_199 : memref<128xi32, #tpu.memory_space<vmem>>) semaphore(%arg12 : memref<!tpu.dma_semaphore, #tpu.memory_space<semaphore_mem>>)
      %add3A_203 = arith.constant 1 : i32
      %add3A_204 = arith.addi %mul3A_180, %add3A_203 : i32
      %dma_wait3A_205 = arith.constant 0 : i32
      %dma_wait3A_206 = tpu.memref_slice %arg7[%add3A_204, %dma_wait3A_205] : memref<40x128xi32, #tpu.memory_space<vmem>> -> memref<1x128xi32, #tpu.memory_space<vmem>>
      %dma_wait3A_207 = tpu.memref_squeeze %dma_wait3A_206 : memref<1x128xi32, #tpu.memory_space<vmem>> -> memref<128xi32, #tpu.memory_space<vmem>>
      %dma_wait3A_208 = arith.constant 0 : i32
      %dma_wait3A_209 = arith.constant 0 : i32
      %dma_wait3A_210 = tpu.memref_slice %arg2[%dma_wait3A_208, %dma_wait3A_209] : memref<20480x128xf32, #tpu.memory_space<hbm>> -> memref<20480x128xf32, #tpu.memory_space<hbm>>
      tpu.wait_indirect_dma semaphore(%arg13 : memref<!tpu.dma_semaphore, #tpu.memory_space<semaphore_mem>>) src(%dma_wait3A_210 : memref<20480x128xf32, #tpu.memory_space<hbm>>) dst(%arg10 : memref<128x128xf32, #tpu.memory_space<vmem>>)
      %add3A_211 = arith.constant 1 : i32
      %add3A_212 = arith.addi %mul3A_180, %add3A_211 : i32
      "tpu.region"() ({
        %run_scoped3A_213 = tpu.sem_alloc : memref<!tpu.dma_semaphore, #tpu.memory_space<semaphore_mem>>
        %dma_start3A_214 = arith.constant 0 : i32
        %dma_start3A_215 = tpu.memref_slice %arg8[%add3A_212, %dma_start3A_214] : memref<40x128xi32, #tpu.memory_space<vmem>> -> memref<1x128xi32, #tpu.memory_space<vmem>>
        %dma_start3A_216 = tpu.memref_squeeze %dma_start3A_215 : memref<1x128xi32, #tpu.memory_space<vmem>> -> memref<128xi32, #tpu.memory_space<vmem>>
        %dma_start3A_217 = arith.constant 0 : i32
        %dma_start3A_218 = arith.constant 0 : i32
        %dma_start3A_219 = tpu.memref_slice %arg11[%dma_start3A_217, %dma_start3A_218] : memref<10240x128xf32, #tpu.memory_space<vmem_shared>> -> memref<10240x128xf32, #tpu.memory_space<vmem_shared>>
        tpu.enqueue_indirect_dma source(%arg10 : memref<128x128xf32, #tpu.memory_space<vmem>>) target(%dma_start3A_219 : memref<10240x128xf32, #tpu.memory_space<vmem_shared>>) offsets(%dma_start3A_216 : memref<128xi32, #tpu.memory_space<vmem>>) semaphore(%run_scoped3A_213 : memref<!tpu.dma_semaphore, #tpu.memory_space<semaphore_mem>>) {add = true}
        %dma_wait3A_220 = arith.constant 0 : i32
        %dma_wait3A_221 = tpu.memref_slice %arg8[%add3A_212, %dma_wait3A_220] : memref<40x128xi32, #tpu.memory_space<vmem>> -> memref<1x128xi32, #tpu.memory_space<vmem>>
        %dma_wait3A_222 = tpu.memref_squeeze %dma_wait3A_221 : memref<1x128xi32, #tpu.memory_space<vmem>> -> memref<128xi32, #tpu.memory_space<vmem>>
        %dma_wait3A_223 = arith.constant 0 : i32
        %dma_wait3A_224 = arith.constant 0 : i32
        %dma_wait3A_225 = tpu.memref_slice %arg11[%dma_wait3A_223, %dma_wait3A_224] : memref<10240x128xf32, #tpu.memory_space<vmem_shared>> -> memref<10240x128xf32, #tpu.memory_space<vmem_shared>>
        tpu.wait_indirect_dma semaphore(%run_scoped3A_213 : memref<!tpu.dma_semaphore, #tpu.memory_space<semaphore_mem>>) src(%arg10 : memref<128x128xf32, #tpu.memory_space<vmem>>) dst(%dma_wait3A_225 : memref<10240x128xf32, #tpu.memory_space<vmem_shared>>)
        tpu.yield
      }) : () -> ()
    }
    %scan3A_110 = arith.constant 19 : i32
    %dma_start3A_111 = arith.constant 39 : i32
    %dma_start3A_112 = arith.constant 0 : i32
    %dma_start3A_113 = tpu.memref_slice %arg7[%dma_start3A_111, %dma_start3A_112] : memref<40x128xi32, #tpu.memory_space<vmem>> -> memref<1x128xi32, #tpu.memory_space<vmem>>
    %dma_start3A_114 = tpu.memref_squeeze %dma_start3A_113 : memref<1x128xi32, #tpu.memory_space<vmem>> -> memref<128xi32, #tpu.memory_space<vmem>>
    %dma_start3A_115 = arith.constant 0 : i32
    %dma_start3A_116 = arith.constant 0 : i32
    %dma_start3A_117 = tpu.memref_slice %arg2[%dma_start3A_115, %dma_start3A_116] : memref<20480x128xf32, #tpu.memory_space<hbm>> -> memref<20480x128xf32, #tpu.memory_space<hbm>>
    tpu.enqueue_indirect_dma source(%dma_start3A_117 : memref<20480x128xf32, #tpu.memory_space<hbm>>) target(%arg10 : memref<128x128xf32, #tpu.memory_space<vmem>>) offsets(%dma_start3A_114 : memref<128xi32, #tpu.memory_space<vmem>>) semaphore(%arg13 : memref<!tpu.dma_semaphore, #tpu.memory_space<semaphore_mem>>)
    %dma_wait3A_118 = arith.constant 38 : i32
    %dma_wait3A_119 = arith.constant 0 : i32
    %dma_wait3A_120 = tpu.memref_slice %arg7[%dma_wait3A_118, %dma_wait3A_119] : memref<40x128xi32, #tpu.memory_space<vmem>> -> memref<1x128xi32, #tpu.memory_space<vmem>>
    %dma_wait3A_121 = tpu.memref_squeeze %dma_wait3A_120 : memref<1x128xi32, #tpu.memory_space<vmem>> -> memref<128xi32, #tpu.memory_space<vmem>>
    %dma_wait3A_122 = arith.constant 0 : i32
    %dma_wait3A_123 = arith.constant 0 : i32
    %dma_wait3A_124 = tpu.memref_slice %arg2[%dma_wait3A_122, %dma_wait3A_123] : memref<20480x128xf32, #tpu.memory_space<hbm>> -> memref<20480x128xf32, #tpu.memory_space<hbm>>
    tpu.wait_indirect_dma semaphore(%arg12 : memref<!tpu.dma_semaphore, #tpu.memory_space<semaphore_mem>>) src(%dma_wait3A_124 : memref<20480x128xf32, #tpu.memory_space<hbm>>) dst(%arg9 : memref<128x128xf32, #tpu.memory_space<vmem>>)
    %run_scoped3A_125 = arith.constant 38 : i32
    "tpu.region"() ({
      %run_scoped3A_174 = tpu.sem_alloc : memref<!tpu.dma_semaphore, #tpu.memory_space<semaphore_mem>>
      %dma_start3A_175 = arith.constant 0 : i32
      %dma_start3A_176 = tpu.memref_slice %arg8[%run_scoped3A_125, %dma_start3A_175] : memref<40x128xi32, #tpu.memory_space<vmem>> -> memref<1x128xi32, #tpu.memory_space<vmem>>
      %dma_start3A_177 = tpu.memref_squeeze %dma_start3A_176 : memref<1x128xi32, #tpu.memory_space<vmem>> -> memref<128xi32, #tpu.memory_space<vmem>>
      %dma_start3A_178 = arith.constant 0 : i32
      %dma_start3A_179 = arith.constant 0 : i32
      %dma_start3A_180 = tpu.memref_slice %arg11[%dma_start3A_178, %dma_start3A_179] : memref<10240x128xf32, #tpu.memory_space<vmem_shared>> -> memref<10240x128xf32, #tpu.memory_space<vmem_shared>>
      tpu.enqueue_indirect_dma source(%arg9 : memref<128x128xf32, #tpu.memory_space<vmem>>) target(%dma_start3A_180 : memref<10240x128xf32, #tpu.memory_space<vmem_shared>>) offsets(%dma_start3A_177 : memref<128xi32, #tpu.memory_space<vmem>>) semaphore(%run_scoped3A_174 : memref<!tpu.dma_semaphore, #tpu.memory_space<semaphore_mem>>) {add = true}
      %dma_wait3A_181 = arith.constant 0 : i32
      %dma_wait3A_182 = tpu.memref_slice %arg8[%run_scoped3A_125, %dma_wait3A_181] : memref<40x128xi32, #tpu.memory_space<vmem>> -> memref<1x128xi32, #tpu.memory_space<vmem>>
      %dma_wait3A_183 = tpu.memref_squeeze %dma_wait3A_182 : memref<1x128xi32, #tpu.memory_space<vmem>> -> memref<128xi32, #tpu.memory_space<vmem>>
      %dma_wait3A_184 = arith.constant 0 : i32
      %dma_wait3A_185 = arith.constant 0 : i32
      %dma_wait3A_186 = tpu.memref_slice %arg11[%dma_wait3A_184, %dma_wait3A_185] : memref<10240x128xf32, #tpu.memory_space<vmem_shared>> -> memref<10240x128xf32, #tpu.memory_space<vmem_shared>>
      tpu.wait_indirect_dma semaphore(%run_scoped3A_174 : memref<!tpu.dma_semaphore, #tpu.memory_space<semaphore_mem>>) src(%arg9 : memref<128x128xf32, #tpu.memory_space<vmem>>) dst(%dma_wait3A_186 : memref<10240x128xf32, #tpu.memory_space<vmem_shared>>)
      tpu.yield
    }) : () -> ()
    %dma_wait3A_126 = arith.constant 39 : i32
    %dma_wait3A_127 = arith.constant 0 : i32
    %dma_wait3A_128 = tpu.memref_slice %arg7[%dma_wait3A_126, %dma_wait3A_127] : memref<40x128xi32, #tpu.memory_space<vmem>> -> memref<1x128xi32, #tpu.memory_space<vmem>>
    %dma_wait3A_129 = tpu.memref_squeeze %dma_wait3A_128 : memref<1x128xi32, #tpu.memory_space<vmem>> -> memref<128xi32, #tpu.memory_space<vmem>>
    %dma_wait3A_130 = arith.constant 0 : i32
    %dma_wait3A_131 = arith.constant 0 : i32
    %dma_wait3A_132 = tpu.memref_slice %arg2[%dma_wait3A_130, %dma_wait3A_131] : memref<20480x128xf32, #tpu.memory_space<hbm>> -> memref<20480x128xf32, #tpu.memory_space<hbm>>
    tpu.wait_indirect_dma semaphore(%arg13 : memref<!tpu.dma_semaphore, #tpu.memory_space<semaphore_mem>>) src(%dma_wait3A_132 : memref<20480x128xf32, #tpu.memory_space<hbm>>) dst(%arg10 : memref<128x128xf32, #tpu.memory_space<vmem>>)
    %run_scoped3A_133 = arith.constant 39 : i32
    "tpu.region"() ({
      %run_scoped3A_174 = tpu.sem_alloc : memref<!tpu.dma_semaphore, #tpu.memory_space<semaphore_mem>>
      %dma_start3A_175 = arith.constant 0 : i32
      %dma_start3A_176 = tpu.memref_slice %arg8[%run_scoped3A_133, %dma_start3A_175] : memref<40x128xi32, #tpu.memory_space<vmem>> -> memref<1x128xi32, #tpu.memory_space<vmem>>
      %dma_start3A_177 = tpu.memref_squeeze %dma_start3A_176 : memref<1x128xi32, #tpu.memory_space<vmem>> -> memref<128xi32, #tpu.memory_space<vmem>>
      %dma_start3A_178 = arith.constant 0 : i32
      %dma_start3A_179 = arith.constant 0 : i32
      %dma_start3A_180 = tpu.memref_slice %arg11[%dma_start3A_178, %dma_start3A_179] : memref<10240x128xf32, #tpu.memory_space<vmem_shared>> -> memref<10240x128xf32, #tpu.memory_space<vmem_shared>>
      tpu.enqueue_indirect_dma source(%arg10 : memref<128x128xf32, #tpu.memory_space<vmem>>) target(%dma_start3A_180 : memref<10240x128xf32, #tpu.memory_space<vmem_shared>>) offsets(%dma_start3A_177 : memref<128xi32, #tpu.memory_space<vmem>>) semaphore(%run_scoped3A_174 : memref<!tpu.dma_semaphore, #tpu.memory_space<semaphore_mem>>) {add = true}
      %dma_wait3A_181 = arith.constant 0 : i32
      %dma_wait3A_182 = tpu.memref_slice %arg8[%run_scoped3A_133, %dma_wait3A_181] : memref<40x128xi32, #tpu.memory_space<vmem>> -> memref<1x128xi32, #tpu.memory_space<vmem>>
      %dma_wait3A_183 = tpu.memref_squeeze %dma_wait3A_182 : memref<1x128xi32, #tpu.memory_space<vmem>> -> memref<128xi32, #tpu.memory_space<vmem>>
      %dma_wait3A_184 = arith.constant 0 : i32
      %dma_wait3A_185 = arith.constant 0 : i32
      %dma_wait3A_186 = tpu.memref_slice %arg11[%dma_wait3A_184, %dma_wait3A_185] : memref<10240x128xf32, #tpu.memory_space<vmem_shared>> -> memref<10240x128xf32, #tpu.memory_space<vmem_shared>>
      tpu.wait_indirect_dma semaphore(%run_scoped3A_174 : memref<!tpu.dma_semaphore, #tpu.memory_space<semaphore_mem>>) src(%arg10 : memref<128x128xf32, #tpu.memory_space<vmem>>) dst(%dma_wait3A_186 : memref<10240x128xf32, #tpu.memory_space<vmem_shared>>)
      tpu.yield
    }) : () -> ()
    %run_scoped3A_134 = arith.constant 1 : i32
    "tpu.region"() ({
      %run_scoped3A_174 = tpu.sem_alloc : memref<!tpu.dma_semaphore, #tpu.memory_space<semaphore_mem>>
      %dma_start3A_175 = arith.constant 0 : i32
      %dma_start3A_176 = arith.constant 0 : i32
      %dma_start3A_177 = tpu.memref_slice %arg3[%arg0, %arg1, %run_scoped3A_134, %dma_start3A_175, %dma_start3A_176] : memref<2x16x2x40x128xi32, #tpu.memory_space<hbm>> -> memref<1x1x1x40x128xi32, #tpu.memory_space<hbm>>
      %dma_start3A_178 = tpu.memref_squeeze %dma_start3A_177 : memref<1x1x1x40x128xi32, #tpu.memory_space<hbm>> -> memref<40x128xi32, #tpu.memory_space<hbm>>
      %dma_start3A_179 = arith.constant 0 : i32
      %dma_start3A_180 = arith.constant 0 : i32
      %dma_start3A_181 = tpu.memref_slice %arg3[%arg0, %arg1, %run_scoped3A_134, %dma_start3A_179, %dma_start3A_180] : memref<2x16x2x40x128xi32, #tpu.memory_space<hbm>> -> memref<1x1x1x40x128xi32, #tpu.memory_space<hbm>>
      %dma_start3A_182 = tpu.memref_squeeze %dma_start3A_181 : memref<1x1x1x40x128xi32, #tpu.memory_space<hbm>> -> memref<40x128xi32, #tpu.memory_space<hbm>>
      tpu.enqueue_dma source(%dma_start3A_182 : memref<40x128xi32, #tpu.memory_space<hbm>>) target(%arg7 : memref<40x128xi32, #tpu.memory_space<vmem>>) target_semaphore(%run_scoped3A_174 : memref<!tpu.dma_semaphore, #tpu.memory_space<semaphore_mem>>)
      %dma_wait3A_183 = arith.constant 0 : i32
      %dma_wait3A_184 = arith.constant 0 : i32
      %dma_wait3A_185 = tpu.memref_slice %arg3[%arg0, %arg1, %run_scoped3A_134, %dma_wait3A_183, %dma_wait3A_184] : memref<2x16x2x40x128xi32, #tpu.memory_space<hbm>> -> memref<1x1x1x40x128xi32, #tpu.memory_space<hbm>>
      %dma_wait3A_186 = tpu.memref_squeeze %dma_wait3A_185 : memref<1x1x1x40x128xi32, #tpu.memory_space<hbm>> -> memref<40x128xi32, #tpu.memory_space<hbm>>
      %dma_wait3A_187 = arith.constant 0 : i32
      %dma_wait3A_188 = arith.constant 0 : i32
      %dma_wait3A_189 = tpu.memref_slice %arg3[%arg0, %arg1, %run_scoped3A_134, %dma_wait3A_187, %dma_wait3A_188] : memref<2x16x2x40x128xi32, #tpu.memory_space<hbm>> -> memref<1x1x1x40x128xi32, #tpu.memory_space<hbm>>
      %dma_wait3A_190 = tpu.memref_squeeze %dma_wait3A_189 : memref<1x1x1x40x128xi32, #tpu.memory_space<hbm>> -> memref<40x128xi32, #tpu.memory_space<hbm>>
      tpu.wait_dma2 semaphore(%run_scoped3A_174 : memref<!tpu.dma_semaphore, #tpu.memory_space<semaphore_mem>>) src(%dma_wait3A_190 : memref<40x128xi32, #tpu.memory_space<hbm>>) dst(%arg7 : memref<40x128xi32, #tpu.memory_space<vmem>>)
      tpu.yield
    }) : () -> ()
    %run_scoped3A_135 = arith.constant 1 : i32
    "tpu.region"() ({
      %run_scoped3A_174 = tpu.sem_alloc : memref<!tpu.dma_semaphore, #tpu.memory_space<semaphore_mem>>
      %dma_start3A_175 = arith.constant 0 : i32
      %dma_start3A_176 = arith.constant 0 : i32
      %dma_start3A_177 = tpu.memref_slice %arg4[%arg1, %run_scoped3A_135, %dma_start3A_175, %dma_start3A_176] : memref<16x2x40x128xi32, #tpu.memory_space<hbm>> -> memref<1x1x40x128xi32, #tpu.memory_space<hbm>>
      %dma_start3A_178 = tpu.memref_squeeze %dma_start3A_177 : memref<1x1x40x128xi32, #tpu.memory_space<hbm>> -> memref<40x128xi32, #tpu.memory_space<hbm>>
      %dma_start3A_179 = arith.constant 0 : i32
      %dma_start3A_180 = arith.constant 0 : i32
      %dma_start3A_181 = tpu.memref_slice %arg4[%arg1, %run_scoped3A_135, %dma_start3A_179, %dma_start3A_180] : memref<16x2x40x128xi32, #tpu.memory_space<hbm>> -> memref<1x1x40x128xi32, #tpu.memory_space<hbm>>
      %dma_start3A_182 = tpu.memref_squeeze %dma_start3A_181 : memref<1x1x40x128xi32, #tpu.memory_space<hbm>> -> memref<40x128xi32, #tpu.memory_space<hbm>>
      tpu.enqueue_dma source(%dma_start3A_182 : memref<40x128xi32, #tpu.memory_space<hbm>>) target(%arg8 : memref<40x128xi32, #tpu.memory_space<vmem>>) target_semaphore(%run_scoped3A_174 : memref<!tpu.dma_semaphore, #tpu.memory_space<semaphore_mem>>)
      %dma_wait3A_183 = arith.constant 0 : i32
      %dma_wait3A_184 = arith.constant 0 : i32
      %dma_wait3A_185 = tpu.memref_slice %arg4[%arg1, %run_scoped3A_135, %dma_wait3A_183, %dma_wait3A_184] : memref<16x2x40x128xi32, #tpu.memory_space<hbm>> -> memref<1x1x40x128xi32, #tpu.memory_space<hbm>>
      %dma_wait3A_186 = tpu.memref_squeeze %dma_wait3A_185 : memref<1x1x40x128xi32, #tpu.memory_space<hbm>> -> memref<40x128xi32, #tpu.memory_space<hbm>>
      %dma_wait3A_187 = arith.constant 0 : i32
      %dma_wait3A_188 = arith.constant 0 : i32
      %dma_wait3A_189 = tpu.memref_slice %arg4[%arg1, %run_scoped3A_135, %dma_wait3A_187, %dma_wait3A_188] : memref<16x2x40x128xi32, #tpu.memory_space<hbm>> -> memref<1x1x40x128xi32, #tpu.memory_space<hbm>>
      %dma_wait3A_190 = tpu.memref_squeeze %dma_wait3A_189 : memref<1x1x40x128xi32, #tpu.memory_space<hbm>> -> memref<40x128xi32, #tpu.memory_space<hbm>>
      tpu.wait_dma2 semaphore(%run_scoped3A_174 : memref<!tpu.dma_semaphore, #tpu.memory_space<semaphore_mem>>) src(%dma_wait3A_190 : memref<40x128xi32, #tpu.memory_space<hbm>>) dst(%arg8 : memref<40x128xi32, #tpu.memory_space<vmem>>)
      tpu.yield
    }) : () -> ()
    %dma_start3A_136 = arith.constant 0 : i32
    %dma_start3A_137 = arith.constant 0 : i32
    %dma_start3A_138 = tpu.memref_slice %arg7[%dma_start3A_136, %dma_start3A_137] : memref<40x128xi32, #tpu.memory_space<vmem>> -> memref<1x128xi32, #tpu.memory_space<vmem>>
    %dma_start3A_139 = tpu.memref_squeeze %dma_start3A_138 : memref<1x128xi32, #tpu.memory_space<vmem>> -> memref<128xi32, #tpu.memory_space<vmem>>
    %dma_start3A_140 = arith.constant 0 : i32
    %dma_start3A_141 = arith.constant 0 : i32
    %dma_start3A_142 = tpu.memref_slice %arg2[%dma_start3A_140, %dma_start3A_141] : memref<20480x128xf32, #tpu.memory_space<hbm>> -> memref<20480x128xf32, #tpu.memory_space<hbm>>
    tpu.enqueue_indirect_dma source(%dma_start3A_142 : memref<20480x128xf32, #tpu.memory_space<hbm>>) target(%arg9 : memref<128x128xf32, #tpu.memory_space<vmem>>) offsets(%dma_start3A_139 : memref<128xi32, #tpu.memory_space<vmem>>) semaphore(%arg12 : memref<!tpu.dma_semaphore, #tpu.memory_space<semaphore_mem>>)
    %scan3A_143 = arith.constant 0 : i32
    %scan3A_144 = arith.constant 19 : i32
    %scan3A_145 = arith.addi %scan3A_143, %scan3A_144 : i32
    %scan3A_146 = arith.constant 1 : i32
    scf.for %scan3A_174 = %scan3A_143 to %scan3A_145 step %scan3A_146  : i32 {
      %mul3A_175 = arith.constant 1 : i32
      %mul3A_176 = arith.muli %scan3A_174, %mul3A_175 : i32
      %add3A_177 = arith.constant 0 : i32
      %add3A_178 = arith.addi %add3A_177, %mul3A_176 : i32
      %mul3A_179 = arith.constant 2 : i32
      %mul3A_180 = arith.muli %mul3A_179, %add3A_178 : i32
      %add3A_181 = arith.constant 1 : i32
      %add3A_182 = arith.addi %mul3A_180, %add3A_181 : i32
      %dma_start3A_183 = arith.constant 0 : i32
      %dma_start3A_184 = tpu.memref_slice %arg7[%add3A_182, %dma_start3A_183] : memref<40x128xi32, #tpu.memory_space<vmem>> -> memref<1x128xi32, #tpu.memory_space<vmem>>
      %dma_start3A_185 = tpu.memref_squeeze %dma_start3A_184 : memref<1x128xi32, #tpu.memory_space<vmem>> -> memref<128xi32, #tpu.memory_space<vmem>>
      %dma_start3A_186 = arith.constant 0 : i32
      %dma_start3A_187 = arith.constant 0 : i32
      %dma_start3A_188 = tpu.memref_slice %arg2[%dma_start3A_186, %dma_start3A_187] : memref<20480x128xf32, #tpu.memory_space<hbm>> -> memref<20480x128xf32, #tpu.memory_space<hbm>>
      tpu.enqueue_indirect_dma source(%dma_start3A_188 : memref<20480x128xf32, #tpu.memory_space<hbm>>) target(%arg10 : memref<128x128xf32, #tpu.memory_space<vmem>>) offsets(%dma_start3A_185 : memref<128xi32, #tpu.memory_space<vmem>>) semaphore(%arg13 : memref<!tpu.dma_semaphore, #tpu.memory_space<semaphore_mem>>)
      %dma_wait3A_189 = arith.constant 0 : i32
      %dma_wait3A_190 = tpu.memref_slice %arg7[%mul3A_180, %dma_wait3A_189] : memref<40x128xi32, #tpu.memory_space<vmem>> -> memref<1x128xi32, #tpu.memory_space<vmem>>
      %dma_wait3A_191 = tpu.memref_squeeze %dma_wait3A_190 : memref<1x128xi32, #tpu.memory_space<vmem>> -> memref<128xi32, #tpu.memory_space<vmem>>
      %dma_wait3A_192 = arith.constant 0 : i32
      %dma_wait3A_193 = arith.constant 0 : i32
      %dma_wait3A_194 = tpu.memref_slice %arg2[%dma_wait3A_192, %dma_wait3A_193] : memref<20480x128xf32, #tpu.memory_space<hbm>> -> memref<20480x128xf32, #tpu.memory_space<hbm>>
      tpu.wait_indirect_dma semaphore(%arg12 : memref<!tpu.dma_semaphore, #tpu.memory_space<semaphore_mem>>) src(%dma_wait3A_194 : memref<20480x128xf32, #tpu.memory_space<hbm>>) dst(%arg9 : memref<128x128xf32, #tpu.memory_space<vmem>>)
      "tpu.region"() ({
        %run_scoped3A_213 = tpu.sem_alloc : memref<!tpu.dma_semaphore, #tpu.memory_space<semaphore_mem>>
        %dma_start3A_214 = arith.constant 0 : i32
        %dma_start3A_215 = tpu.memref_slice %arg8[%mul3A_180, %dma_start3A_214] : memref<40x128xi32, #tpu.memory_space<vmem>> -> memref<1x128xi32, #tpu.memory_space<vmem>>
        %dma_start3A_216 = tpu.memref_squeeze %dma_start3A_215 : memref<1x128xi32, #tpu.memory_space<vmem>> -> memref<128xi32, #tpu.memory_space<vmem>>
        %dma_start3A_217 = arith.constant 0 : i32
        %dma_start3A_218 = arith.constant 0 : i32
        %dma_start3A_219 = tpu.memref_slice %arg11[%dma_start3A_217, %dma_start3A_218] : memref<10240x128xf32, #tpu.memory_space<vmem_shared>> -> memref<10240x128xf32, #tpu.memory_space<vmem_shared>>
        tpu.enqueue_indirect_dma source(%arg9 : memref<128x128xf32, #tpu.memory_space<vmem>>) target(%dma_start3A_219 : memref<10240x128xf32, #tpu.memory_space<vmem_shared>>) offsets(%dma_start3A_216 : memref<128xi32, #tpu.memory_space<vmem>>) semaphore(%run_scoped3A_213 : memref<!tpu.dma_semaphore, #tpu.memory_space<semaphore_mem>>) {add = true}
        %dma_wait3A_220 = arith.constant 0 : i32
        %dma_wait3A_221 = tpu.memref_slice %arg8[%mul3A_180, %dma_wait3A_220] : memref<40x128xi32, #tpu.memory_space<vmem>> -> memref<1x128xi32, #tpu.memory_space<vmem>>
        %dma_wait3A_222 = tpu.memref_squeeze %dma_wait3A_221 : memref<1x128xi32, #tpu.memory_space<vmem>> -> memref<128xi32, #tpu.memory_space<vmem>>
        %dma_wait3A_223 = arith.constant 0 : i32
        %dma_wait3A_224 = arith.constant 0 : i32
        %dma_wait3A_225 = tpu.memref_slice %arg11[%dma_wait3A_223, %dma_wait3A_224] : memref<10240x128xf32, #tpu.memory_space<vmem_shared>> -> memref<10240x128xf32, #tpu.memory_space<vmem_shared>>
        tpu.wait_indirect_dma semaphore(%run_scoped3A_213 : memref<!tpu.dma_semaphore, #tpu.memory_space<semaphore_mem>>) src(%arg9 : memref<128x128xf32, #tpu.memory_space<vmem>>) dst(%dma_wait3A_225 : memref<10240x128xf32, #tpu.memory_space<vmem_shared>>)
        tpu.yield
      }) : () -> ()
      %add3A_195 = arith.constant 2 : i32
      %add3A_196 = arith.addi %mul3A_180, %add3A_195 : i32
      %dma_start3A_197 = arith.constant 0 : i32
      %dma_start3A_198 = tpu.memref_slice %arg7[%add3A_196, %dma_start3A_197] : memref<40x128xi32, #tpu.memory_space<vmem>> -> memref<1x128xi32, #tpu.memory_space<vmem>>
      %dma_start3A_199 = tpu.memref_squeeze %dma_start3A_198 : memref<1x128xi32, #tpu.memory_space<vmem>> -> memref<128xi32, #tpu.memory_space<vmem>>
      %dma_start3A_200 = arith.constant 0 : i32
      %dma_start3A_201 = arith.constant 0 : i32
      %dma_start3A_202 = tpu.memref_slice %arg2[%dma_start3A_200, %dma_start3A_201] : memref<20480x128xf32, #tpu.memory_space<hbm>> -> memref<20480x128xf32, #tpu.memory_space<hbm>>
      tpu.enqueue_indirect_dma source(%dma_start3A_202 : memref<20480x128xf32, #tpu.memory_space<hbm>>) target(%arg9 : memref<128x128xf32, #tpu.memory_space<vmem>>) offsets(%dma_start3A_199 : memref<128xi32, #tpu.memory_space<vmem>>) semaphore(%arg12 : memref<!tpu.dma_semaphore, #tpu.memory_space<semaphore_mem>>)
      %add3A_203 = arith.constant 1 : i32
      %add3A_204 = arith.addi %mul3A_180, %add3A_203 : i32
      %dma_wait3A_205 = arith.constant 0 : i32
      %dma_wait3A_206 = tpu.memref_slice %arg7[%add3A_204, %dma_wait3A_205] : memref<40x128xi32, #tpu.memory_space<vmem>> -> memref<1x128xi32, #tpu.memory_space<vmem>>
      %dma_wait3A_207 = tpu.memref_squeeze %dma_wait3A_206 : memref<1x128xi32, #tpu.memory_space<vmem>> -> memref<128xi32, #tpu.memory_space<vmem>>
      %dma_wait3A_208 = arith.constant 0 : i32
      %dma_wait3A_209 = arith.constant 0 : i32
      %dma_wait3A_210 = tpu.memref_slice %arg2[%dma_wait3A_208, %dma_wait3A_209] : memref<20480x128xf32, #tpu.memory_space<hbm>> -> memref<20480x128xf32, #tpu.memory_space<hbm>>
      tpu.wait_indirect_dma semaphore(%arg13 : memref<!tpu.dma_semaphore, #tpu.memory_space<semaphore_mem>>) src(%dma_wait3A_210 : memref<20480x128xf32, #tpu.memory_space<hbm>>) dst(%arg10 : memref<128x128xf32, #tpu.memory_space<vmem>>)
      %add3A_211 = arith.constant 1 : i32
      %add3A_212 = arith.addi %mul3A_180, %add3A_211 : i32
      "tpu.region"() ({
        %run_scoped3A_213 = tpu.sem_alloc : memref<!tpu.dma_semaphore, #tpu.memory_space<semaphore_mem>>
        %dma_start3A_214 = arith.constant 0 : i32
        %dma_start3A_215 = tpu.memref_slice %arg8[%add3A_212, %dma_start3A_214] : memref<40x128xi32, #tpu.memory_space<vmem>> -> memref<1x128xi32, #tpu.memory_space<vmem>>
        %dma_start3A_216 = tpu.memref_squeeze %dma_start3A_215 : memref<1x128xi32, #tpu.memory_space<vmem>> -> memref<128xi32, #tpu.memory_space<vmem>>
        %dma_start3A_217 = arith.constant 0 : i32
        %dma_start3A_218 = arith.constant 0 : i32
        %dma_start3A_219 = tpu.memref_slice %arg11[%dma_start3A_217, %dma_start3A_218] : memref<10240x128xf32, #tpu.memory_space<vmem_shared>> -> memref<10240x128xf32, #tpu.memory_space<vmem_shared>>
        tpu.enqueue_indirect_dma source(%arg10 : memref<128x128xf32, #tpu.memory_space<vmem>>) target(%dma_start3A_219 : memref<10240x128xf32, #tpu.memory_space<vmem_shared>>) offsets(%dma_start3A_216 : memref<128xi32, #tpu.memory_space<vmem>>) semaphore(%run_scoped3A_213 : memref<!tpu.dma_semaphore, #tpu.memory_space<semaphore_mem>>) {add = true}
        %dma_wait3A_220 = arith.constant 0 : i32
        %dma_wait3A_221 = tpu.memref_slice %arg8[%add3A_212, %dma_wait3A_220] : memref<40x128xi32, #tpu.memory_space<vmem>> -> memref<1x128xi32, #tpu.memory_space<vmem>>
        %dma_wait3A_222 = tpu.memref_squeeze %dma_wait3A_221 : memref<1x128xi32, #tpu.memory_space<vmem>> -> memref<128xi32, #tpu.memory_space<vmem>>
        %dma_wait3A_223 = arith.constant 0 : i32
        %dma_wait3A_224 = arith.constant 0 : i32
        %dma_wait3A_225 = tpu.memref_slice %arg11[%dma_wait3A_223, %dma_wait3A_224] : memref<10240x128xf32, #tpu.memory_space<vmem_shared>> -> memref<10240x128xf32, #tpu.memory_space<vmem_shared>>
        tpu.wait_indirect_dma semaphore(%run_scoped3A_213 : memref<!tpu.dma_semaphore, #tpu.memory_space<semaphore_mem>>) src(%arg10 : memref<128x128xf32, #tpu.memory_space<vmem>>) dst(%dma_wait3A_225 : memref<10240x128xf32, #tpu.memory_space<vmem_shared>>)
        tpu.yield
      }) : () -> ()
    }
    %scan3A_147 = arith.constant 19 : i32
    %dma_start3A_148 = arith.constant 39 : i32
    %dma_start3A_149 = arith.constant 0 : i32
    %dma_start3A_150 = tpu.memref_slice %arg7[%dma_start3A_148, %dma_start3A_149] : memref<40x128xi32, #tpu.memory_space<vmem>> -> memref<1x128xi32, #tpu.memory_space<vmem>>
    %dma_start3A_151 = tpu.memref_squeeze %dma_start3A_150 : memref<1x128xi32, #tpu.memory_space<vmem>> -> memref<128xi32, #tpu.memory_space<vmem>>
    %dma_start3A_152 = arith.constant 0 : i32
    %dma_start3A_153 = arith.constant 0 : i32
    %dma_start3A_154 = tpu.memref_slice %arg2[%dma_start3A_152, %dma_start3A_153] : memref<20480x128xf32, #tpu.memory_space<hbm>> -> memref<20480x128xf32, #tpu.memory_space<hbm>>
    tpu.enqueue_indirect_dma source(%dma_start3A_154 : memref<20480x128xf32, #tpu.memory_space<hbm>>) target(%arg10 : memref<128x128xf32, #tpu.memory_space<vmem>>) offsets(%dma_start3A_151 : memref<128xi32, #tpu.memory_space<vmem>>) semaphore(%arg13 : memref<!tpu.dma_semaphore, #tpu.memory_space<semaphore_mem>>)
    %dma_wait3A_155 = arith.constant 38 : i32
    %dma_wait3A_156 = arith.constant 0 : i32
    %dma_wait3A_157 = tpu.memref_slice %arg7[%dma_wait3A_155, %dma_wait3A_156] : memref<40x128xi32, #tpu.memory_space<vmem>> -> memref<1x128xi32, #tpu.memory_space<vmem>>
    %dma_wait3A_158 = tpu.memref_squeeze %dma_wait3A_157 : memref<1x128xi32, #tpu.memory_space<vmem>> -> memref<128xi32, #tpu.memory_space<vmem>>
    %dma_wait3A_159 = arith.constant 0 : i32
    %dma_wait3A_160 = arith.constant 0 : i32
    %dma_wait3A_161 = tpu.memref_slice %arg2[%dma_wait3A_159, %dma_wait3A_160] : memref<20480x128xf32, #tpu.memory_space<hbm>> -> memref<20480x128xf32, #tpu.memory_space<hbm>>
    tpu.wait_indirect_dma semaphore(%arg12 : memref<!tpu.dma_semaphore, #tpu.memory_space<semaphore_mem>>) src(%dma_wait3A_161 : memref<20480x128xf32, #tpu.memory_space<hbm>>) dst(%arg9 : memref<128x128xf32, #tpu.memory_space<vmem>>)
    %run_scoped3A_162 = arith.constant 38 : i32
    "tpu.region"() ({
      %run_scoped3A_174 = tpu.sem_alloc : memref<!tpu.dma_semaphore, #tpu.memory_space<semaphore_mem>>
      %dma_start3A_175 = arith.constant 0 : i32
      %dma_start3A_176 = tpu.memref_slice %arg8[%run_scoped3A_162, %dma_start3A_175] : memref<40x128xi32, #tpu.memory_space<vmem>> -> memref<1x128xi32, #tpu.memory_space<vmem>>
      %dma_start3A_177 = tpu.memref_squeeze %dma_start3A_176 : memref<1x128xi32, #tpu.memory_space<vmem>> -> memref<128xi32, #tpu.memory_space<vmem>>
      %dma_start3A_178 = arith.constant 0 : i32
      %dma_start3A_179 = arith.constant 0 : i32
      %dma_start3A_180 = tpu.memref_slice %arg11[%dma_start3A_178, %dma_start3A_179] : memref<10240x128xf32, #tpu.memory_space<vmem_shared>> -> memref<10240x128xf32, #tpu.memory_space<vmem_shared>>
      tpu.enqueue_indirect_dma source(%arg9 : memref<128x128xf32, #tpu.memory_space<vmem>>) target(%dma_start3A_180 : memref<10240x128xf32, #tpu.memory_space<vmem_shared>>) offsets(%dma_start3A_177 : memref<128xi32, #tpu.memory_space<vmem>>) semaphore(%run_scoped3A_174 : memref<!tpu.dma_semaphore, #tpu.memory_space<semaphore_mem>>) {add = true}
      %dma_wait3A_181 = arith.constant 0 : i32
      %dma_wait3A_182 = tpu.memref_slice %arg8[%run_scoped3A_162, %dma_wait3A_181] : memref<40x128xi32, #tpu.memory_space<vmem>> -> memref<1x128xi32, #tpu.memory_space<vmem>>
      %dma_wait3A_183 = tpu.memref_squeeze %dma_wait3A_182 : memref<1x128xi32, #tpu.memory_space<vmem>> -> memref<128xi32, #tpu.memory_space<vmem>>
      %dma_wait3A_184 = arith.constant 0 : i32
      %dma_wait3A_185 = arith.constant 0 : i32
      %dma_wait3A_186 = tpu.memref_slice %arg11[%dma_wait3A_184, %dma_wait3A_185] : memref<10240x128xf32, #tpu.memory_space<vmem_shared>> -> memref<10240x128xf32, #tpu.memory_space<vmem_shared>>
      tpu.wait_indirect_dma semaphore(%run_scoped3A_174 : memref<!tpu.dma_semaphore, #tpu.memory_space<semaphore_mem>>) src(%arg9 : memref<128x128xf32, #tpu.memory_space<vmem>>) dst(%dma_wait3A_186 : memref<10240x128xf32, #tpu.memory_space<vmem_shared>>)
      tpu.yield
    }) : () -> ()
    %dma_wait3A_163 = arith.constant 39 : i32
    %dma_wait3A_164 = arith.constant 0 : i32
    %dma_wait3A_165 = tpu.memref_slice %arg7[%dma_wait3A_163, %dma_wait3A_164] : memref<40x128xi32, #tpu.memory_space<vmem>> -> memref<1x128xi32, #tpu.memory_space<vmem>>
    %dma_wait3A_166 = tpu.memref_squeeze %dma_wait3A_165 : memref<1x128xi32, #tpu.memory_space<vmem>> -> memref<128xi32, #tpu.memory_space<vmem>>
    %dma_wait3A_167 = arith.constant 0 : i32
    %dma_wait3A_168 = arith.constant 0 : i32
    %dma_wait3A_169 = tpu.memref_slice %arg2[%dma_wait3A_167, %dma_wait3A_168] : memref<20480x128xf32, #tpu.memory_space<hbm>> -> memref<20480x128xf32, #tpu.memory_space<hbm>>
    tpu.wait_indirect_dma semaphore(%arg13 : memref<!tpu.dma_semaphore, #tpu.memory_space<semaphore_mem>>) src(%dma_wait3A_169 : memref<20480x128xf32, #tpu.memory_space<hbm>>) dst(%arg10 : memref<128x128xf32, #tpu.memory_space<vmem>>)
    %run_scoped3A_170 = arith.constant 39 : i32
    "tpu.region"() ({
      %run_scoped3A_174 = tpu.sem_alloc : memref<!tpu.dma_semaphore, #tpu.memory_space<semaphore_mem>>
      %dma_start3A_175 = arith.constant 0 : i32
      %dma_start3A_176 = tpu.memref_slice %arg8[%run_scoped3A_170, %dma_start3A_175] : memref<40x128xi32, #tpu.memory_space<vmem>> -> memref<1x128xi32, #tpu.memory_space<vmem>>
      %dma_start3A_177 = tpu.memref_squeeze %dma_start3A_176 : memref<1x128xi32, #tpu.memory_space<vmem>> -> memref<128xi32, #tpu.memory_space<vmem>>
      %dma_start3A_178 = arith.constant 0 : i32
      %dma_start3A_179 = arith.constant 0 : i32
      %dma_start3A_180 = tpu.memref_slice %arg11[%dma_start3A_178, %dma_start3A_179] : memref<10240x128xf32, #tpu.memory_space<vmem_shared>> -> memref<10240x128xf32, #tpu.memory_space<vmem_shared>>
      tpu.enqueue_indirect_dma source(%arg10 : memref<128x128xf32, #tpu.memory_space<vmem>>) target(%dma_start3A_180 : memref<10240x128xf32, #tpu.memory_space<vmem_shared>>) offsets(%dma_start3A_177 : memref<128xi32, #tpu.memory_space<vmem>>) semaphore(%run_scoped3A_174 : memref<!tpu.dma_semaphore, #tpu.memory_space<semaphore_mem>>) {add = true}
      %dma_wait3A_181 = arith.constant 0 : i32
      %dma_wait3A_182 = tpu.memref_slice %arg8[%run_scoped3A_170, %dma_wait3A_181] : memref<40x128xi32, #tpu.memory_space<vmem>> -> memref<1x128xi32, #tpu.memory_space<vmem>>
      %dma_wait3A_183 = tpu.memref_squeeze %dma_wait3A_182 : memref<1x128xi32, #tpu.memory_space<vmem>> -> memref<128xi32, #tpu.memory_space<vmem>>
      %dma_wait3A_184 = arith.constant 0 : i32
      %dma_wait3A_185 = arith.constant 0 : i32
      %dma_wait3A_186 = tpu.memref_slice %arg11[%dma_wait3A_184, %dma_wait3A_185] : memref<10240x128xf32, #tpu.memory_space<vmem_shared>> -> memref<10240x128xf32, #tpu.memory_space<vmem_shared>>
      tpu.wait_indirect_dma semaphore(%run_scoped3A_174 : memref<!tpu.dma_semaphore, #tpu.memory_space<semaphore_mem>>) src(%arg10 : memref<128x128xf32, #tpu.memory_space<vmem>>) dst(%dma_wait3A_186 : memref<10240x128xf32, #tpu.memory_space<vmem_shared>>)
      tpu.yield
    }) : () -> ()
    %barrier3A_171 = arith.constant 0 : index
    tpu.barrier barrier_id(%barrier3A_171)
    %eq3A = arith.constant 0 : i32
    %eq3A_172 = arith.cmpi eq, %arg1, %eq3A : i32
    %convert_element_type3A = arith.extui %eq3A_172 : i1 to i32
    %cond3A = arith.constant 0 : i32
    %cond3A_173 = arith.cmpi ne, %convert_element_type3A, %cond3A : i32
    scf.if %cond3A_173 {
      %run_scoped3A_174 = arith.constant 0 : i32
      "tpu.region"() ({
        %run_scoped3A_189 = tpu.sem_alloc : memref<!tpu.dma_semaphore, #tpu.memory_space<semaphore_mem>>
        %dma_start3A_190 = arith.constant 0 : i32
        %dma_start3A_191 = tpu.memref_slice %arg7[%run_scoped3A_174, %dma_start3A_190] : memref<40x128xi32, #tpu.memory_space<vmem>> -> memref<1x128xi32, #tpu.memory_space<vmem>>
        %dma_start3A_192 = tpu.memref_squeeze %dma_start3A_191 : memref<1x128xi32, #tpu.memory_space<vmem>> -> memref<128xi32, #tpu.memory_space<vmem>>
        %dma_start3A_193 = arith.constant 0 : i32
        %dma_start3A_194 = tpu.memref_slice %arg7[%run_scoped3A_174, %dma_start3A_193] : memref<40x128xi32, #tpu.memory_space<vmem>> -> memref<1x128xi32, #tpu.memory_space<vmem>>
        %dma_start3A_195 = tpu.memref_squeeze %dma_start3A_194 : memref<1x128xi32, #tpu.memory_space<vmem>> -> memref<128xi32, #tpu.memory_space<vmem>>
        tpu.enqueue_dma source(%arg5 : memref<128xi32, #tpu.memory_space<hbm>>) target(%dma_start3A_195 : memref<128xi32, #tpu.memory_space<vmem>>) target_semaphore(%run_scoped3A_189 : memref<!tpu.dma_semaphore, #tpu.memory_space<semaphore_mem>>)
        %dma_wait3A_196 = arith.constant 0 : i32
        %dma_wait3A_197 = tpu.memref_slice %arg7[%run_scoped3A_174, %dma_wait3A_196] : memref<40x128xi32, #tpu.memory_space<vmem>> -> memref<1x128xi32, #tpu.memory_space<vmem>>
        %dma_wait3A_198 = tpu.memref_squeeze %dma_wait3A_197 : memref<1x128xi32, #tpu.memory_space<vmem>> -> memref<128xi32, #tpu.memory_space<vmem>>
        %dma_wait3A_199 = arith.constant 0 : i32
        %dma_wait3A_200 = tpu.memref_slice %arg7[%run_scoped3A_174, %dma_wait3A_199] : memref<40x128xi32, #tpu.memory_space<vmem>> -> memref<1x128xi32, #tpu.memory_space<vmem>>
        %dma_wait3A_201 = tpu.memref_squeeze %dma_wait3A_200 : memref<1x128xi32, #tpu.memory_space<vmem>> -> memref<128xi32, #tpu.memory_space<vmem>>
        tpu.wait_dma2 semaphore(%run_scoped3A_189 : memref<!tpu.dma_semaphore, #tpu.memory_space<semaphore_mem>>) src(%arg5 : memref<128xi32, #tpu.memory_space<hbm>>) dst(%dma_wait3A_201 : memref<128xi32, #tpu.memory_space<vmem>>)
        tpu.yield
      }) : () -> ()
      %dma_start3A_175 = arith.constant 0 : i32
      %dma_start3A_176 = arith.constant 0 : i32
      %dma_start3A_177 = tpu.memref_slice %arg7[%dma_start3A_175, %dma_start3A_176] : memref<40x128xi32, #tpu.memory_space<vmem>> -> memref<1x128xi32, #tpu.memory_space<vmem>>
      %dma_start3A_178 = tpu.memref_squeeze %dma_start3A_177 : memref<1x128xi32, #tpu.memory_space<vmem>> -> memref<128xi32, #tpu.memory_space<vmem>>
      %dma_start3A_179 = arith.constant 0 : i32
      %dma_start3A_180 = arith.constant 0 : i32
      %dma_start3A_181 = tpu.memref_slice %arg11[%dma_start3A_179, %dma_start3A_180] : memref<10240x128xf32, #tpu.memory_space<vmem_shared>> -> memref<10240x128xf32, #tpu.memory_space<vmem_shared>>
      tpu.enqueue_indirect_dma source(%dma_start3A_181 : memref<10240x128xf32, #tpu.memory_space<vmem_shared>>) target(%arg9 : memref<128x128xf32, #tpu.memory_space<vmem>>) offsets(%dma_start3A_178 : memref<128xi32, #tpu.memory_space<vmem>>) semaphore(%arg12 : memref<!tpu.dma_semaphore, #tpu.memory_space<semaphore_mem>>)
      %dma_wait3A_182 = arith.constant 0 : i32
      %dma_wait3A_183 = arith.constant 0 : i32
      %dma_wait3A_184 = tpu.memref_slice %arg7[%dma_wait3A_182, %dma_wait3A_183] : memref<40x128xi32, #tpu.memory_space<vmem>> -> memref<1x128xi32, #tpu.memory_space<vmem>>
      %dma_wait3A_185 = tpu.memref_squeeze %dma_wait3A_184 : memref<1x128xi32, #tpu.memory_space<vmem>> -> memref<128xi32, #tpu.memory_space<vmem>>
      %dma_wait3A_186 = arith.constant 0 : i32
      %dma_wait3A_187 = arith.constant 0 : i32
      %dma_wait3A_188 = tpu.memref_slice %arg11[%dma_wait3A_186, %dma_wait3A_187] : memref<10240x128xf32, #tpu.memory_space<vmem_shared>> -> memref<10240x128xf32, #tpu.memory_space<vmem_shared>>
      tpu.wait_indirect_dma semaphore(%arg12 : memref<!tpu.dma_semaphore, #tpu.memory_space<semaphore_mem>>) src(%dma_wait3A_188 : memref<10240x128xf32, #tpu.memory_space<vmem_shared>>) dst(%arg9 : memref<128x128xf32, #tpu.memory_space<vmem>>)
      "tpu.region"() ({
        %run_scoped3A_189 = tpu.sem_alloc : memref<!tpu.dma_semaphore, #tpu.memory_space<semaphore_mem>>
        %dma_start3A_190 = arith.constant 0 : i32
        %dma_start3A_191 = arith.constant 0 : i32
        %dma_start3A_192 = tpu.memref_slice %arg6[%arg0, %dma_start3A_190, %dma_start3A_191] : memref<2x128x128xf32, #tpu.memory_space<hbm>> -> memref<1x128x128xf32, #tpu.memory_space<hbm>>
        %dma_start3A_193 = tpu.memref_squeeze %dma_start3A_192 : memref<1x128x128xf32, #tpu.memory_space<hbm>> -> memref<128x128xf32, #tpu.memory_space<hbm>>
        %dma_start3A_194 = arith.constant 0 : i32
        %dma_start3A_195 = arith.constant 0 : i32
        %dma_start3A_196 = tpu.memref_slice %arg6[%arg0, %dma_start3A_194, %dma_start3A_195] : memref<2x128x128xf32, #tpu.memory_space<hbm>> -> memref<1x128x128xf32, #tpu.memory_space<hbm>>
        %dma_start3A_197 = tpu.memref_squeeze %dma_start3A_196 : memref<1x128x128xf32, #tpu.memory_space<hbm>> -> memref<128x128xf32, #tpu.memory_space<hbm>>
        tpu.enqueue_dma source(%arg9 : memref<128x128xf32, #tpu.memory_space<vmem>>) target(%dma_start3A_197 : memref<128x128xf32, #tpu.memory_space<hbm>>) target_semaphore(%run_scoped3A_189 : memref<!tpu.dma_semaphore, #tpu.memory_space<semaphore_mem>>)
        %dma_wait3A_198 = arith.constant 0 : i32
        %dma_wait3A_199 = arith.constant 0 : i32
        %dma_wait3A_200 = tpu.memref_slice %arg6[%arg0, %dma_wait3A_198, %dma_wait3A_199] : memref<2x128x128xf32, #tpu.memory_space<hbm>> -> memref<1x128x128xf32, #tpu.memory_space<hbm>>
        %dma_wait3A_201 = tpu.memref_squeeze %dma_wait3A_200 : memref<1x128x128xf32, #tpu.memory_space<hbm>> -> memref<128x128xf32, #tpu.memory_space<hbm>>
        %dma_wait3A_202 = arith.constant 0 : i32
        %dma_wait3A_203 = arith.constant 0 : i32
        %dma_wait3A_204 = tpu.memref_slice %arg6[%arg0, %dma_wait3A_202, %dma_wait3A_203] : memref<2x128x128xf32, #tpu.memory_space<hbm>> -> memref<1x128x128xf32, #tpu.memory_space<hbm>>
        %dma_wait3A_205 = tpu.memref_squeeze %dma_wait3A_204 : memref<1x128x128xf32, #tpu.memory_space<hbm>> -> memref<128x128xf32, #tpu.memory_space<hbm>>
        tpu.wait_dma2 semaphore(%run_scoped3A_189 : memref<!tpu.dma_semaphore, #tpu.memory_space<semaphore_mem>>) src(%arg9 : memref<128x128xf32, #tpu.memory_space<vmem>>) dst(%dma_wait3A_205 : memref<128x128xf32, #tpu.memory_space<hbm>>)
        tpu.yield
      }) : () -> ()
    } else {
    }
    return
  }
}

#map = affine_map<(d0, d1) -> (0, 0)>
#map1 = affine_map<(d0, d1) -> (0, 0, 0, 0, 0)>
#map2 = affine_map<(d0, d1) -> (0, 0, 0, 0)>
#map3 = affine_map<(d0, d1) -> (0)>
module attributes {stable_mosaic.version = 14 : i64} {
  func.func @_sc_scatter(%arg0: i32, %arg1: i32, %arg2: memref<20480x128xf32, #tpu.memory_space<hbm>>, %arg3: memref<2x16x2x40x128xi32, #tpu.memory_space<hbm>>, %arg4: memref<16x2x40x128xi32, #tpu.memory_space<hbm>>, %arg5: memref<128xi32, #tpu.memory_space<hbm>>, %arg6: memref<20480x128xf32, #tpu.memory_space<hbm>>, %arg7: memref<40x128xi32, #tpu.memory_space<vmem>>, %arg8: memref<40x128xi32, #tpu.memory_space<vmem>>, %arg9: memref<128x128xf32, #tpu.memory_space<vmem>>, %arg10: memref<128x128xf32, #tpu.memory_space<vmem>>, %arg11: memref<10240x128xf32, #tpu.memory_space<vmem_shared>>, %arg12: memref<!tpu.dma_semaphore, #tpu.memory_space<semaphore_mem>>, %arg13: memref<!tpu.dma_semaphore, #tpu.memory_space<semaphore_mem>>) attributes {dimension_semantics = [#tpu.dimension_semantics<core_parallel>, #tpu.dimension_semantics<subcore_parallel>], iteration_bounds = array<i64: 2, 16>, scalar_prefetch = 0 : i64, scratch_operands = 7 : i64, tpu.core_type = #tpu.core_type<sc_vector_subcore>, window_params = [{transform_indices = #map}, {transform_indices = #map1}, {transform_indices = #map2}, {transform_indices = #map3}, {transform_indices = #map}]} {
    %broadcast_in_dim3A = arith.constant 0.000000e+00 : f32
    %broadcast_in_dim3A_0 = vector.broadcast %broadcast_in_dim3A : f32 to vector<16xf32>
    %scan3A = arith.constant 0 : i32
    %scan3A_1 = arith.constant 128 : i32
    %scan3A_2 = arith.addi %scan3A, %scan3A_1 : i32
    %scan3A_3 = arith.constant 1 : i32
    scf.for %scan3A_179 = %scan3A to %scan3A_2 step %scan3A_3  : i32 {
      %mul3A_180 = arith.constant 1 : i32
      %mul3A_181 = arith.muli %scan3A_179, %mul3A_180 : i32
      %add3A_182 = arith.constant 0 : i32
      %add3A_183 = arith.addi %add3A_182, %mul3A_181 : i32
      %scan3A_184 = arith.constant 0 : i32
      %scan3A_185 = arith.constant 8 : i32
      %scan3A_186 = arith.addi %scan3A_184, %scan3A_185 : i32
      %scan3A_187 = arith.constant 1 : i32
      scf.for %scan3A_189 = %scan3A_184 to %scan3A_186 step %scan3A_187  : i32 {
        %mul3A_190 = arith.constant 1 : i32
        %mul3A_191 = arith.muli %scan3A_189, %mul3A_190 : i32
        %add3A_192 = arith.constant 0 : i32
        %add3A_193 = arith.addi %add3A_192, %mul3A_191 : i32
        %mul3A_194 = arith.constant 16 : i32
        %mul3A_195 = arith.muli %add3A_193, %mul3A_194 : i32
        %swap3A = arith.index_cast %add3A_183 : i32 to index
        %swap3A_196 = arith.index_cast %mul3A_195 : i32 to index
        %swap3A_197 = tpu.vector_load %arg9[%swap3A, %swap3A_196] {strides = array<i32>} : memref<128x128xf32, #tpu.memory_space<vmem>>, vector<16xf32>,
        tpu.vector_store %arg9[%swap3A, %swap3A_196], %broadcast_in_dim3A_0 {strides = array<i32>} : memref<128x128xf32, #tpu.memory_space<vmem>>, vector<16xf32>,
      }
      %scan3A_188 = arith.constant 8 : i32
    }
    %scan3A_4 = arith.constant 128 : i32
    %dma_start3A = arith.constant 0 : i32
    %dma_start3A_5 = arith.constant 0 : i32
    %dma_start3A_6 = arith.constant 0 : i32
    %dma_start3A_7 = tpu.memref_slice %arg3[%arg0, %arg1, %dma_start3A, %dma_start3A_5, %dma_start3A_6] : memref<2x16x2x40x128xi32, #tpu.memory_space<hbm>> -> memref<1x1x1x40x128xi32, #tpu.memory_space<hbm>>
    %dma_start3A_8 = tpu.memref_squeeze %dma_start3A_7 : memref<1x1x1x40x128xi32, #tpu.memory_space<hbm>> -> memref<40x128xi32, #tpu.memory_space<hbm>>
    %dma_start3A_9 = arith.constant 0 : i32
    %dma_start3A_10 = arith.constant 0 : i32
    %dma_start3A_11 = tpu.memref_slice %arg3[%arg0, %arg1, %dma_start3A, %dma_start3A_9, %dma_start3A_10] : memref<2x16x2x40x128xi32, #tpu.memory_space<hbm>> -> memref<1x1x1x40x128xi32, #tpu.memory_space<hbm>>
    %dma_start3A_12 = tpu.memref_squeeze %dma_start3A_11 : memref<1x1x1x40x128xi32, #tpu.memory_space<hbm>> -> memref<40x128xi32, #tpu.memory_space<hbm>>
    tpu.enqueue_dma source(%dma_start3A_12 : memref<40x128xi32, #tpu.memory_space<hbm>>) target(%arg7 : memref<40x128xi32, #tpu.memory_space<vmem>>) target_semaphore(%arg13 : memref<!tpu.dma_semaphore, #tpu.memory_space<semaphore_mem>>)
    %mul3A = arith.constant 640 : i32
    %mul3A_13 = arith.muli %arg1, %mul3A : i32
    %add3A = arith.constant 0 : i32
    %add3A_14 = arith.addi %mul3A_13, %add3A : i32
    %dma_start3A_15 = arith.constant 0 : i32
    %dma_start3A_16 = tpu.memref_slice %arg11[%add3A_14, %dma_start3A_15] : memref<10240x128xf32, #tpu.memory_space<vmem_shared>> -> memref<128x128xf32, #tpu.memory_space<vmem_shared>>
    %dma_start3A_17 = arith.constant 0 : i32
    %dma_start3A_18 = tpu.memref_slice %arg11[%add3A_14, %dma_start3A_17] : memref<10240x128xf32, #tpu.memory_space<vmem_shared>> -> memref<128x128xf32, #tpu.memory_space<vmem_shared>>
    tpu.enqueue_dma source(%arg9 : memref<128x128xf32, #tpu.memory_space<vmem>>) target(%dma_start3A_18 : memref<128x128xf32, #tpu.memory_space<vmem_shared>>) target_semaphore(%arg12 : memref<!tpu.dma_semaphore, #tpu.memory_space<semaphore_mem>>)
    %mul3A_19 = arith.constant 640 : i32
    %mul3A_20 = arith.muli %arg1, %mul3A_19 : i32
    %add3A_21 = arith.constant 128 : i32
    %add3A_22 = arith.addi %mul3A_20, %add3A_21 : i32
    %dma_start3A_23 = arith.constant 0 : i32
    %dma_start3A_24 = tpu.memref_slice %arg11[%add3A_22, %dma_start3A_23] : memref<10240x128xf32, #tpu.memory_space<vmem_shared>> -> memref<128x128xf32, #tpu.memory_space<vmem_shared>>
    %dma_start3A_25 = arith.constant 0 : i32
    %dma_start3A_26 = tpu.memref_slice %arg11[%add3A_22, %dma_start3A_25] : memref<10240x128xf32, #tpu.memory_space<vmem_shared>> -> memref<128x128xf32, #tpu.memory_space<vmem_shared>>
    tpu.enqueue_dma source(%arg9 : memref<128x128xf32, #tpu.memory_space<vmem>>) target(%dma_start3A_26 : memref<128x128xf32, #tpu.memory_space<vmem_shared>>) target_semaphore(%arg12 : memref<!tpu.dma_semaphore, #tpu.memory_space<semaphore_mem>>)
    %mul3A_27 = arith.constant 640 : i32
    %mul3A_28 = arith.muli %arg1, %mul3A_27 : i32
    %add3A_29 = arith.constant 256 : i32
    %add3A_30 = arith.addi %mul3A_28, %add3A_29 : i32
    %dma_start3A_31 = arith.constant 0 : i32
    %dma_start3A_32 = tpu.memref_slice %arg11[%add3A_30, %dma_start3A_31] : memref<10240x128xf32, #tpu.memory_space<vmem_shared>> -> memref<128x128xf32, #tpu.memory_space<vmem_shared>>
    %dma_start3A_33 = arith.constant 0 : i32
    %dma_start3A_34 = tpu.memref_slice %arg11[%add3A_30, %dma_start3A_33] : memref<10240x128xf32, #tpu.memory_space<vmem_shared>> -> memref<128x128xf32, #tpu.memory_space<vmem_shared>>
    tpu.enqueue_dma source(%arg9 : memref<128x128xf32, #tpu.memory_space<vmem>>) target(%dma_start3A_34 : memref<128x128xf32, #tpu.memory_space<vmem_shared>>) target_semaphore(%arg12 : memref<!tpu.dma_semaphore, #tpu.memory_space<semaphore_mem>>)
    %mul3A_35 = arith.constant 640 : i32
    %mul3A_36 = arith.muli %arg1, %mul3A_35 : i32
    %add3A_37 = arith.constant 384 : i32
    %add3A_38 = arith.addi %mul3A_36, %add3A_37 : i32
    %dma_start3A_39 = arith.constant 0 : i32
    %dma_start3A_40 = tpu.memref_slice %arg11[%add3A_38, %dma_start3A_39] : memref<10240x128xf32, #tpu.memory_space<vmem_shared>> -> memref<128x128xf32, #tpu.memory_space<vmem_shared>>
    %dma_start3A_41 = arith.constant 0 : i32
    %dma_start3A_42 = tpu.memref_slice %arg11[%add3A_38, %dma_start3A_41] : memref<10240x128xf32, #tpu.memory_space<vmem_shared>> -> memref<128x128xf32, #tpu.memory_space<vmem_shared>>
    tpu.enqueue_dma source(%arg9 : memref<128x128xf32, #tpu.memory_space<vmem>>) target(%dma_start3A_42 : memref<128x128xf32, #tpu.memory_space<vmem_shared>>) target_semaphore(%arg12 : memref<!tpu.dma_semaphore, #tpu.memory_space<semaphore_mem>>)
    %mul3A_43 = arith.constant 640 : i32
    %mul3A_44 = arith.muli %arg1, %mul3A_43 : i32
    %add3A_45 = arith.constant 512 : i32
    %add3A_46 = arith.addi %mul3A_44, %add3A_45 : i32
    %dma_start3A_47 = arith.constant 0 : i32
    %dma_start3A_48 = tpu.memref_slice %arg11[%add3A_46, %dma_start3A_47] : memref<10240x128xf32, #tpu.memory_space<vmem_shared>> -> memref<128x128xf32, #tpu.memory_space<vmem_shared>>
    %dma_start3A_49 = arith.constant 0 : i32
    %dma_start3A_50 = tpu.memref_slice %arg11[%add3A_46, %dma_start3A_49] : memref<10240x128xf32, #tpu.memory_space<vmem_shared>> -> memref<128x128xf32, #tpu.memory_space<vmem_shared>>
    tpu.enqueue_dma source(%arg9 : memref<128x128xf32, #tpu.memory_space<vmem>>) target(%dma_start3A_50 : memref<128x128xf32, #tpu.memory_space<vmem_shared>>) target_semaphore(%arg12 : memref<!tpu.dma_semaphore, #tpu.memory_space<semaphore_mem>>)
    %run_scoped3A = arith.constant 0 : i32
    "tpu.region"() ({
      %run_scoped3A_179 = tpu.sem_alloc : memref<!tpu.dma_semaphore, #tpu.memory_space<semaphore_mem>>
      %dma_start3A_180 = arith.constant 0 : i32
      %dma_start3A_181 = arith.constant 0 : i32
      %dma_start3A_182 = tpu.memref_slice %arg4[%arg1, %run_scoped3A, %dma_start3A_180, %dma_start3A_181] : memref<16x2x40x128xi32, #tpu.memory_space<hbm>> -> memref<1x1x40x128xi32, #tpu.memory_space<hbm>>
      %dma_start3A_183 = tpu.memref_squeeze %dma_start3A_182 : memref<1x1x40x128xi32, #tpu.memory_space<hbm>> -> memref<40x128xi32, #tpu.memory_space<hbm>>
      %dma_start3A_184 = arith.constant 0 : i32
      %dma_start3A_185 = arith.constant 0 : i32
      %dma_start3A_186 = tpu.memref_slice %arg4[%arg1, %run_scoped3A, %dma_start3A_184, %dma_start3A_185] : memref<16x2x40x128xi32, #tpu.memory_space<hbm>> -> memref<1x1x40x128xi32, #tpu.memory_space<hbm>>
      %dma_start3A_187 = tpu.memref_squeeze %dma_start3A_186 : memref<1x1x40x128xi32, #tpu.memory_space<hbm>> -> memref<40x128xi32, #tpu.memory_space<hbm>>
      tpu.enqueue_dma source(%dma_start3A_187 : memref<40x128xi32, #tpu.memory_space<hbm>>) target(%arg8 : memref<40x128xi32, #tpu.memory_space<vmem>>) target_semaphore(%run_scoped3A_179 : memref<!tpu.dma_semaphore, #tpu.memory_space<semaphore_mem>>)
      %dma_wait3A_188 = arith.constant 0 : i32
      %dma_wait3A_189 = arith.constant 0 : i32
      %dma_wait3A_190 = tpu.memref_slice %arg4[%arg1, %run_scoped3A, %dma_wait3A_188, %dma_wait3A_189] : memref<16x2x40x128xi32, #tpu.memory_space<hbm>> -> memref<1x1x40x128xi32, #tpu.memory_space<hbm>>
      %dma_wait3A_191 = tpu.memref_squeeze %dma_wait3A_190 : memref<1x1x40x128xi32, #tpu.memory_space<hbm>> -> memref<40x128xi32, #tpu.memory_space<hbm>>
      %dma_wait3A_192 = arith.constant 0 : i32
      %dma_wait3A_193 = arith.constant 0 : i32
      %dma_wait3A_194 = tpu.memref_slice %arg4[%arg1, %run_scoped3A, %dma_wait3A_192, %dma_wait3A_193] : memref<16x2x40x128xi32, #tpu.memory_space<hbm>> -> memref<1x1x40x128xi32, #tpu.memory_space<hbm>>
      %dma_wait3A_195 = tpu.memref_squeeze %dma_wait3A_194 : memref<1x1x40x128xi32, #tpu.memory_space<hbm>> -> memref<40x128xi32, #tpu.memory_space<hbm>>
      tpu.wait_dma2 semaphore(%run_scoped3A_179 : memref<!tpu.dma_semaphore, #tpu.memory_space<semaphore_mem>>) src(%dma_wait3A_195 : memref<40x128xi32, #tpu.memory_space<hbm>>) dst(%arg8 : memref<40x128xi32, #tpu.memory_space<vmem>>)
      tpu.yield
    }) : () -> ()
    %dma_wait3A = arith.constant 0 : i32
    %dma_wait3A_51 = arith.constant 0 : i32
    %dma_wait3A_52 = arith.constant 0 : i32
    %dma_wait3A_53 = tpu.memref_slice %arg3[%arg0, %arg1, %dma_wait3A, %dma_wait3A_51, %dma_wait3A_52] : memref<2x16x2x40x128xi32, #tpu.memory_space<hbm>> -> memref<1x1x1x40x128xi32, #tpu.memory_space<hbm>>
    %dma_wait3A_54 = tpu.memref_squeeze %dma_wait3A_53 : memref<1x1x1x40x128xi32, #tpu.memory_space<hbm>> -> memref<40x128xi32, #tpu.memory_space<hbm>>
    %dma_wait3A_55 = arith.constant 0 : i32
    %dma_wait3A_56 = arith.constant 0 : i32
    %dma_wait3A_57 = tpu.memref_slice %arg3[%arg0, %arg1, %dma_wait3A, %dma_wait3A_55, %dma_wait3A_56] : memref<2x16x2x40x128xi32, #tpu.memory_space<hbm>> -> memref<1x1x1x40x128xi32, #tpu.memory_space<hbm>>
    %dma_wait3A_58 = tpu.memref_squeeze %dma_wait3A_57 : memref<1x1x1x40x128xi32, #tpu.memory_space<hbm>> -> memref<40x128xi32, #tpu.memory_space<hbm>>
    tpu.wait_dma2 semaphore(%arg13 : memref<!tpu.dma_semaphore, #tpu.memory_space<semaphore_mem>>) src(%dma_wait3A_58 : memref<40x128xi32, #tpu.memory_space<hbm>>) dst(%arg7 : memref<40x128xi32, #tpu.memory_space<vmem>>)
    %mul3A_59 = arith.constant 640 : i32
    %mul3A_60 = arith.muli %arg1, %mul3A_59 : i32
    %add3A_61 = arith.constant 0 : i32
    %add3A_62 = arith.addi %mul3A_60, %add3A_61 : i32
    %dma_wait3A_63 = arith.constant 0 : i32
    %dma_wait3A_64 = tpu.memref_slice %arg11[%add3A_62, %dma_wait3A_63] : memref<10240x128xf32, #tpu.memory_space<vmem_shared>> -> memref<128x128xf32, #tpu.memory_space<vmem_shared>>
    %dma_wait3A_65 = arith.constant 0 : i32
    %dma_wait3A_66 = tpu.memref_slice %arg11[%add3A_62, %dma_wait3A_65] : memref<10240x128xf32, #tpu.memory_space<vmem_shared>> -> memref<128x128xf32, #tpu.memory_space<vmem_shared>>
    tpu.wait_dma2 semaphore(%arg12 : memref<!tpu.dma_semaphore, #tpu.memory_space<semaphore_mem>>) src(%arg9 : memref<128x128xf32, #tpu.memory_space<vmem>>) dst(%dma_wait3A_66 : memref<128x128xf32, #tpu.memory_space<vmem_shared>>)
    %mul3A_67 = arith.constant 640 : i32
    %mul3A_68 = arith.muli %arg1, %mul3A_67 : i32
    %add3A_69 = arith.constant 128 : i32
    %add3A_70 = arith.addi %mul3A_68, %add3A_69 : i32
    %dma_wait3A_71 = arith.constant 0 : i32
    %dma_wait3A_72 = tpu.memref_slice %arg11[%add3A_70, %dma_wait3A_71] : memref<10240x128xf32, #tpu.memory_space<vmem_shared>> -> memref<128x128xf32, #tpu.memory_space<vmem_shared>>
    %dma_wait3A_73 = arith.constant 0 : i32
    %dma_wait3A_74 = tpu.memref_slice %arg11[%add3A_70, %dma_wait3A_73] : memref<10240x128xf32, #tpu.memory_space<vmem_shared>> -> memref<128x128xf32, #tpu.memory_space<vmem_shared>>
    tpu.wait_dma2 semaphore(%arg12 : memref<!tpu.dma_semaphore, #tpu.memory_space<semaphore_mem>>) src(%arg9 : memref<128x128xf32, #tpu.memory_space<vmem>>) dst(%dma_wait3A_74 : memref<128x128xf32, #tpu.memory_space<vmem_shared>>)
    %mul3A_75 = arith.constant 640 : i32
    %mul3A_76 = arith.muli %arg1, %mul3A_75 : i32
    %add3A_77 = arith.constant 256 : i32
    %add3A_78 = arith.addi %mul3A_76, %add3A_77 : i32
    %dma_wait3A_79 = arith.constant 0 : i32
    %dma_wait3A_80 = tpu.memref_slice %arg11[%add3A_78, %dma_wait3A_79] : memref<10240x128xf32, #tpu.memory_space<vmem_shared>> -> memref<128x128xf32, #tpu.memory_space<vmem_shared>>
    %dma_wait3A_81 = arith.constant 0 : i32
    %dma_wait3A_82 = tpu.memref_slice %arg11[%add3A_78, %dma_wait3A_81] : memref<10240x128xf32, #tpu.memory_space<vmem_shared>> -> memref<128x128xf32, #tpu.memory_space<vmem_shared>>
    tpu.wait_dma2 semaphore(%arg12 : memref<!tpu.dma_semaphore, #tpu.memory_space<semaphore_mem>>) src(%arg9 : memref<128x128xf32, #tpu.memory_space<vmem>>) dst(%dma_wait3A_82 : memref<128x128xf32, #tpu.memory_space<vmem_shared>>)
    %mul3A_83 = arith.constant 640 : i32
    %mul3A_84 = arith.muli %arg1, %mul3A_83 : i32
    %add3A_85 = arith.constant 384 : i32
    %add3A_86 = arith.addi %mul3A_84, %add3A_85 : i32
    %dma_wait3A_87 = arith.constant 0 : i32
    %dma_wait3A_88 = tpu.memref_slice %arg11[%add3A_86, %dma_wait3A_87] : memref<10240x128xf32, #tpu.memory_space<vmem_shared>> -> memref<128x128xf32, #tpu.memory_space<vmem_shared>>
    %dma_wait3A_89 = arith.constant 0 : i32
    %dma_wait3A_90 = tpu.memref_slice %arg11[%add3A_86, %dma_wait3A_89] : memref<10240x128xf32, #tpu.memory_space<vmem_shared>> -> memref<128x128xf32, #tpu.memory_space<vmem_shared>>
    tpu.wait_dma2 semaphore(%arg12 : memref<!tpu.dma_semaphore, #tpu.memory_space<semaphore_mem>>) src(%arg9 : memref<128x128xf32, #tpu.memory_space<vmem>>) dst(%dma_wait3A_90 : memref<128x128xf32, #tpu.memory_space<vmem_shared>>)
    %mul3A_91 = arith.constant 640 : i32
    %mul3A_92 = arith.muli %arg1, %mul3A_91 : i32
    %add3A_93 = arith.constant 512 : i32
    %add3A_94 = arith.addi %mul3A_92, %add3A_93 : i32
    %dma_wait3A_95 = arith.constant 0 : i32
    %dma_wait3A_96 = tpu.memref_slice %arg11[%add3A_94, %dma_wait3A_95] : memref<10240x128xf32, #tpu.memory_space<vmem_shared>> -> memref<128x128xf32, #tpu.memory_space<vmem_shared>>
    %dma_wait3A_97 = arith.constant 0 : i32
    %dma_wait3A_98 = tpu.memref_slice %arg11[%add3A_94, %dma_wait3A_97] : memref<10240x128xf32, #tpu.memory_space<vmem_shared>> -> memref<128x128xf32, #tpu.memory_space<vmem_shared>>
    tpu.wait_dma2 semaphore(%arg12 : memref<!tpu.dma_semaphore, #tpu.memory_space<semaphore_mem>>) src(%arg9 : memref<128x128xf32, #tpu.memory_space<vmem>>) dst(%dma_wait3A_98 : memref<128x128xf32, #tpu.memory_space<vmem_shared>>)
    %barrier3A = arith.constant 0 : index
    tpu.barrier barrier_id(%barrier3A)
    %dma_start3A_99 = arith.constant 0 : i32
    %dma_start3A_100 = arith.constant 0 : i32
    %dma_start3A_101 = tpu.memref_slice %arg7[%dma_start3A_99, %dma_start3A_100] : memref<40x128xi32, #tpu.memory_space<vmem>> -> memref<1x128xi32, #tpu.memory_space<vmem>>
    %dma_start3A_102 = tpu.memref_squeeze %dma_start3A_101 : memref<1x128xi32, #tpu.memory_space<vmem>> -> memref<128xi32, #tpu.memory_space<vmem>>
    %dma_start3A_103 = arith.constant 0 : i32
    %dma_start3A_104 = arith.constant 0 : i32
    %dma_start3A_105 = tpu.memref_slice %arg2[%dma_start3A_103, %dma_start3A_104] : memref<20480x128xf32, #tpu.memory_space<hbm>> -> memref<20480x128xf32, #tpu.memory_space<hbm>>
    tpu.enqueue_indirect_dma source(%dma_start3A_105 : memref<20480x128xf32, #tpu.memory_space<hbm>>) target(%arg9 : memref<128x128xf32, #tpu.memory_space<vmem>>) offsets(%dma_start3A_102 : memref<128xi32, #tpu.memory_space<vmem>>) semaphore(%arg12 : memref<!tpu.dma_semaphore, #tpu.memory_space<semaphore_mem>>)
    %scan3A_106 = arith.constant 0 : i32
    %scan3A_107 = arith.constant 19 : i32
    %scan3A_108 = arith.addi %scan3A_106, %scan3A_107 : i32
    %scan3A_109 = arith.constant 1 : i32
    scf.for %scan3A_179 = %scan3A_106 to %scan3A_108 step %scan3A_109  : i32 {
      %mul3A_180 = arith.constant 1 : i32
      %mul3A_181 = arith.muli %scan3A_179, %mul3A_180 : i32
      %add3A_182 = arith.constant 0 : i32
      %add3A_183 = arith.addi %add3A_182, %mul3A_181 : i32
      %mul3A_184 = arith.constant 2 : i32
      %mul3A_185 = arith.muli %mul3A_184, %add3A_183 : i32
      %add3A_186 = arith.constant 1 : i32
      %add3A_187 = arith.addi %mul3A_185, %add3A_186 : i32
      %dma_start3A_188 = arith.constant 0 : i32
      %dma_start3A_189 = tpu.memref_slice %arg7[%add3A_187, %dma_start3A_188] : memref<40x128xi32, #tpu.memory_space<vmem>> -> memref<1x128xi32, #tpu.memory_space<vmem>>
      %dma_start3A_190 = tpu.memref_squeeze %dma_start3A_189 : memref<1x128xi32, #tpu.memory_space<vmem>> -> memref<128xi32, #tpu.memory_space<vmem>>
      %dma_start3A_191 = arith.constant 0 : i32
      %dma_start3A_192 = arith.constant 0 : i32
      %dma_start3A_193 = tpu.memref_slice %arg2[%dma_start3A_191, %dma_start3A_192] : memref<20480x128xf32, #tpu.memory_space<hbm>> -> memref<20480x128xf32, #tpu.memory_space<hbm>>
      tpu.enqueue_indirect_dma source(%dma_start3A_193 : memref<20480x128xf32, #tpu.memory_space<hbm>>) target(%arg10 : memref<128x128xf32, #tpu.memory_space<vmem>>) offsets(%dma_start3A_190 : memref<128xi32, #tpu.memory_space<vmem>>) semaphore(%arg13 : memref<!tpu.dma_semaphore, #tpu.memory_space<semaphore_mem>>)
      %dma_wait3A_194 = arith.constant 0 : i32
      %dma_wait3A_195 = tpu.memref_slice %arg7[%mul3A_185, %dma_wait3A_194] : memref<40x128xi32, #tpu.memory_space<vmem>> -> memref<1x128xi32, #tpu.memory_space<vmem>>
      %dma_wait3A_196 = tpu.memref_squeeze %dma_wait3A_195 : memref<1x128xi32, #tpu.memory_space<vmem>> -> memref<128xi32, #tpu.memory_space<vmem>>
      %dma_wait3A_197 = arith.constant 0 : i32
      %dma_wait3A_198 = arith.constant 0 : i32
      %dma_wait3A_199 = tpu.memref_slice %arg2[%dma_wait3A_197, %dma_wait3A_198] : memref<20480x128xf32, #tpu.memory_space<hbm>> -> memref<20480x128xf32, #tpu.memory_space<hbm>>
      tpu.wait_indirect_dma semaphore(%arg12 : memref<!tpu.dma_semaphore, #tpu.memory_space<semaphore_mem>>) src(%dma_wait3A_199 : memref<20480x128xf32, #tpu.memory_space<hbm>>) dst(%arg9 : memref<128x128xf32, #tpu.memory_space<vmem>>)
      "tpu.region"() ({
        %run_scoped3A_218 = tpu.sem_alloc : memref<!tpu.dma_semaphore, #tpu.memory_space<semaphore_mem>>
        %dma_start3A_219 = arith.constant 0 : i32
        %dma_start3A_220 = tpu.memref_slice %arg8[%mul3A_185, %dma_start3A_219] : memref<40x128xi32, #tpu.memory_space<vmem>> -> memref<1x128xi32, #tpu.memory_space<vmem>>
        %dma_start3A_221 = tpu.memref_squeeze %dma_start3A_220 : memref<1x128xi32, #tpu.memory_space<vmem>> -> memref<128xi32, #tpu.memory_space<vmem>>
        %dma_start3A_222 = arith.constant 0 : i32
        %dma_start3A_223 = arith.constant 0 : i32
        %dma_start3A_224 = tpu.memref_slice %arg11[%dma_start3A_222, %dma_start3A_223] : memref<10240x128xf32, #tpu.memory_space<vmem_shared>> -> memref<10240x128xf32, #tpu.memory_space<vmem_shared>>
        tpu.enqueue_indirect_dma source(%arg9 : memref<128x128xf32, #tpu.memory_space<vmem>>) target(%dma_start3A_224 : memref<10240x128xf32, #tpu.memory_space<vmem_shared>>) offsets(%dma_start3A_221 : memref<128xi32, #tpu.memory_space<vmem>>) semaphore(%run_scoped3A_218 : memref<!tpu.dma_semaphore, #tpu.memory_space<semaphore_mem>>) {add = true}
        %dma_wait3A_225 = arith.constant 0 : i32
        %dma_wait3A_226 = tpu.memref_slice %arg8[%mul3A_185, %dma_wait3A_225] : memref<40x128xi32, #tpu.memory_space<vmem>> -> memref<1x128xi32, #tpu.memory_space<vmem>>
        %dma_wait3A_227 = tpu.memref_squeeze %dma_wait3A_226 : memref<1x128xi32, #tpu.memory_space<vmem>> -> memref<128xi32, #tpu.memory_space<vmem>>
        %dma_wait3A_228 = arith.constant 0 : i32
        %dma_wait3A_229 = arith.constant 0 : i32
        %dma_wait3A_230 = tpu.memref_slice %arg11[%dma_wait3A_228, %dma_wait3A_229] : memref<10240x128xf32, #tpu.memory_space<vmem_shared>> -> memref<10240x128xf32, #tpu.memory_space<vmem_shared>>
        tpu.wait_indirect_dma semaphore(%run_scoped3A_218 : memref<!tpu.dma_semaphore, #tpu.memory_space<semaphore_mem>>) src(%arg9 : memref<128x128xf32, #tpu.memory_space<vmem>>) dst(%dma_wait3A_230 : memref<10240x128xf32, #tpu.memory_space<vmem_shared>>)
        tpu.yield
      }) : () -> ()
      %add3A_200 = arith.constant 2 : i32
      %add3A_201 = arith.addi %mul3A_185, %add3A_200 : i32
      %dma_start3A_202 = arith.constant 0 : i32
      %dma_start3A_203 = tpu.memref_slice %arg7[%add3A_201, %dma_start3A_202] : memref<40x128xi32, #tpu.memory_space<vmem>> -> memref<1x128xi32, #tpu.memory_space<vmem>>
      %dma_start3A_204 = tpu.memref_squeeze %dma_start3A_203 : memref<1x128xi32, #tpu.memory_space<vmem>> -> memref<128xi32, #tpu.memory_space<vmem>>
      %dma_start3A_205 = arith.constant 0 : i32
      %dma_start3A_206 = arith.constant 0 : i32
      %dma_start3A_207 = tpu.memref_slice %arg2[%dma_start3A_205, %dma_start3A_206] : memref<20480x128xf32, #tpu.memory_space<hbm>> -> memref<20480x128xf32, #tpu.memory_space<hbm>>
      tpu.enqueue_indirect_dma source(%dma_start3A_207 : memref<20480x128xf32, #tpu.memory_space<hbm>>) target(%arg9 : memref<128x128xf32, #tpu.memory_space<vmem>>) offsets(%dma_start3A_204 : memref<128xi32, #tpu.memory_space<vmem>>) semaphore(%arg12 : memref<!tpu.dma_semaphore, #tpu.memory_space<semaphore_mem>>)
      %add3A_208 = arith.constant 1 : i32
      %add3A_209 = arith.addi %mul3A_185, %add3A_208 : i32
      %dma_wait3A_210 = arith.constant 0 : i32
      %dma_wait3A_211 = tpu.memref_slice %arg7[%add3A_209, %dma_wait3A_210] : memref<40x128xi32, #tpu.memory_space<vmem>> -> memref<1x128xi32, #tpu.memory_space<vmem>>
      %dma_wait3A_212 = tpu.memref_squeeze %dma_wait3A_211 : memref<1x128xi32, #tpu.memory_space<vmem>> -> memref<128xi32, #tpu.memory_space<vmem>>
      %dma_wait3A_213 = arith.constant 0 : i32
      %dma_wait3A_214 = arith.constant 0 : i32
      %dma_wait3A_215 = tpu.memref_slice %arg2[%dma_wait3A_213, %dma_wait3A_214] : memref<20480x128xf32, #tpu.memory_space<hbm>> -> memref<20480x128xf32, #tpu.memory_space<hbm>>
      tpu.wait_indirect_dma semaphore(%arg13 : memref<!tpu.dma_semaphore, #tpu.memory_space<semaphore_mem>>) src(%dma_wait3A_215 : memref<20480x128xf32, #tpu.memory_space<hbm>>) dst(%arg10 : memref<128x128xf32, #tpu.memory_space<vmem>>)
      %add3A_216 = arith.constant 1 : i32
      %add3A_217 = arith.addi %mul3A_185, %add3A_216 : i32
      "tpu.region"() ({
        %run_scoped3A_218 = tpu.sem_alloc : memref<!tpu.dma_semaphore, #tpu.memory_space<semaphore_mem>>
        %dma_start3A_219 = arith.constant 0 : i32
        %dma_start3A_220 = tpu.memref_slice %arg8[%add3A_217, %dma_start3A_219] : memref<40x128xi32, #tpu.memory_space<vmem>> -> memref<1x128xi32, #tpu.memory_space<vmem>>
        %dma_start3A_221 = tpu.memref_squeeze %dma_start3A_220 : memref<1x128xi32, #tpu.memory_space<vmem>> -> memref<128xi32, #tpu.memory_space<vmem>>
        %dma_start3A_222 = arith.constant 0 : i32
        %dma_start3A_223 = arith.constant 0 : i32
        %dma_start3A_224 = tpu.memref_slice %arg11[%dma_start3A_222, %dma_start3A_223] : memref<10240x128xf32, #tpu.memory_space<vmem_shared>> -> memref<10240x128xf32, #tpu.memory_space<vmem_shared>>
        tpu.enqueue_indirect_dma source(%arg10 : memref<128x128xf32, #tpu.memory_space<vmem>>) target(%dma_start3A_224 : memref<10240x128xf32, #tpu.memory_space<vmem_shared>>) offsets(%dma_start3A_221 : memref<128xi32, #tpu.memory_space<vmem>>) semaphore(%run_scoped3A_218 : memref<!tpu.dma_semaphore, #tpu.memory_space<semaphore_mem>>) {add = true}
        %dma_wait3A_225 = arith.constant 0 : i32
        %dma_wait3A_226 = tpu.memref_slice %arg8[%add3A_217, %dma_wait3A_225] : memref<40x128xi32, #tpu.memory_space<vmem>> -> memref<1x128xi32, #tpu.memory_space<vmem>>
        %dma_wait3A_227 = tpu.memref_squeeze %dma_wait3A_226 : memref<1x128xi32, #tpu.memory_space<vmem>> -> memref<128xi32, #tpu.memory_space<vmem>>
        %dma_wait3A_228 = arith.constant 0 : i32
        %dma_wait3A_229 = arith.constant 0 : i32
        %dma_wait3A_230 = tpu.memref_slice %arg11[%dma_wait3A_228, %dma_wait3A_229] : memref<10240x128xf32, #tpu.memory_space<vmem_shared>> -> memref<10240x128xf32, #tpu.memory_space<vmem_shared>>
        tpu.wait_indirect_dma semaphore(%run_scoped3A_218 : memref<!tpu.dma_semaphore, #tpu.memory_space<semaphore_mem>>) src(%arg10 : memref<128x128xf32, #tpu.memory_space<vmem>>) dst(%dma_wait3A_230 : memref<10240x128xf32, #tpu.memory_space<vmem_shared>>)
        tpu.yield
      }) : () -> ()
    }
    %scan3A_110 = arith.constant 19 : i32
    %dma_start3A_111 = arith.constant 39 : i32
    %dma_start3A_112 = arith.constant 0 : i32
    %dma_start3A_113 = tpu.memref_slice %arg7[%dma_start3A_111, %dma_start3A_112] : memref<40x128xi32, #tpu.memory_space<vmem>> -> memref<1x128xi32, #tpu.memory_space<vmem>>
    %dma_start3A_114 = tpu.memref_squeeze %dma_start3A_113 : memref<1x128xi32, #tpu.memory_space<vmem>> -> memref<128xi32, #tpu.memory_space<vmem>>
    %dma_start3A_115 = arith.constant 0 : i32
    %dma_start3A_116 = arith.constant 0 : i32
    %dma_start3A_117 = tpu.memref_slice %arg2[%dma_start3A_115, %dma_start3A_116] : memref<20480x128xf32, #tpu.memory_space<hbm>> -> memref<20480x128xf32, #tpu.memory_space<hbm>>
    tpu.enqueue_indirect_dma source(%dma_start3A_117 : memref<20480x128xf32, #tpu.memory_space<hbm>>) target(%arg10 : memref<128x128xf32, #tpu.memory_space<vmem>>) offsets(%dma_start3A_114 : memref<128xi32, #tpu.memory_space<vmem>>) semaphore(%arg13 : memref<!tpu.dma_semaphore, #tpu.memory_space<semaphore_mem>>)
    %dma_wait3A_118 = arith.constant 38 : i32
    %dma_wait3A_119 = arith.constant 0 : i32
    %dma_wait3A_120 = tpu.memref_slice %arg7[%dma_wait3A_118, %dma_wait3A_119] : memref<40x128xi32, #tpu.memory_space<vmem>> -> memref<1x128xi32, #tpu.memory_space<vmem>>
    %dma_wait3A_121 = tpu.memref_squeeze %dma_wait3A_120 : memref<1x128xi32, #tpu.memory_space<vmem>> -> memref<128xi32, #tpu.memory_space<vmem>>
    %dma_wait3A_122 = arith.constant 0 : i32
    %dma_wait3A_123 = arith.constant 0 : i32
    %dma_wait3A_124 = tpu.memref_slice %arg2[%dma_wait3A_122, %dma_wait3A_123] : memref<20480x128xf32, #tpu.memory_space<hbm>> -> memref<20480x128xf32, #tpu.memory_space<hbm>>
    tpu.wait_indirect_dma semaphore(%arg12 : memref<!tpu.dma_semaphore, #tpu.memory_space<semaphore_mem>>) src(%dma_wait3A_124 : memref<20480x128xf32, #tpu.memory_space<hbm>>) dst(%arg9 : memref<128x128xf32, #tpu.memory_space<vmem>>)
    %run_scoped3A_125 = arith.constant 38 : i32
    "tpu.region"() ({
      %run_scoped3A_179 = tpu.sem_alloc : memref<!tpu.dma_semaphore, #tpu.memory_space<semaphore_mem>>
      %dma_start3A_180 = arith.constant 0 : i32
      %dma_start3A_181 = tpu.memref_slice %arg8[%run_scoped3A_125, %dma_start3A_180] : memref<40x128xi32, #tpu.memory_space<vmem>> -> memref<1x128xi32, #tpu.memory_space<vmem>>
      %dma_start3A_182 = tpu.memref_squeeze %dma_start3A_181 : memref<1x128xi32, #tpu.memory_space<vmem>> -> memref<128xi32, #tpu.memory_space<vmem>>
      %dma_start3A_183 = arith.constant 0 : i32
      %dma_start3A_184 = arith.constant 0 : i32
      %dma_start3A_185 = tpu.memref_slice %arg11[%dma_start3A_183, %dma_start3A_184] : memref<10240x128xf32, #tpu.memory_space<vmem_shared>> -> memref<10240x128xf32, #tpu.memory_space<vmem_shared>>
      tpu.enqueue_indirect_dma source(%arg9 : memref<128x128xf32, #tpu.memory_space<vmem>>) target(%dma_start3A_185 : memref<10240x128xf32, #tpu.memory_space<vmem_shared>>) offsets(%dma_start3A_182 : memref<128xi32, #tpu.memory_space<vmem>>) semaphore(%run_scoped3A_179 : memref<!tpu.dma_semaphore, #tpu.memory_space<semaphore_mem>>) {add = true}
      %dma_wait3A_186 = arith.constant 0 : i32
      %dma_wait3A_187 = tpu.memref_slice %arg8[%run_scoped3A_125, %dma_wait3A_186] : memref<40x128xi32, #tpu.memory_space<vmem>> -> memref<1x128xi32, #tpu.memory_space<vmem>>
      %dma_wait3A_188 = tpu.memref_squeeze %dma_wait3A_187 : memref<1x128xi32, #tpu.memory_space<vmem>> -> memref<128xi32, #tpu.memory_space<vmem>>
      %dma_wait3A_189 = arith.constant 0 : i32
      %dma_wait3A_190 = arith.constant 0 : i32
      %dma_wait3A_191 = tpu.memref_slice %arg11[%dma_wait3A_189, %dma_wait3A_190] : memref<10240x128xf32, #tpu.memory_space<vmem_shared>> -> memref<10240x128xf32, #tpu.memory_space<vmem_shared>>
      tpu.wait_indirect_dma semaphore(%run_scoped3A_179 : memref<!tpu.dma_semaphore, #tpu.memory_space<semaphore_mem>>) src(%arg9 : memref<128x128xf32, #tpu.memory_space<vmem>>) dst(%dma_wait3A_191 : memref<10240x128xf32, #tpu.memory_space<vmem_shared>>)
      tpu.yield
    }) : () -> ()
    %dma_wait3A_126 = arith.constant 39 : i32
    %dma_wait3A_127 = arith.constant 0 : i32
    %dma_wait3A_128 = tpu.memref_slice %arg7[%dma_wait3A_126, %dma_wait3A_127] : memref<40x128xi32, #tpu.memory_space<vmem>> -> memref<1x128xi32, #tpu.memory_space<vmem>>
    %dma_wait3A_129 = tpu.memref_squeeze %dma_wait3A_128 : memref<1x128xi32, #tpu.memory_space<vmem>> -> memref<128xi32, #tpu.memory_space<vmem>>
    %dma_wait3A_130 = arith.constant 0 : i32
    %dma_wait3A_131 = arith.constant 0 : i32
    %dma_wait3A_132 = tpu.memref_slice %arg2[%dma_wait3A_130, %dma_wait3A_131] : memref<20480x128xf32, #tpu.memory_space<hbm>> -> memref<20480x128xf32, #tpu.memory_space<hbm>>
    tpu.wait_indirect_dma semaphore(%arg13 : memref<!tpu.dma_semaphore, #tpu.memory_space<semaphore_mem>>) src(%dma_wait3A_132 : memref<20480x128xf32, #tpu.memory_space<hbm>>) dst(%arg10 : memref<128x128xf32, #tpu.memory_space<vmem>>)
    %run_scoped3A_133 = arith.constant 39 : i32
    "tpu.region"() ({
      %run_scoped3A_179 = tpu.sem_alloc : memref<!tpu.dma_semaphore, #tpu.memory_space<semaphore_mem>>
      %dma_start3A_180 = arith.constant 0 : i32
      %dma_start3A_181 = tpu.memref_slice %arg8[%run_scoped3A_133, %dma_start3A_180] : memref<40x128xi32, #tpu.memory_space<vmem>> -> memref<1x128xi32, #tpu.memory_space<vmem>>
      %dma_start3A_182 = tpu.memref_squeeze %dma_start3A_181 : memref<1x128xi32, #tpu.memory_space<vmem>> -> memref<128xi32, #tpu.memory_space<vmem>>
      %dma_start3A_183 = arith.constant 0 : i32
      %dma_start3A_184 = arith.constant 0 : i32
      %dma_start3A_185 = tpu.memref_slice %arg11[%dma_start3A_183, %dma_start3A_184] : memref<10240x128xf32, #tpu.memory_space<vmem_shared>> -> memref<10240x128xf32, #tpu.memory_space<vmem_shared>>
      tpu.enqueue_indirect_dma source(%arg10 : memref<128x128xf32, #tpu.memory_space<vmem>>) target(%dma_start3A_185 : memref<10240x128xf32, #tpu.memory_space<vmem_shared>>) offsets(%dma_start3A_182 : memref<128xi32, #tpu.memory_space<vmem>>) semaphore(%run_scoped3A_179 : memref<!tpu.dma_semaphore, #tpu.memory_space<semaphore_mem>>) {add = true}
      %dma_wait3A_186 = arith.constant 0 : i32
      %dma_wait3A_187 = tpu.memref_slice %arg8[%run_scoped3A_133, %dma_wait3A_186] : memref<40x128xi32, #tpu.memory_space<vmem>> -> memref<1x128xi32, #tpu.memory_space<vmem>>
      %dma_wait3A_188 = tpu.memref_squeeze %dma_wait3A_187 : memref<1x128xi32, #tpu.memory_space<vmem>> -> memref<128xi32, #tpu.memory_space<vmem>>
      %dma_wait3A_189 = arith.constant 0 : i32
      %dma_wait3A_190 = arith.constant 0 : i32
      %dma_wait3A_191 = tpu.memref_slice %arg11[%dma_wait3A_189, %dma_wait3A_190] : memref<10240x128xf32, #tpu.memory_space<vmem_shared>> -> memref<10240x128xf32, #tpu.memory_space<vmem_shared>>
      tpu.wait_indirect_dma semaphore(%run_scoped3A_179 : memref<!tpu.dma_semaphore, #tpu.memory_space<semaphore_mem>>) src(%arg10 : memref<128x128xf32, #tpu.memory_space<vmem>>) dst(%dma_wait3A_191 : memref<10240x128xf32, #tpu.memory_space<vmem_shared>>)
      tpu.yield
    }) : () -> ()
    %run_scoped3A_134 = arith.constant 1 : i32
    "tpu.region"() ({
      %run_scoped3A_179 = tpu.sem_alloc : memref<!tpu.dma_semaphore, #tpu.memory_space<semaphore_mem>>
      %dma_start3A_180 = arith.constant 0 : i32
      %dma_start3A_181 = arith.constant 0 : i32
      %dma_start3A_182 = tpu.memref_slice %arg3[%arg0, %arg1, %run_scoped3A_134, %dma_start3A_180, %dma_start3A_181] : memref<2x16x2x40x128xi32, #tpu.memory_space<hbm>> -> memref<1x1x1x40x128xi32, #tpu.memory_space<hbm>>
      %dma_start3A_183 = tpu.memref_squeeze %dma_start3A_182 : memref<1x1x1x40x128xi32, #tpu.memory_space<hbm>> -> memref<40x128xi32, #tpu.memory_space<hbm>>
      %dma_start3A_184 = arith.constant 0 : i32
      %dma_start3A_185 = arith.constant 0 : i32
      %dma_start3A_186 = tpu.memref_slice %arg3[%arg0, %arg1, %run_scoped3A_134, %dma_start3A_184, %dma_start3A_185] : memref<2x16x2x40x128xi32, #tpu.memory_space<hbm>> -> memref<1x1x1x40x128xi32, #tpu.memory_space<hbm>>
      %dma_start3A_187 = tpu.memref_squeeze %dma_start3A_186 : memref<1x1x1x40x128xi32, #tpu.memory_space<hbm>> -> memref<40x128xi32, #tpu.memory_space<hbm>>
      tpu.enqueue_dma source(%dma_start3A_187 : memref<40x128xi32, #tpu.memory_space<hbm>>) target(%arg7 : memref<40x128xi32, #tpu.memory_space<vmem>>) target_semaphore(%run_scoped3A_179 : memref<!tpu.dma_semaphore, #tpu.memory_space<semaphore_mem>>)
      %dma_wait3A_188 = arith.constant 0 : i32
      %dma_wait3A_189 = arith.constant 0 : i32
      %dma_wait3A_190 = tpu.memref_slice %arg3[%arg0, %arg1, %run_scoped3A_134, %dma_wait3A_188, %dma_wait3A_189] : memref<2x16x2x40x128xi32, #tpu.memory_space<hbm>> -> memref<1x1x1x40x128xi32, #tpu.memory_space<hbm>>
      %dma_wait3A_191 = tpu.memref_squeeze %dma_wait3A_190 : memref<1x1x1x40x128xi32, #tpu.memory_space<hbm>> -> memref<40x128xi32, #tpu.memory_space<hbm>>
      %dma_wait3A_192 = arith.constant 0 : i32
      %dma_wait3A_193 = arith.constant 0 : i32
      %dma_wait3A_194 = tpu.memref_slice %arg3[%arg0, %arg1, %run_scoped3A_134, %dma_wait3A_192, %dma_wait3A_193] : memref<2x16x2x40x128xi32, #tpu.memory_space<hbm>> -> memref<1x1x1x40x128xi32, #tpu.memory_space<hbm>>
      %dma_wait3A_195 = tpu.memref_squeeze %dma_wait3A_194 : memref<1x1x1x40x128xi32, #tpu.memory_space<hbm>> -> memref<40x128xi32, #tpu.memory_space<hbm>>
      tpu.wait_dma2 semaphore(%run_scoped3A_179 : memref<!tpu.dma_semaphore, #tpu.memory_space<semaphore_mem>>) src(%dma_wait3A_195 : memref<40x128xi32, #tpu.memory_space<hbm>>) dst(%arg7 : memref<40x128xi32, #tpu.memory_space<vmem>>)
      tpu.yield
    }) : () -> ()
    %run_scoped3A_135 = arith.constant 1 : i32
    "tpu.region"() ({
      %run_scoped3A_179 = tpu.sem_alloc : memref<!tpu.dma_semaphore, #tpu.memory_space<semaphore_mem>>
      %dma_start3A_180 = arith.constant 0 : i32
      %dma_start3A_181 = arith.constant 0 : i32
      %dma_start3A_182 = tpu.memref_slice %arg4[%arg1, %run_scoped3A_135, %dma_start3A_180, %dma_start3A_181] : memref<16x2x40x128xi32, #tpu.memory_space<hbm>> -> memref<1x1x40x128xi32, #tpu.memory_space<hbm>>
      %dma_start3A_183 = tpu.memref_squeeze %dma_start3A_182 : memref<1x1x40x128xi32, #tpu.memory_space<hbm>> -> memref<40x128xi32, #tpu.memory_space<hbm>>
      %dma_start3A_184 = arith.constant 0 : i32
      %dma_start3A_185 = arith.constant 0 : i32
      %dma_start3A_186 = tpu.memref_slice %arg4[%arg1, %run_scoped3A_135, %dma_start3A_184, %dma_start3A_185] : memref<16x2x40x128xi32, #tpu.memory_space<hbm>> -> memref<1x1x40x128xi32, #tpu.memory_space<hbm>>
      %dma_start3A_187 = tpu.memref_squeeze %dma_start3A_186 : memref<1x1x40x128xi32, #tpu.memory_space<hbm>> -> memref<40x128xi32, #tpu.memory_space<hbm>>
      tpu.enqueue_dma source(%dma_start3A_187 : memref<40x128xi32, #tpu.memory_space<hbm>>) target(%arg8 : memref<40x128xi32, #tpu.memory_space<vmem>>) target_semaphore(%run_scoped3A_179 : memref<!tpu.dma_semaphore, #tpu.memory_space<semaphore_mem>>)
      %dma_wait3A_188 = arith.constant 0 : i32
      %dma_wait3A_189 = arith.constant 0 : i32
      %dma_wait3A_190 = tpu.memref_slice %arg4[%arg1, %run_scoped3A_135, %dma_wait3A_188, %dma_wait3A_189] : memref<16x2x40x128xi32, #tpu.memory_space<hbm>> -> memref<1x1x40x128xi32, #tpu.memory_space<hbm>>
      %dma_wait3A_191 = tpu.memref_squeeze %dma_wait3A_190 : memref<1x1x40x128xi32, #tpu.memory_space<hbm>> -> memref<40x128xi32, #tpu.memory_space<hbm>>
      %dma_wait3A_192 = arith.constant 0 : i32
      %dma_wait3A_193 = arith.constant 0 : i32
      %dma_wait3A_194 = tpu.memref_slice %arg4[%arg1, %run_scoped3A_135, %dma_wait3A_192, %dma_wait3A_193] : memref<16x2x40x128xi32, #tpu.memory_space<hbm>> -> memref<1x1x40x128xi32, #tpu.memory_space<hbm>>
      %dma_wait3A_195 = tpu.memref_squeeze %dma_wait3A_194 : memref<1x1x40x128xi32, #tpu.memory_space<hbm>> -> memref<40x128xi32, #tpu.memory_space<hbm>>
      tpu.wait_dma2 semaphore(%run_scoped3A_179 : memref<!tpu.dma_semaphore, #tpu.memory_space<semaphore_mem>>) src(%dma_wait3A_195 : memref<40x128xi32, #tpu.memory_space<hbm>>) dst(%arg8 : memref<40x128xi32, #tpu.memory_space<vmem>>)
      tpu.yield
    }) : () -> ()
    %dma_start3A_136 = arith.constant 0 : i32
    %dma_start3A_137 = arith.constant 0 : i32
    %dma_start3A_138 = tpu.memref_slice %arg7[%dma_start3A_136, %dma_start3A_137] : memref<40x128xi32, #tpu.memory_space<vmem>> -> memref<1x128xi32, #tpu.memory_space<vmem>>
    %dma_start3A_139 = tpu.memref_squeeze %dma_start3A_138 : memref<1x128xi32, #tpu.memory_space<vmem>> -> memref<128xi32, #tpu.memory_space<vmem>>
    %dma_start3A_140 = arith.constant 0 : i32
    %dma_start3A_141 = arith.constant 0 : i32
    %dma_start3A_142 = tpu.memref_slice %arg2[%dma_start3A_140, %dma_start3A_141] : memref<20480x128xf32, #tpu.memory_space<hbm>> -> memref<20480x128xf32, #tpu.memory_space<hbm>>
    tpu.enqueue_indirect_dma source(%dma_start3A_142 : memref<20480x128xf32, #tpu.memory_space<hbm>>) target(%arg9 : memref<128x128xf32, #tpu.memory_space<vmem>>) offsets(%dma_start3A_139 : memref<128xi32, #tpu.memory_space<vmem>>) semaphore(%arg12 : memref<!tpu.dma_semaphore, #tpu.memory_space<semaphore_mem>>)
    %scan3A_143 = arith.constant 0 : i32
    %scan3A_144 = arith.constant 19 : i32
    %scan3A_145 = arith.addi %scan3A_143, %scan3A_144 : i32
    %scan3A_146 = arith.constant 1 : i32
    scf.for %scan3A_179 = %scan3A_143 to %scan3A_145 step %scan3A_146  : i32 {
      %mul3A_180 = arith.constant 1 : i32
      %mul3A_181 = arith.muli %scan3A_179, %mul3A_180 : i32
      %add3A_182 = arith.constant 0 : i32
      %add3A_183 = arith.addi %add3A_182, %mul3A_181 : i32
      %mul3A_184 = arith.constant 2 : i32
      %mul3A_185 = arith.muli %mul3A_184, %add3A_183 : i32
      %add3A_186 = arith.constant 1 : i32
      %add3A_187 = arith.addi %mul3A_185, %add3A_186 : i32
      %dma_start3A_188 = arith.constant 0 : i32
      %dma_start3A_189 = tpu.memref_slice %arg7[%add3A_187, %dma_start3A_188] : memref<40x128xi32, #tpu.memory_space<vmem>> -> memref<1x128xi32, #tpu.memory_space<vmem>>
      %dma_start3A_190 = tpu.memref_squeeze %dma_start3A_189 : memref<1x128xi32, #tpu.memory_space<vmem>> -> memref<128xi32, #tpu.memory_space<vmem>>
      %dma_start3A_191 = arith.constant 0 : i32
      %dma_start3A_192 = arith.constant 0 : i32
      %dma_start3A_193 = tpu.memref_slice %arg2[%dma_start3A_191, %dma_start3A_192] : memref<20480x128xf32, #tpu.memory_space<hbm>> -> memref<20480x128xf32, #tpu.memory_space<hbm>>
      tpu.enqueue_indirect_dma source(%dma_start3A_193 : memref<20480x128xf32, #tpu.memory_space<hbm>>) target(%arg10 : memref<128x128xf32, #tpu.memory_space<vmem>>) offsets(%dma_start3A_190 : memref<128xi32, #tpu.memory_space<vmem>>) semaphore(%arg13 : memref<!tpu.dma_semaphore, #tpu.memory_space<semaphore_mem>>)
      %dma_wait3A_194 = arith.constant 0 : i32
      %dma_wait3A_195 = tpu.memref_slice %arg7[%mul3A_185, %dma_wait3A_194] : memref<40x128xi32, #tpu.memory_space<vmem>> -> memref<1x128xi32, #tpu.memory_space<vmem>>
      %dma_wait3A_196 = tpu.memref_squeeze %dma_wait3A_195 : memref<1x128xi32, #tpu.memory_space<vmem>> -> memref<128xi32, #tpu.memory_space<vmem>>
      %dma_wait3A_197 = arith.constant 0 : i32
      %dma_wait3A_198 = arith.constant 0 : i32
      %dma_wait3A_199 = tpu.memref_slice %arg2[%dma_wait3A_197, %dma_wait3A_198] : memref<20480x128xf32, #tpu.memory_space<hbm>> -> memref<20480x128xf32, #tpu.memory_space<hbm>>
      tpu.wait_indirect_dma semaphore(%arg12 : memref<!tpu.dma_semaphore, #tpu.memory_space<semaphore_mem>>) src(%dma_wait3A_199 : memref<20480x128xf32, #tpu.memory_space<hbm>>) dst(%arg9 : memref<128x128xf32, #tpu.memory_space<vmem>>)
      "tpu.region"() ({
        %run_scoped3A_218 = tpu.sem_alloc : memref<!tpu.dma_semaphore, #tpu.memory_space<semaphore_mem>>
        %dma_start3A_219 = arith.constant 0 : i32
        %dma_start3A_220 = tpu.memref_slice %arg8[%mul3A_185, %dma_start3A_219] : memref<40x128xi32, #tpu.memory_space<vmem>> -> memref<1x128xi32, #tpu.memory_space<vmem>>
        %dma_start3A_221 = tpu.memref_squeeze %dma_start3A_220 : memref<1x128xi32, #tpu.memory_space<vmem>> -> memref<128xi32, #tpu.memory_space<vmem>>
        %dma_start3A_222 = arith.constant 0 : i32
        %dma_start3A_223 = arith.constant 0 : i32
        %dma_start3A_224 = tpu.memref_slice %arg11[%dma_start3A_222, %dma_start3A_223] : memref<10240x128xf32, #tpu.memory_space<vmem_shared>> -> memref<10240x128xf32, #tpu.memory_space<vmem_shared>>
        tpu.enqueue_indirect_dma source(%arg9 : memref<128x128xf32, #tpu.memory_space<vmem>>) target(%dma_start3A_224 : memref<10240x128xf32, #tpu.memory_space<vmem_shared>>) offsets(%dma_start3A_221 : memref<128xi32, #tpu.memory_space<vmem>>) semaphore(%run_scoped3A_218 : memref<!tpu.dma_semaphore, #tpu.memory_space<semaphore_mem>>) {add = true}
        %dma_wait3A_225 = arith.constant 0 : i32
        %dma_wait3A_226 = tpu.memref_slice %arg8[%mul3A_185, %dma_wait3A_225] : memref<40x128xi32, #tpu.memory_space<vmem>> -> memref<1x128xi32, #tpu.memory_space<vmem>>
        %dma_wait3A_227 = tpu.memref_squeeze %dma_wait3A_226 : memref<1x128xi32, #tpu.memory_space<vmem>> -> memref<128xi32, #tpu.memory_space<vmem>>
        %dma_wait3A_228 = arith.constant 0 : i32
        %dma_wait3A_229 = arith.constant 0 : i32
        %dma_wait3A_230 = tpu.memref_slice %arg11[%dma_wait3A_228, %dma_wait3A_229] : memref<10240x128xf32, #tpu.memory_space<vmem_shared>> -> memref<10240x128xf32, #tpu.memory_space<vmem_shared>>
        tpu.wait_indirect_dma semaphore(%run_scoped3A_218 : memref<!tpu.dma_semaphore, #tpu.memory_space<semaphore_mem>>) src(%arg9 : memref<128x128xf32, #tpu.memory_space<vmem>>) dst(%dma_wait3A_230 : memref<10240x128xf32, #tpu.memory_space<vmem_shared>>)
        tpu.yield
      }) : () -> ()
      %add3A_200 = arith.constant 2 : i32
      %add3A_201 = arith.addi %mul3A_185, %add3A_200 : i32
      %dma_start3A_202 = arith.constant 0 : i32
      %dma_start3A_203 = tpu.memref_slice %arg7[%add3A_201, %dma_start3A_202] : memref<40x128xi32, #tpu.memory_space<vmem>> -> memref<1x128xi32, #tpu.memory_space<vmem>>
      %dma_start3A_204 = tpu.memref_squeeze %dma_start3A_203 : memref<1x128xi32, #tpu.memory_space<vmem>> -> memref<128xi32, #tpu.memory_space<vmem>>
      %dma_start3A_205 = arith.constant 0 : i32
      %dma_start3A_206 = arith.constant 0 : i32
      %dma_start3A_207 = tpu.memref_slice %arg2[%dma_start3A_205, %dma_start3A_206] : memref<20480x128xf32, #tpu.memory_space<hbm>> -> memref<20480x128xf32, #tpu.memory_space<hbm>>
      tpu.enqueue_indirect_dma source(%dma_start3A_207 : memref<20480x128xf32, #tpu.memory_space<hbm>>) target(%arg9 : memref<128x128xf32, #tpu.memory_space<vmem>>) offsets(%dma_start3A_204 : memref<128xi32, #tpu.memory_space<vmem>>) semaphore(%arg12 : memref<!tpu.dma_semaphore, #tpu.memory_space<semaphore_mem>>)
      %add3A_208 = arith.constant 1 : i32
      %add3A_209 = arith.addi %mul3A_185, %add3A_208 : i32
      %dma_wait3A_210 = arith.constant 0 : i32
      %dma_wait3A_211 = tpu.memref_slice %arg7[%add3A_209, %dma_wait3A_210] : memref<40x128xi32, #tpu.memory_space<vmem>> -> memref<1x128xi32, #tpu.memory_space<vmem>>
      %dma_wait3A_212 = tpu.memref_squeeze %dma_wait3A_211 : memref<1x128xi32, #tpu.memory_space<vmem>> -> memref<128xi32, #tpu.memory_space<vmem>>
      %dma_wait3A_213 = arith.constant 0 : i32
      %dma_wait3A_214 = arith.constant 0 : i32
      %dma_wait3A_215 = tpu.memref_slice %arg2[%dma_wait3A_213, %dma_wait3A_214] : memref<20480x128xf32, #tpu.memory_space<hbm>> -> memref<20480x128xf32, #tpu.memory_space<hbm>>
      tpu.wait_indirect_dma semaphore(%arg13 : memref<!tpu.dma_semaphore, #tpu.memory_space<semaphore_mem>>) src(%dma_wait3A_215 : memref<20480x128xf32, #tpu.memory_space<hbm>>) dst(%arg10 : memref<128x128xf32, #tpu.memory_space<vmem>>)
      %add3A_216 = arith.constant 1 : i32
      %add3A_217 = arith.addi %mul3A_185, %add3A_216 : i32
      "tpu.region"() ({
        %run_scoped3A_218 = tpu.sem_alloc : memref<!tpu.dma_semaphore, #tpu.memory_space<semaphore_mem>>
        %dma_start3A_219 = arith.constant 0 : i32
        %dma_start3A_220 = tpu.memref_slice %arg8[%add3A_217, %dma_start3A_219] : memref<40x128xi32, #tpu.memory_space<vmem>> -> memref<1x128xi32, #tpu.memory_space<vmem>>
        %dma_start3A_221 = tpu.memref_squeeze %dma_start3A_220 : memref<1x128xi32, #tpu.memory_space<vmem>> -> memref<128xi32, #tpu.memory_space<vmem>>
        %dma_start3A_222 = arith.constant 0 : i32
        %dma_start3A_223 = arith.constant 0 : i32
        %dma_start3A_224 = tpu.memref_slice %arg11[%dma_start3A_222, %dma_start3A_223] : memref<10240x128xf32, #tpu.memory_space<vmem_shared>> -> memref<10240x128xf32, #tpu.memory_space<vmem_shared>>
        tpu.enqueue_indirect_dma source(%arg10 : memref<128x128xf32, #tpu.memory_space<vmem>>) target(%dma_start3A_224 : memref<10240x128xf32, #tpu.memory_space<vmem_shared>>) offsets(%dma_start3A_221 : memref<128xi32, #tpu.memory_space<vmem>>) semaphore(%run_scoped3A_218 : memref<!tpu.dma_semaphore, #tpu.memory_space<semaphore_mem>>) {add = true}
        %dma_wait3A_225 = arith.constant 0 : i32
        %dma_wait3A_226 = tpu.memref_slice %arg8[%add3A_217, %dma_wait3A_225] : memref<40x128xi32, #tpu.memory_space<vmem>> -> memref<1x128xi32, #tpu.memory_space<vmem>>
        %dma_wait3A_227 = tpu.memref_squeeze %dma_wait3A_226 : memref<1x128xi32, #tpu.memory_space<vmem>> -> memref<128xi32, #tpu.memory_space<vmem>>
        %dma_wait3A_228 = arith.constant 0 : i32
        %dma_wait3A_229 = arith.constant 0 : i32
        %dma_wait3A_230 = tpu.memref_slice %arg11[%dma_wait3A_228, %dma_wait3A_229] : memref<10240x128xf32, #tpu.memory_space<vmem_shared>> -> memref<10240x128xf32, #tpu.memory_space<vmem_shared>>
        tpu.wait_indirect_dma semaphore(%run_scoped3A_218 : memref<!tpu.dma_semaphore, #tpu.memory_space<semaphore_mem>>) src(%arg10 : memref<128x128xf32, #tpu.memory_space<vmem>>) dst(%dma_wait3A_230 : memref<10240x128xf32, #tpu.memory_space<vmem_shared>>)
        tpu.yield
      }) : () -> ()
    }
    %scan3A_147 = arith.constant 19 : i32
    %dma_start3A_148 = arith.constant 39 : i32
    %dma_start3A_149 = arith.constant 0 : i32
    %dma_start3A_150 = tpu.memref_slice %arg7[%dma_start3A_148, %dma_start3A_149] : memref<40x128xi32, #tpu.memory_space<vmem>> -> memref<1x128xi32, #tpu.memory_space<vmem>>
    %dma_start3A_151 = tpu.memref_squeeze %dma_start3A_150 : memref<1x128xi32, #tpu.memory_space<vmem>> -> memref<128xi32, #tpu.memory_space<vmem>>
    %dma_start3A_152 = arith.constant 0 : i32
    %dma_start3A_153 = arith.constant 0 : i32
    %dma_start3A_154 = tpu.memref_slice %arg2[%dma_start3A_152, %dma_start3A_153] : memref<20480x128xf32, #tpu.memory_space<hbm>> -> memref<20480x128xf32, #tpu.memory_space<hbm>>
    tpu.enqueue_indirect_dma source(%dma_start3A_154 : memref<20480x128xf32, #tpu.memory_space<hbm>>) target(%arg10 : memref<128x128xf32, #tpu.memory_space<vmem>>) offsets(%dma_start3A_151 : memref<128xi32, #tpu.memory_space<vmem>>) semaphore(%arg13 : memref<!tpu.dma_semaphore, #tpu.memory_space<semaphore_mem>>)
    %dma_wait3A_155 = arith.constant 38 : i32
    %dma_wait3A_156 = arith.constant 0 : i32
    %dma_wait3A_157 = tpu.memref_slice %arg7[%dma_wait3A_155, %dma_wait3A_156] : memref<40x128xi32, #tpu.memory_space<vmem>> -> memref<1x128xi32, #tpu.memory_space<vmem>>
    %dma_wait3A_158 = tpu.memref_squeeze %dma_wait3A_157 : memref<1x128xi32, #tpu.memory_space<vmem>> -> memref<128xi32, #tpu.memory_space<vmem>>
    %dma_wait3A_159 = arith.constant 0 : i32
    %dma_wait3A_160 = arith.constant 0 : i32
    %dma_wait3A_161 = tpu.memref_slice %arg2[%dma_wait3A_159, %dma_wait3A_160] : memref<20480x128xf32, #tpu.memory_space<hbm>> -> memref<20480x128xf32, #tpu.memory_space<hbm>>
    tpu.wait_indirect_dma semaphore(%arg12 : memref<!tpu.dma_semaphore, #tpu.memory_space<semaphore_mem>>) src(%dma_wait3A_161 : memref<20480x128xf32, #tpu.memory_space<hbm>>) dst(%arg9 : memref<128x128xf32, #tpu.memory_space<vmem>>)
    %run_scoped3A_162 = arith.constant 38 : i32
    "tpu.region"() ({
      %run_scoped3A_179 = tpu.sem_alloc : memref<!tpu.dma_semaphore, #tpu.memory_space<semaphore_mem>>
      %dma_start3A_180 = arith.constant 0 : i32
      %dma_start3A_181 = tpu.memref_slice %arg8[%run_scoped3A_162, %dma_start3A_180] : memref<40x128xi32, #tpu.memory_space<vmem>> -> memref<1x128xi32, #tpu.memory_space<vmem>>
      %dma_start3A_182 = tpu.memref_squeeze %dma_start3A_181 : memref<1x128xi32, #tpu.memory_space<vmem>> -> memref<128xi32, #tpu.memory_space<vmem>>
      %dma_start3A_183 = arith.constant 0 : i32
      %dma_start3A_184 = arith.constant 0 : i32
      %dma_start3A_185 = tpu.memref_slice %arg11[%dma_start3A_183, %dma_start3A_184] : memref<10240x128xf32, #tpu.memory_space<vmem_shared>> -> memref<10240x128xf32, #tpu.memory_space<vmem_shared>>
      tpu.enqueue_indirect_dma source(%arg9 : memref<128x128xf32, #tpu.memory_space<vmem>>) target(%dma_start3A_185 : memref<10240x128xf32, #tpu.memory_space<vmem_shared>>) offsets(%dma_start3A_182 : memref<128xi32, #tpu.memory_space<vmem>>) semaphore(%run_scoped3A_179 : memref<!tpu.dma_semaphore, #tpu.memory_space<semaphore_mem>>) {add = true}
      %dma_wait3A_186 = arith.constant 0 : i32
      %dma_wait3A_187 = tpu.memref_slice %arg8[%run_scoped3A_162, %dma_wait3A_186] : memref<40x128xi32, #tpu.memory_space<vmem>> -> memref<1x128xi32, #tpu.memory_space<vmem>>
      %dma_wait3A_188 = tpu.memref_squeeze %dma_wait3A_187 : memref<1x128xi32, #tpu.memory_space<vmem>> -> memref<128xi32, #tpu.memory_space<vmem>>
      %dma_wait3A_189 = arith.constant 0 : i32
      %dma_wait3A_190 = arith.constant 0 : i32
      %dma_wait3A_191 = tpu.memref_slice %arg11[%dma_wait3A_189, %dma_wait3A_190] : memref<10240x128xf32, #tpu.memory_space<vmem_shared>> -> memref<10240x128xf32, #tpu.memory_space<vmem_shared>>
      tpu.wait_indirect_dma semaphore(%run_scoped3A_179 : memref<!tpu.dma_semaphore, #tpu.memory_space<semaphore_mem>>) src(%arg9 : memref<128x128xf32, #tpu.memory_space<vmem>>) dst(%dma_wait3A_191 : memref<10240x128xf32, #tpu.memory_space<vmem_shared>>)
      tpu.yield
    }) : () -> ()
    %dma_wait3A_163 = arith.constant 39 : i32
    %dma_wait3A_164 = arith.constant 0 : i32
    %dma_wait3A_165 = tpu.memref_slice %arg7[%dma_wait3A_163, %dma_wait3A_164] : memref<40x128xi32, #tpu.memory_space<vmem>> -> memref<1x128xi32, #tpu.memory_space<vmem>>
    %dma_wait3A_166 = tpu.memref_squeeze %dma_wait3A_165 : memref<1x128xi32, #tpu.memory_space<vmem>> -> memref<128xi32, #tpu.memory_space<vmem>>
    %dma_wait3A_167 = arith.constant 0 : i32
    %dma_wait3A_168 = arith.constant 0 : i32
    %dma_wait3A_169 = tpu.memref_slice %arg2[%dma_wait3A_167, %dma_wait3A_168] : memref<20480x128xf32, #tpu.memory_space<hbm>> -> memref<20480x128xf32, #tpu.memory_space<hbm>>
    tpu.wait_indirect_dma semaphore(%arg13 : memref<!tpu.dma_semaphore, #tpu.memory_space<semaphore_mem>>) src(%dma_wait3A_169 : memref<20480x128xf32, #tpu.memory_space<hbm>>) dst(%arg10 : memref<128x128xf32, #tpu.memory_space<vmem>>)
    %run_scoped3A_170 = arith.constant 39 : i32
    "tpu.region"() ({
      %run_scoped3A_179 = tpu.sem_alloc : memref<!tpu.dma_semaphore, #tpu.memory_space<semaphore_mem>>
      %dma_start3A_180 = arith.constant 0 : i32
      %dma_start3A_181 = tpu.memref_slice %arg8[%run_scoped3A_170, %dma_start3A_180] : memref<40x128xi32, #tpu.memory_space<vmem>> -> memref<1x128xi32, #tpu.memory_space<vmem>>
      %dma_start3A_182 = tpu.memref_squeeze %dma_start3A_181 : memref<1x128xi32, #tpu.memory_space<vmem>> -> memref<128xi32, #tpu.memory_space<vmem>>
      %dma_start3A_183 = arith.constant 0 : i32
      %dma_start3A_184 = arith.constant 0 : i32
      %dma_start3A_185 = tpu.memref_slice %arg11[%dma_start3A_183, %dma_start3A_184] : memref<10240x128xf32, #tpu.memory_space<vmem_shared>> -> memref<10240x128xf32, #tpu.memory_space<vmem_shared>>
      tpu.enqueue_indirect_dma source(%arg10 : memref<128x128xf32, #tpu.memory_space<vmem>>) target(%dma_start3A_185 : memref<10240x128xf32, #tpu.memory_space<vmem_shared>>) offsets(%dma_start3A_182 : memref<128xi32, #tpu.memory_space<vmem>>) semaphore(%run_scoped3A_179 : memref<!tpu.dma_semaphore, #tpu.memory_space<semaphore_mem>>) {add = true}
      %dma_wait3A_186 = arith.constant 0 : i32
      %dma_wait3A_187 = tpu.memref_slice %arg8[%run_scoped3A_170, %dma_wait3A_186] : memref<40x128xi32, #tpu.memory_space<vmem>> -> memref<1x128xi32, #tpu.memory_space<vmem>>
      %dma_wait3A_188 = tpu.memref_squeeze %dma_wait3A_187 : memref<1x128xi32, #tpu.memory_space<vmem>> -> memref<128xi32, #tpu.memory_space<vmem>>
      %dma_wait3A_189 = arith.constant 0 : i32
      %dma_wait3A_190 = arith.constant 0 : i32
      %dma_wait3A_191 = tpu.memref_slice %arg11[%dma_wait3A_189, %dma_wait3A_190] : memref<10240x128xf32, #tpu.memory_space<vmem_shared>> -> memref<10240x128xf32, #tpu.memory_space<vmem_shared>>
      tpu.wait_indirect_dma semaphore(%run_scoped3A_179 : memref<!tpu.dma_semaphore, #tpu.memory_space<semaphore_mem>>) src(%arg10 : memref<128x128xf32, #tpu.memory_space<vmem>>) dst(%dma_wait3A_191 : memref<10240x128xf32, #tpu.memory_space<vmem_shared>>)
      tpu.yield
    }) : () -> ()
    %barrier3A_171 = arith.constant 0 : index
    tpu.barrier barrier_id(%barrier3A_171)
    %mul3A_172 = arith.constant 640 : i32
    %mul3A_173 = arith.muli %arg1, %mul3A_172 : i32
    %mul3A_174 = arith.constant 10240 : i32
    %mul3A_175 = arith.muli %arg0, %mul3A_174 : i32
    %mul3A_176 = arith.constant 640 : i32
    %mul3A_177 = arith.muli %arg1, %mul3A_176 : i32
    %add3A_178 = arith.addi %mul3A_175, %mul3A_177 : i32
    "tpu.region"() ({
      %run_scoped3A_179 = tpu.sem_alloc : memref<!tpu.dma_semaphore, #tpu.memory_space<semaphore_mem>>
      %dma_start3A_180 = arith.constant 0 : i32
      %dma_start3A_181 = tpu.memref_slice %arg6[%add3A_178, %dma_start3A_180] : memref<20480x128xf32, #tpu.memory_space<hbm>> -> memref<640x128xf32, #tpu.memory_space<hbm>>
      %dma_start3A_182 = arith.constant 0 : i32
      %dma_start3A_183 = tpu.memref_slice %arg11[%mul3A_173, %dma_start3A_182] : memref<10240x128xf32, #tpu.memory_space<vmem_shared>> -> memref<640x128xf32, #tpu.memory_space<vmem_shared>>
      tpu.enqueue_dma source(%dma_start3A_183 : memref<640x128xf32, #tpu.memory_space<vmem_shared>>) target(%dma_start3A_181 : memref<640x128xf32, #tpu.memory_space<hbm>>) target_semaphore(%run_scoped3A_179 : memref<!tpu.dma_semaphore, #tpu.memory_space<semaphore_mem>>)
      %dma_wait3A_184 = arith.constant 0 : i32
      %dma_wait3A_185 = tpu.memref_slice %arg6[%add3A_178, %dma_wait3A_184] : memref<20480x128xf32, #tpu.memory_space<hbm>> -> memref<640x128xf32, #tpu.memory_space<hbm>>
      %dma_wait3A_186 = arith.constant 0 : i32
      %dma_wait3A_187 = tpu.memref_slice %arg11[%mul3A_173, %dma_wait3A_186] : memref<10240x128xf32, #tpu.memory_space<vmem_shared>> -> memref<640x128xf32, #tpu.memory_space<vmem_shared>>
      tpu.wait_dma2 semaphore(%run_scoped3A_179 : memref<!tpu.dma_semaphore, #tpu.memory_space<semaphore_mem>>) src(%dma_wait3A_187 : memref<640x128xf32, #tpu.memory_space<vmem_shared>>) dst(%dma_wait3A_185 : memref<640x128xf32, #tpu.memory_space<hbm>>)
      tpu.yield
    }) : () -> ()
    return
  }
}

module attributes {stable_mosaic.version = 14 : i64} {
  func.func @_mm_body(%arg0: i32, %arg1: memref<512x256xf32, #tpu.memory_space<vmem>>, %arg2: memref<256x256xf32, #tpu.memory_space<vmem>>, %arg3: memref<512x256xf32, #tpu.memory_space<vmem>>) attributes {dimension_semantics = [#tpu.dimension_semantics<arbitrary>], iteration_bounds = array<i64: 20>, scalar_prefetch = 0 : i64, scratch_operands = 0 : i64, tpu.core_type = #tpu.core_type<tc>, window_params = [{transform_indices = @transform_0, window_bounds = array<i64: 512, 256>}, {pipeline_mode = #tpu.pipeline_mode<synchronous>, transform_indices = @transform_1, window_bounds = array<i64: 256, 256>}, {transform_indices = @transform_2, window_bounds = array<i64: 512, 256>}]} {
    %get3A = arith.constant 0 : index
    %get3A_0 = arith.constant 0 : index
    %get3A_1 = vector.load %arg1[%get3A, %get3A_0] : memref<512x256xf32, #tpu.memory_space<vmem>>, vector<512x256xf32>
    %get3A_2 = arith.constant 0 : index
    %get3A_3 = arith.constant 0 : index
    %get3A_4 = vector.load %arg2[%get3A_2, %get3A_3] : memref<256x256xf32, #tpu.memory_space<vmem>>, vector<256x256xf32>
    %dot_general3A = arith.constant dense<0.000000e+00> : vector<512x256xf32>
    %dot_general3A_5 = tpu.matmul %get3A_1, %get3A_4, %dot_general3A {dimension_numbers = #tpu.dot_dimension_numbers<[1], [0], [0], [1], [0, 0, 1, 1], [], []>, transpose_lhs_hint = false} : vector<512x256xf32>, vector<256x256xf32>, vector<512x256xf32> -> vector<512x256xf32>
    %swap3A = arith.constant 0 : index
    %swap3A_6 = arith.constant 0 : index
    %swap3A_7 = vector.load %arg3[%swap3A, %swap3A_6] : memref<512x256xf32, #tpu.memory_space<vmem>>, vector<512x256xf32>
    tpu.vector_store %arg3[%swap3A, %swap3A_6], %dot_general3A_5 {strides = array<i32>} : memref<512x256xf32, #tpu.memory_space<vmem>>, vector<512x256xf32>,
    return
  }
  func.func @transform_0(%arg0: i32) -> (i32, i32) {
    %c0_i32 = arith.constant 0 : i32
    %c0_i32_0 = arith.constant 0 : i32
    return %arg0, %c0_i32 : i32, i32
  }
  func.func @transform_1(%arg0: i32) -> (i32, i32) {
    %c0_i32 = arith.constant 0 : i32
    %c0_i32_0 = arith.constant 0 : i32
    %c0_i32_1 = arith.constant 0 : i32
    return %c0_i32, %c0_i32_0 : i32, i32
  }
  func.func @transform_2(%arg0: i32) -> (i32, i32) {
    %c0_i32 = arith.constant 0 : i32
    %c0_i32_0 = arith.constant 0 : i32
    return %arg0, %c0_i32 : i32, i32
  }
}

module attributes {stable_mosaic.version = 14 : i64} {
  func.func @_scale_body(%arg0: i32, %arg1: memref<512x256xf32, #tpu.memory_space<vmem>>, %arg2: memref<32x512xf32, #tpu.memory_space<vmem>>, %arg3: memref<2x512x128xf32, #tpu.memory_space<vmem>>, %arg4: memref<512x1xf32, #tpu.memory_space<vmem>>) attributes {dimension_semantics = [#tpu.dimension_semantics<arbitrary>], iteration_bounds = array<i64: 20>, scalar_prefetch = 0 : i64, scratch_operands = 0 : i64, tpu.core_type = #tpu.core_type<tc>, window_params = [{transform_indices = @transform_0, window_bounds = array<i64: 512, 256>}, {transform_indices = @transform_1, window_bounds = array<i64: 32, 512>}, {transform_indices = @transform_2, window_bounds = array<i64: 2, 512, 128>}, {transform_indices = @transform_3, window_bounds = array<i64: 512, 1>}]} {
    %get3A = arith.constant 0 : index
    %get3A_0 = arith.constant 0 : index
    %get3A_1 = vector.load %arg2[%get3A, %get3A_0] : memref<32x512xf32, #tpu.memory_space<vmem>>, vector<32x512xf32>
    %reduce_sum3A = arith.constant dense<0.000000e+00> : vector<512xf32>
    %reduce_sum3A_2 = vector.multi_reduction <add>, %get3A_1, %reduce_sum3A [0] : vector<32x512xf32> to vector<512xf32>
    %max3A = arith.constant 1.000000e+00 : f32
    %max3A_3 = vector.broadcast %max3A : f32 to vector<512xf32>
    %max3A_4 = arith.maximumf %reduce_sum3A_2, %max3A_3 : vector<512xf32>
    %rsqrt3A = math.rsqrt %max3A_4 : vector<512xf32>
    %broadcast_in_dim3A = vector.shape_cast %rsqrt3A : vector<512xf32> to vector<512x1xf32>
    %get3A_5 = arith.constant 0 : index
    %get3A_6 = arith.constant 0 : index
    %get3A_7 = vector.load %arg1[%get3A_5, %get3A_6] : memref<512x256xf32, #tpu.memory_space<vmem>>, vector<512x256xf32>
    %mul3A = vector.broadcast %broadcast_in_dim3A : vector<512x1xf32> to vector<512x256xf32>
    %mul3A_8 = arith.mulf %get3A_7, %mul3A : vector<512x256xf32>
    %slice3A = vector.extract_strided_slice %mul3A_8 {offsets = [0, 0], sizes = [512, 128], strides = [1, 1]} : vector<512x256xf32> to vector<512x128xf32>
    %swap3A = arith.constant 0 : index
    %swap3A_9 = arith.constant 0 : index
    %swap3A_10 = arith.constant 0 : index
    %swap3A_11 = vector.load %arg3[%swap3A, %swap3A_9, %swap3A_10] : memref<2x512x128xf32, #tpu.memory_space<vmem>>, vector<1x512x128xf32>
    %swap3A_12 = vector.shape_cast %swap3A_11 : vector<1x512x128xf32> to vector<512x128xf32>
    %swap3A_13 = vector.shape_cast %slice3A : vector<512x128xf32> to vector<1x512x128xf32>
    tpu.vector_store %arg3[%swap3A, %swap3A_9, %swap3A_10], %swap3A_13 {strides = array<i32>} : memref<2x512x128xf32, #tpu.memory_space<vmem>>, vector<1x512x128xf32>,
    %slice3A_14 = vector.extract_strided_slice %mul3A_8 {offsets = [0, 128], sizes = [512, 128], strides = [1, 1]} : vector<512x256xf32> to vector<512x128xf32>
    %swap3A_15 = arith.constant 1 : index
    %swap3A_16 = arith.constant 0 : index
    %swap3A_17 = arith.constant 0 : index
    %swap3A_18 = vector.load %arg3[%swap3A_15, %swap3A_16, %swap3A_17] : memref<2x512x128xf32, #tpu.memory_space<vmem>>, vector<1x512x128xf32>
    %swap3A_19 = vector.shape_cast %swap3A_18 : vector<1x512x128xf32> to vector<512x128xf32>
    %swap3A_20 = vector.shape_cast %slice3A_14 : vector<512x128xf32> to vector<1x512x128xf32>
    tpu.vector_store %arg3[%swap3A_15, %swap3A_16, %swap3A_17], %swap3A_20 {strides = array<i32>} : memref<2x512x128xf32, #tpu.memory_space<vmem>>, vector<1x512x128xf32>,
    %swap3A_21 = arith.constant 0 : index
    %swap3A_22 = arith.constant 0 : index
    %swap3A_23 = vector.load %arg4[%swap3A_21, %swap3A_22] : memref<512x1xf32, #tpu.memory_space<vmem>>, vector<512x1xf32>
    tpu.vector_store %arg4[%swap3A_21, %swap3A_22], %broadcast_in_dim3A {strides = array<i32>} : memref<512x1xf32, #tpu.memory_space<vmem>>, vector<512x1xf32>,
    return
  }
  func.func @transform_0(%arg0: i32) -> (i32, i32) {
    %c0_i32 = arith.constant 0 : i32
    %c0_i32_0 = arith.constant 0 : i32
    return %arg0, %c0_i32 : i32, i32
  }
  func.func @transform_1(%arg0: i32) -> (i32, i32) {
    %c0_i32 = arith.constant 0 : i32
    %c0_i32_0 = arith.constant 0 : i32
    return %c0_i32, %arg0 : i32, i32
  }
  func.func @transform_2(%arg0: i32) -> (i32, i32, i32) {
    %c0_i32 = arith.constant 0 : i32
    %c0_i32_0 = arith.constant 0 : i32
    %c0_i32_1 = arith.constant 0 : i32
    return %c0_i32, %arg0, %c0_i32_0 : i32, i32, i32
  }
  func.func @transform_3(%arg0: i32) -> (i32, i32) {
    %c0_i32 = arith.constant 0 : i32
    %c0_i32_0 = arith.constant 0 : i32
    return %arg0, %c0_i32 : i32, i32
  }
}

module attributes {stable_mosaic.version = 14 : i64} {
  func.func @_layer2_body(%arg0: i32, %arg1: memref<2x512x128xf32, #tpu.memory_space<vmem>>, %arg2: memref<512x1xf32, #tpu.memory_space<vmem>>, %arg3: memref<1x256xf32, #tpu.memory_space<vmem>>, %arg4: memref<256x256xf32, #tpu.memory_space<vmem>>, %arg5: memref<2x512x128xf32, #tpu.memory_space<vmem>>) attributes {dimension_semantics = [#tpu.dimension_semantics<arbitrary>], iteration_bounds = array<i64: 20>, scalar_prefetch = 0 : i64, scratch_operands = 0 : i64, tpu.core_type = #tpu.core_type<tc>, window_params = [{transform_indices = @transform_0, window_bounds = array<i64: 2, 512, 128>}, {transform_indices = @transform_1, window_bounds = array<i64: 512, 1>}, {pipeline_mode = #tpu.pipeline_mode<synchronous>, transform_indices = @transform_2, window_bounds = array<i64: 1, 256>}, {pipeline_mode = #tpu.pipeline_mode<synchronous>, transform_indices = @transform_3, window_bounds = array<i64: 256, 256>}, {transform_indices = @transform_4, window_bounds = array<i64: 2, 512, 128>}]} {
    %get3A = arith.constant 0 : index
    %get3A_0 = arith.constant 0 : index
    %get3A_1 = vector.load %arg2[%get3A, %get3A_0] : memref<512x1xf32, #tpu.memory_space<vmem>>, vector<512x1xf32>
    %get3A_2 = arith.constant 0 : index
    %get3A_3 = arith.constant 0 : index
    %get3A_4 = arith.constant 0 : index
    %get3A_5 = vector.load %arg1[%get3A_2, %get3A_3, %get3A_4] : memref<2x512x128xf32, #tpu.memory_space<vmem>>, vector<1x512x128xf32>
    %get3A_6 = vector.shape_cast %get3A_5 : vector<1x512x128xf32> to vector<512x128xf32>
    %get3A_7 = arith.constant 1 : index
    %get3A_8 = arith.constant 0 : index
    %get3A_9 = arith.constant 0 : index
    %get3A_10 = vector.load %arg1[%get3A_7, %get3A_8, %get3A_9] : memref<2x512x128xf32, #tpu.memory_space<vmem>>, vector<1x512x128xf32>
    %get3A_11 = vector.shape_cast %get3A_10 : vector<1x512x128xf32> to vector<512x128xf32>
    %concatenate3A = tpu.concatenate %get3A_6, %get3A_11 in 1 : vector<512x128xf32>, vector<512x128xf32> -> vector<512x256xf32>
    %mul3A = vector.broadcast %get3A_1 : vector<512x1xf32> to vector<512x256xf32>
    %mul3A_12 = arith.mulf %concatenate3A, %mul3A : vector<512x256xf32>
    %get3A_13 = arith.constant 0 : index
    %get3A_14 = arith.constant 0 : index
    %get3A_15 = vector.load %arg3[%get3A_13, %get3A_14] : memref<1x256xf32, #tpu.memory_space<vmem>>, vector<1x256xf32>
    %add3A = vector.broadcast %get3A_15 : vector<1x256xf32> to vector<512x256xf32>
    %add3A_16 = arith.addf %mul3A_12, %add3A : vector<512x256xf32>
    %max3A = arith.constant 0.000000e+00 : f32
    %max3A_17 = vector.broadcast %max3A : f32 to vector<512x256xf32>
    %max3A_18 = arith.maximumf %add3A_16, %max3A_17 : vector<512x256xf32>
    %mul3A_19 = vector.broadcast %get3A_1 : vector<512x1xf32> to vector<512x256xf32>
    %mul3A_20 = arith.mulf %max3A_18, %mul3A_19 : vector<512x256xf32>
    %get3A_21 = arith.constant 0 : index
    %get3A_22 = arith.constant 0 : index
    %get3A_23 = vector.load %arg4[%get3A_21, %get3A_22] : memref<256x256xf32, #tpu.memory_space<vmem>>, vector<256x256xf32>
    %dot_general3A = arith.constant dense<0.000000e+00> : vector<512x256xf32>
    %dot_general3A_24 = tpu.matmul %mul3A_20, %get3A_23, %dot_general3A {dimension_numbers = #tpu.dot_dimension_numbers<[1], [0], [0], [1], [0, 0, 1, 1], [], []>, transpose_lhs_hint = false} : vector<512x256xf32>, vector<256x256xf32>, vector<512x256xf32> -> vector<512x256xf32>
    %slice3A = vector.extract_strided_slice %dot_general3A_24 {offsets = [0, 0], sizes = [512, 128], strides = [1, 1]} : vector<512x256xf32> to vector<512x128xf32>
    %swap3A = arith.constant 0 : index
    %swap3A_25 = arith.constant 0 : index
    %swap3A_26 = arith.constant 0 : index
    %swap3A_27 = vector.load %arg5[%swap3A, %swap3A_25, %swap3A_26] : memref<2x512x128xf32, #tpu.memory_space<vmem>>, vector<1x512x128xf32>
    %swap3A_28 = vector.shape_cast %swap3A_27 : vector<1x512x128xf32> to vector<512x128xf32>
    %swap3A_29 = vector.shape_cast %slice3A : vector<512x128xf32> to vector<1x512x128xf32>
    tpu.vector_store %arg5[%swap3A, %swap3A_25, %swap3A_26], %swap3A_29 {strides = array<i32>} : memref<2x512x128xf32, #tpu.memory_space<vmem>>, vector<1x512x128xf32>,
    %slice3A_30 = vector.extract_strided_slice %dot_general3A_24 {offsets = [0, 128], sizes = [512, 128], strides = [1, 1]} : vector<512x256xf32> to vector<512x128xf32>
    %swap3A_31 = arith.constant 1 : index
    %swap3A_32 = arith.constant 0 : index
    %swap3A_33 = arith.constant 0 : index
    %swap3A_34 = vector.load %arg5[%swap3A_31, %swap3A_32, %swap3A_33] : memref<2x512x128xf32, #tpu.memory_space<vmem>>, vector<1x512x128xf32>
    %swap3A_35 = vector.shape_cast %swap3A_34 : vector<1x512x128xf32> to vector<512x128xf32>
    %swap3A_36 = vector.shape_cast %slice3A_30 : vector<512x128xf32> to vector<1x512x128xf32>
    tpu.vector_store %arg5[%swap3A_31, %swap3A_32, %swap3A_33], %swap3A_36 {strides = array<i32>} : memref<2x512x128xf32, #tpu.memory_space<vmem>>, vector<1x512x128xf32>,
    return
  }
  func.func @transform_0(%arg0: i32) -> (i32, i32, i32) {
    %c0_i32 = arith.constant 0 : i32
    %c0_i32_0 = arith.constant 0 : i32
    %c0_i32_1 = arith.constant 0 : i32
    return %c0_i32, %arg0, %c0_i32_0 : i32, i32, i32
  }
  func.func @transform_1(%arg0: i32) -> (i32, i32) {
    %c0_i32 = arith.constant 0 : i32
    %c0_i32_0 = arith.constant 0 : i32
    return %arg0, %c0_i32 : i32, i32
  }
  func.func @transform_2(%arg0: i32) -> (i32, i32) {
    %c0_i32 = arith.constant 0 : i32
    %c0_i32_0 = arith.constant 0 : i32
    %c0_i32_1 = arith.constant 0 : i32
    return %c0_i32, %c0_i32_0 : i32, i32
  }
  func.func @transform_3(%arg0: i32) -> (i32, i32) {
    %c0_i32 = arith.constant 0 : i32
    %c0_i32_0 = arith.constant 0 : i32
    %c0_i32_1 = arith.constant 0 : i32
    return %c0_i32, %c0_i32_0 : i32, i32
  }
  func.func @transform_4(%arg0: i32) -> (i32, i32, i32) {
    %c0_i32 = arith.constant 0 : i32
    %c0_i32_0 = arith.constant 0 : i32
    %c0_i32_1 = arith.constant 0 : i32
    return %c0_i32, %arg0, %c0_i32_0 : i32, i32, i32
  }
}

module attributes {stable_mosaic.version = 14 : i64} {
  func.func @_readout_body(%arg0: memref<128xi32, #tpu.memory_space<smem>>, %arg1: memref<2x128x128xf32, #tpu.memory_space<vmem>>, %arg2: memref<10240x1xf32, #tpu.memory_space<vmem>>, %arg3: memref<1x256xf32, #tpu.memory_space<vmem>>, %arg4: memref<256x64xf32, #tpu.memory_space<vmem>>, %arg5: memref<1x64xf32, #tpu.memory_space<vmem>>, %arg6: memref<128x64xf32, #tpu.memory_space<vmem>>, %arg7: memref<128x1xf32, #tpu.memory_space<vmem>>) attributes {dimension_semantics = [], scalar_prefetch = 0 : i64, scratch_operands = 1 : i64, tpu.core_type = #tpu.core_type<tc>} {
    %scan3A = arith.constant 0 : i32
    %scan3A_0 = arith.constant 128 : i32
    %scan3A_1 = arith.addi %scan3A, %scan3A_0 : i32
    %scan3A_2 = arith.constant 1 : i32
    scf.for %scan3A_34 = %scan3A to %scan3A_1 step %scan3A_2  : i32 {
      %get3A_35 = arith.index_cast %scan3A_34 : i32 to index
      %get3A_36 = memref.load %arg0[%get3A_35] : memref<128xi32, #tpu.memory_space<smem>>
      %get3A_37 = arith.index_cast %get3A_36 : i32 to index
      %get3A_38 = arith.constant 0 : index
      %get3A_39 = vector.load %arg2[%get3A_37, %get3A_38] : memref<10240x1xf32, #tpu.memory_space<vmem>>, vector<1x1xf32>
      %swap3A_40 = arith.index_cast %scan3A_34 : i32 to index
      %swap3A_41 = arith.constant 0 : index
      %swap3A_42 = vector.load %arg7[%swap3A_40, %swap3A_41] : memref<128x1xf32, #tpu.memory_space<vmem>>, vector<1x1xf32>
      tpu.vector_store %arg7[%swap3A_40, %swap3A_41], %get3A_39 {strides = array<i32>} : memref<128x1xf32, #tpu.memory_space<vmem>>, vector<1x1xf32>,
    }
    %scan3A_3 = arith.constant 128 : i32
    %get3A = arith.constant 0 : index
    %get3A_4 = arith.constant 0 : index
    %get3A_5 = arith.constant 0 : index
    %get3A_6 = vector.load %arg1[%get3A, %get3A_4, %get3A_5] : memref<2x128x128xf32, #tpu.memory_space<vmem>>, vector<1x128x128xf32>
    %get3A_7 = vector.shape_cast %get3A_6 : vector<1x128x128xf32> to vector<128x128xf32>
    %get3A_8 = arith.constant 1 : index
    %get3A_9 = arith.constant 0 : index
    %get3A_10 = arith.constant 0 : index
    %get3A_11 = vector.load %arg1[%get3A_8, %get3A_9, %get3A_10] : memref<2x128x128xf32, #tpu.memory_space<vmem>>, vector<1x128x128xf32>
    %get3A_12 = vector.shape_cast %get3A_11 : vector<1x128x128xf32> to vector<128x128xf32>
    %concatenate3A = tpu.concatenate %get3A_7, %get3A_12 in 1 : vector<128x128xf32>, vector<128x128xf32> -> vector<128x256xf32>
    %get3A_13 = arith.constant 0 : index
    %get3A_14 = arith.constant 0 : index
    %get3A_15 = vector.load %arg7[%get3A_13, %get3A_14] : memref<128x1xf32, #tpu.memory_space<vmem>>, vector<128x1xf32>
    %mul3A = vector.broadcast %get3A_15 : vector<128x1xf32> to vector<128x256xf32>
    %mul3A_16 = arith.mulf %concatenate3A, %mul3A : vector<128x256xf32>
    %get3A_17 = arith.constant 0 : index
    %get3A_18 = arith.constant 0 : index
    %get3A_19 = vector.load %arg3[%get3A_17, %get3A_18] : memref<1x256xf32, #tpu.memory_space<vmem>>, vector<1x256xf32>
    %add3A = vector.broadcast %get3A_19 : vector<1x256xf32> to vector<128x256xf32>
    %add3A_20 = arith.addf %mul3A_16, %add3A : vector<128x256xf32>
    %max3A = arith.constant 0.000000e+00 : f32
    %max3A_21 = vector.broadcast %max3A : f32 to vector<128x256xf32>
    %max3A_22 = arith.maximumf %add3A_20, %max3A_21 : vector<128x256xf32>
    %get3A_23 = arith.constant 0 : index
    %get3A_24 = arith.constant 0 : index
    %get3A_25 = vector.load %arg4[%get3A_23, %get3A_24] : memref<256x64xf32, #tpu.memory_space<vmem>>, vector<256x64xf32>
    %dot_general3A = arith.constant dense<0.000000e+00> : vector<128x64xf32>
    %dot_general3A_26 = tpu.matmul %max3A_22, %get3A_25, %dot_general3A {dimension_numbers = #tpu.dot_dimension_numbers<[1], [0], [0], [1], [0, 0, 1, 1], [], []>, transpose_lhs_hint = false} : vector<128x256xf32>, vector<256x64xf32>, vector<128x64xf32> -> vector<128x64xf32>
    %get3A_27 = arith.constant 0 : index
    %get3A_28 = arith.constant 0 : index
    %get3A_29 = vector.load %arg5[%get3A_27, %get3A_28] : memref<1x64xf32, #tpu.memory_space<vmem>>, vector<1x64xf32>
    %add3A_30 = vector.broadcast %get3A_29 : vector<1x64xf32> to vector<128x64xf32>
    %add3A_31 = arith.addf %dot_general3A_26, %add3A_30 : vector<128x64xf32>
    %swap3A = arith.constant 0 : index
    %swap3A_32 = arith.constant 0 : index
    %swap3A_33 = vector.load %arg6[%swap3A, %swap3A_32] : memref<128x64xf32, #tpu.memory_space<vmem>>, vector<128x64xf32>
    tpu.vector_store %arg6[%swap3A, %swap3A_32], %add3A_31 {strides = array<i32>} : memref<128x64xf32, #tpu.memory_space<vmem>>, vector<128x64xf32>,
    return
  }
}

</mosaic_0001>

<sc_bundles>
// kernel: kernel.12.cloned.1.call-start
scs
__scs_entry_jumppad:
0x0: {  	(pc) =	sbr.rel $0x88, $3  }
0x1: {  	(tag) =	ssettag $0x0;
	lr =	simm.s32 $0x1  }
0x2: {  	[smem:$0x3F98] =	sst lr;
	_ =	strace $0xD0000000  }
0x3: {  	_ = 	snop  }
0x4: {  	_ = 	snop  }
0x5: {  	_ = 	snop  }
0x6: {  	_ = 	snop  }
0x7: {  	_ = 	snop  }
__scs_overlays_trampoline_lowered:
0x8: {  	[smem:$0x3FA7] =	sst s0  }
0x9: {  	[smem:$0x3FA8] =	sst s1  }
0xa: {  	[smem:$0x3FA9] =	sst s2  }
0xb: {  	[smem:$0x3FAA] =	sst s3  }
0xc: {  	[smem:$0x3FAB] =	sst s4  }
0xd: {  	[smem:$0x3FAC] =	sst s5  }
0xe: {  	[smem:$0x3FAD] =	sst s6  }
0xf: {  	[smem:$0x3FAE] =	sst s7  }
0x10: {  	[smem:$0x3FAF] =	sst s8  }
0x11: {  	[smem:$0x3FB0] =	sst s9;
	s0 =	simm.s32 @!p0 $0x0  }
0x12: {  	s1 =	sld [smem:$0x3F96];
	s0 =	simm.s32 @p0 $0x1  }
0x13: {  	[smem:$0x3FB1] =	sst s0;
	s0 =	simm.s32 @!p1 $0x0  }
0x14: {  	s2 =	sld [smem:$0x3F95];
	s0 =	simm.s32 @p1 $0x1  }
0x15: {  	[smem:$0x3FB2] =	sst s0;
	s0 =	simm.s32 @!p2 $0x0  }
0x16: {  	s3 =	sld [smem:$0x3FDB];
	s0 =	simm.s32 @p2 $0x1  }
0x17: {  	s4 =	simm.s32 $0x1BF5;
	[smem:$0x3FB4] =	sst s0  }
0x18: {  	s0 =	sld [smem:$0x3F97];
	_ =	swait.ge [sflag:s4], $0x0  }
0x19: {  	s7 =	sld [smem:$0x3F98]  }
0x1a: {  	s8 =	sadd.s32 $0xFFFFE003, lr  }
0x1b: {  	s9 =	sadd.s32 $0xFFFFFEF7, lr;
	s5 =	simm.s32 $0xFFFFFFFF;
	p2 =	slt.u32 s8, $0xFFFFF086  }
0x1c: {  	p1 =	slt.u32 s9, $0xF7A;
	s5 =	simm.s32 @!p2 $0x0  }
0x1d: {  	s5 =	simm.s32 @p1 $0x1;
	p0 =	seq.s32 s7, s2  }
0x1e: {  	s7 =	smul.u32 @!p0 $0xF7A, s2;
	p2 =	seq.s32 @!p0 s5, $0x0  }
0x1f: {  	s9 =	smul.u32 $0xF7A, s1;
	s8 =	simm.s32 @!p0 $0x1BF5;
	p2 =	por !p2, p0  }
0x20: {  	[sflag:s8] =	ssyncset.s32 @!p0 $0xFFFFF086;
	s6 =	sadd.s32 @!p0 s3, s7;
	s7 =	simm.s32 @!p0 $0x108  }
0x21: {  	s3 =	sadd.s32 s3, s9;
	s6 =	sadd.s32 @!p0 $0x88, s6;
	s7 =	simm.s32 @p2 $0x1082  }
0x22: {  	[simem:s7], [sflag:s8] =	dma.local @!p0 [hbm:s6], $0xF7A  }
0x23: {  	s9 =	sor.u32 $0xD0000000, s2;
	s6 =	simm.s32 $0x108;
	_ =	swait.ge @!p0 [sflag:s8], $0x0  }
0x24: {  	s3 =	sadd.s32 $0x88, s3;
	s6 =	simm.s32 @!p1 $0x1082;
	[sflag:s4] =	ssyncset.s32 $0xFFFFF086  }
0x25: {  	[simem:s6], [sflag:s4] =	dma.local [hbm:s3], $0xF7A  }
0x26: {  	[smem:$0x3F98] =	sst s1;
	(tag) =	ssettag s2;
	_ =	strace s9  }
0x27: {  	s1 =	sld [smem:$0x3FA8]  }
0x28: {  	s2 =	sld [smem:$0x3FA9]  }
0x29: {  	s4 =	sld [smem:$0x3FAB]  }
0x2a: {  	p0 =	seq.s32 s5, $0x0;
	s5 =	sld [smem:$0x3FAC]  }
0x2b: {  	s6 =	sld [smem:$0x3FAD]  }
0x2c: {  	s7 =	sld [smem:$0x3FAE]  }
0x2d: {  	s3 =	simm.s32 $0x108;
	s8 =	sld [smem:$0x3FAF]  }
0x2e: {  	s3 =	simm.s32 @!p0 $0x1082;
	s9 =	sld [smem:$0x3FB0]  }
0x2f: {  	lr =	sadd.s32 s0, s3;
	s0 =	sld [smem:$0x3FA7]  }
0x30: {  	s3 =	sld [smem:$0x3FAA]  }
0x31: {  	[smem:$0x3FB3] =	sst s10  }
0x32: {  	s10 =	sld [smem:$0x3FB1];
	_ =	sdelay $0x3  }
0x33: {  	p0 =	seq.s32 s10, $0x1;
	s10 =	sld [smem:$0x3FB3];
	_ =	sdelay $0x3  }
0x34: {  	[smem:$0x3FB3] =	sst s10  }
0x35: {  	s10 =	sld [smem:$0x3FB2];
	_ =	sdelay $0x3  }
0x36: {  	p1 =	seq.s32 s10, $0x1;
	s10 =	sld [smem:$0x3FB3];
	_ =	sdelay $0x3  }
0x37: {  	[smem:$0x3FB3] =	sst s10  }
0x38: {  	s10 =	sld [smem:$0x3FB4]  }
0x39: {  	_ = 	snop;
	(pc) =	sbr.ind lr, $3  }
0x3a: {  	_ = 	snop  }
0x3b: {  	_ = 	snop  }
0x3c: {  	p2 =	seq.s32 s10, $0x1;
	s10 =	sld [smem:$0x3FB3]  }
0x3d: {  	_ =	shalt  }
0x3e: {  	_ =	shalt  }
0x3f: {  	_ =	shalt  }
0x40: {  	_ =	shalt  }
0x41: {  	_ =	shalt  }
0x42: {  	_ =	shalt  }
0x43: {  	_ =	shalt  }
0x44: {  	_ =	shalt  }
0x45: {  	_ =	shalt  }
0x46: {  	_ =	shalt  }
0x47: {  	_ =	shalt  }
0x48: {  	_ =	shalt  }
0x49: {  	_ =	shalt  }
0x4a: {  	_ =	shalt  }
0x4b: {  	_ =	shalt  }
0x4c: {  	_ =	shalt  }
0x4d: {  	_ =	shalt  }
0x4e: {  	_ =	shalt  }
0x4f: {  	_ =	shalt  }
0x50: {  	_ =	shalt  }
0x51: {  	_ =	shalt  }
0x52: {  	_ =	shalt  }
0x53: {  	_ =	shalt  }
0x54: {  	_ =	shalt  }
0x55: {  	_ =	shalt  }
0x56: {  	_ =	shalt  }
0x57: {  	_ =	shalt  }
0x58: {  	_ =	shalt  }
0x59: {  	_ =	shalt  }
0x5a: {  	_ =	shalt  }
0x5b: {  	_ =	shalt  }
0x5c: {  	_ =	shalt  }
0x5d: {  	_ =	shalt  }
0x5e: {  	_ =	shalt  }
0x5f: {  	_ =	shalt  }
0x60: {  	_ =	shalt  }
0x61: {  	_ =	shalt  }
0x62: {  	_ =	shalt  }
0x63: {  	_ =	shalt  }
0x64: {  	_ =	shalt  }
0x65: {  	_ =	shalt  }
0x66: {  	_ =	shalt  }
0x67: {  	_ =	shalt  }
0x68: {  	_ =	shalt  }
0x69: {  	_ =	shalt  }
0x6a: {  	_ =	shalt  }
0x6b: {  	_ =	shalt  }
0x6c: {  	_ =	shalt  }
0x6d: {  	_ =	shalt  }
0x6e: {  	_ =	shalt  }
0x6f: {  	_ =	shalt  }
0x70: {  	_ =	shalt  }
0x71: {  	_ =	shalt  }
0x72: {  	_ =	shalt  }
0x73: {  	_ =	shalt  }
0x74: {  	_ =	shalt  }
0x75: {  	_ =	shalt  }
0x76: {  	_ =	shalt  }
0x77: {  	_ =	shalt  }
0x78: {  	_ =	shalt  }
0x79: {  	_ =	shalt  }
0x7a: {  	_ =	shalt  }
0x7b: {  	_ =	shalt  }
0x7c: {  	_ =	shalt  }
0x7d: {  	_ =	shalt  }
0x7e: {  	_ =	shalt  }
0x7f: {  	_ =	shalt  }
0x80: {  	_ =	shalt  }
0x81: {  	_ =	shalt  }
0x82: {  	_ =	shalt  }
0x83: {  	_ =	shalt  }
0x84: {  	_ =	shalt  }
0x85: {  	_ =	shalt  }
0x86: {  	_ =	shalt  }
0x87: {  	_ =	shalt  }
.Lfunc_end0:
.L_simem_size_0:
called_computation.1_lowered:
.L_overlay_start_0:
0x88: {  	s2 =	sld [smem:$0x3FD9]  }
0x89: {  	s3 =	sld [smem:$0x3FFE];
	_ =	sdelay $0x1  }
0x8a: {  	s1 =	srdreg.scid  }
0x8b: {  	s0 =	sand.u32 $0x1, s1  }
0x8c: {  	s16 =	sshll.u32 s0, $0xA;
	s2 =	sadd.s32 s3, s2  }
0x8d: {  	s2 =	sadd.s32 s2, s16  }
0x8e: {  	[smem:$0x3FBF] =	sst s2  }
0x8f: {  	_ = 	snop  }
0x90: {  	(tm) =	ssettm $0x1  }
0x91: {  	s17 =	sld [smem:$0x3FFB];
	_ =	sdelay $0x3  }
0x92: {  	_ =	strace s17  }
0x93: {  	s2 =	sld [smem:$0x3FFC];
	_ =	sdelay $0x3  }
0x94: {  	_ =	strace s2  }
0x95: {  	s2 =	sld [smem:$0x3FFD];
	_ =	sdelay $0x3  }
0x96: {  	_ =	strace s2  }
0x97: {  	_ =	strace $0x8FFFFFFF  }
0x98: {  	s18 =	sld [smem:$0x3FDB];
	_ =	sdelay $0x1  }
0x99: {  	s19 =	simm.s32 $_scs_section_size  }
0x9a: {  	s4 =	simm.s32 $_size__tile_overlayer_lowered;
	s5 =	simm.s32 $_tile_overlayer_lowered  }
0x9b: {  	s22 =	simm.s32 $0x1BFF;
	s21 =	sshll.u32 s5, $0x1;
	s2 =	sadd.s32 s19, s18  }
0x9c: {  	s6 =	simm.s32 $0x0;
	s20 =	sshll.u32 s4, $0x1;
	s4 =	sadd.s32 s21, s2  }
0x9d: {  	[timem:s6], [sflag:s22] =	dma.local [hbm:s4], s20  }
0x9e: {  	_ =	swait.ge [sflag:s22], s20  }
0x9f: {  	s3 =	ssub.s32 $0x0, s20;
	[sflag:s22] =	ssyncset.done $0x0  }
0xa0: {  	[sflag:s22] =	ssyncadd.s32 s3;
	_ =	sdelay $0x1  }
0xa1: {  	s23 =	simm.s32 $0x1B8B  }
0xa2: {  	_ =	swait.ge [sflag:s23], $0x1  }
0xa3: {  	[sflag:s23] =	ssyncset.done $0x0  }
0xa4: {  	s25 =	simm.s32 $0x1B8E;
	s24 =	sld [smem:$0x3FFE];
	[sflag:s23] =	ssyncadd.s32 $0xFFFFFFFF  }
0xa5: {  	s26 =	simm.s32 $execute0_lowered;
	[smem:$0x3FD2] =	sst s25  }
0xa6: {  	s4 =	sshll.u32 s26, $0x1;
	_ =	strace $0x80000049;
	[dreg:$0x1] =	wrdreg $0xFFFFFFFF  }
0xa7: {  	s28 =	simm.s32 $_size_execute0_lowered;
	s2 =	sadd.s32 s2, s4;
	[dreg:$0x0] =	wrdreg $0x0  }
0xa8: {  	s4 =	sshll.u32 s28, $0x1;
	[dreg:$0x2] =	wrdreg s2  }
0xa9: {  	[dreg:$0x3] =	wrdreg s4  }
0xaa: {  	[dreg:$0x4] =	wrdreg $0xC0  }
0xab: {  	_ =	task [dreg:s6], $0x5FFFF  }
0xac: {  	[dreg:$0x1] =	wrdreg $0xFFFFFFFF  }
0xad: {  	[dreg:$0x0] =	wrdreg $0x60  }
0xae: {  	[dreg:$0x2] =	wrdreg s24  }
0xaf: {  	[dreg:$0x3] =	wrdreg $0xA8000  }
0xb0: {  	[dreg:$0x4] =	wrdreg $0x9  }
0xb1: {  	_ =	task.clear_ibuf [dreg:s6], $0x5FFFF;
	_ =	strace $0x90000049  }
0xb2: {  	s29 =	simm.s32 $0x9;
	_ =	strace $0x8000004B  }
0xb3: {  	_ =	swait.ge [sflag:s29], $0x1  }
0xb4: {  	[sflag:s29] =	ssyncadd.s32 $0xFFFFFFFF  }
0xb5: {  	_ =	strace $0x9000004B  }
0xb6: {  	_ =	sfence  }
0xb7: {  	s30 =	sld [smem:$0x0];
	_ =	sdelay $0x2  }
0xb8: {  	s31 =	sshll.u32 s1, $0xD;
	s1 =	sshrl.u32 s1, $0x2  }
0xb9: {  	s3 =	sand.u32 $0x4000, s31;
	s1 =	sadd.s32 s1, s30  }
0xba: {  	s0 =	sor.u32 s3, s0;
	s1 =	sshll.u32 s1, $0x11  }
0xbb: {  	s0 =	sor.u32 s1, s0  }
0xbc: {  	s0 =	sadd.s32 $0x8F2B, s0  }
0xbd: {  	[sflag:s0] =	ssyncadd.remote.s32 $0x1  }
0xbe: {  	_ =	sfence.sel $0xFFFF  }
0xbf: {  	[dreg:$0x0] =	wrdreg $0xFFFFFFFF;
	(pc) =	sbr.abs _section_cstart, $3  }
0xc0: {  	[dreg:$0x1] =	wrdreg $0xFFFFFFFF  }
0xc1: {  	_ =	task.clear_ibuf [dreg:s6], $0x2FFFF;
	_ =	strace $0x9FFFFFFF  }
0xc2: {  	(tm) =	ssettm $0x7FFFFFFF  }
0xc3: {  	_ =	shalt  }
tec
execute0_lowered:
.L_overlay_start_1:
0x0: {  	(tag) =	ssettag $0x1  }
0x1: {  	s5 =	rddreg [dreg:$0x0]  }
0x2: {  	s2 =	rddreg [dreg:$0x1]  }
0x3: {  	s0 =	srdreg.scid;
	s1 =	rddreg [dreg:$0x2];
	s3 =	simm.s32 $0x0  }
0x4: {  	s16 =	simm.s32 $0x2800;
	s17 =	simm.s32 $0x1400;
	s18 =	simm.s32 $0x3  }
0x5: {  	s19 =	simm.s32 $0x2;
	s20 =	simm.s32 $0x1;
	s21 =	simm.s32 $0x80  }
0x6: {  	s22 =	simm.s32 $0x6800;
	s23 =	simm.s32 $0x1380;
	s6 =	sand.u32 $0x1, s0  }
0x7: {  	s24 =	simm.s32 $0x2700;
	s0 =	stileid.u32;
	s4 =	smul.u32 $0x28000, s6  }
0x8: {  	s25 =	simm.s32 $0x2780;
	[smem:$0x7FF] =	sst s3;
	s7 =	smul.u32 $0x2800, s0  }
0x9: {  	_ =	strace $0x8000004A;
	s10 =	smul.u32 $0x50000, s0;
	s6 =	ssub.s32 $0x2, s6  }
0xa: {  	s31 =	sshrl.u32 s6, $0x1;
	s8 =	sadd.s32 s7, s4;
	s4 =	sadd.s32 $0x7600, s5  }
0xb: {  	s7 =	sshrl.u32 s7, $0x3;
	s30 =	sshrl.u32 s10, $0x2;
	s15 =	ssub.s32 s6, s31  }
0xc: {  	s9 =	sshrl.u32 s8, $0x3;
	s13 =	sadd.s32 s7, s5;
	s14 =	sadd.s32 s8, s5  }
0xd: {  	s15 =	smax.u32 s15, $0x1;
	s12 =	sadd.s32 s9, s5;
	s5 =	sadd.s32 s30, s2  }
0xe: {  	s11 =	sadd.s32 $0x2600, s13;
	s13 =	sadd.s32 $0x2880, s13;
	s14 =	sadd.s32 $0x6B600, s14  }
0xf: {  	s6 =	sadd.s32 $0x61600, s12;
	s7 =	sadd.s32 $0x4000, s5;
	s8 =	sadd.s32 $0x8000, s5  }
0x10: {  	v0 =	vimm.f32 $0.0e+00;
	s9 =	sadd.s32 $0xC000, s5;
	s10 =	sadd.s32 $0x10000, s5;
	s12 =	sadd.s32 $0x61880, s12  }
.LBB2_1:
0x11: {  	s26 =	simm.s32 $0x0;
	s28 =	simm.s32 $0x200  }
.LBB2_2:
0x12: {  	p0 =	sne.s32 s28, $0xFE00;
	[tilespmem:s26+$0x2870] =	vst v0  }
0x13: {  	[tilespmem:s26+$0x2800] =	vst v0  }
0x14: {  	[tilespmem:s26+$0x2810] =	vst v0  }
.Ltmp0:
0x15: {  	[tilespmem:s26+$0x2820] =	vst v0;
	(pc) =	sbr.rel @p0 .LBB2_2-.Ltmp0, $4  }
0x16: {  	[tilespmem:s26+$0x2830] =	vst v0  }
0x17: {  	[tilespmem:s26+$0x2840] =	vst v0  }
0x18: {  	[tilespmem:s26+$0x2850] =	vst v0  }
0x19: {  	[tilespmem:s26+$0x2860] =	vst v0;
	s26 =	sshra.s32 s28, $0x2;
	s28 =	sadd.s32 $0x200, s28  }
0x1a: {  	[tilespmem:s26+$0x2870] =	vst v0  }
0x1b: {  	[tilespmem:s26+$0x2800] =	vst v0  }
0x1c: {  	[tilespmem:s26+$0x2810] =	vst v0  }
0x1d: {  	[tilespmem:s26+$0x2820] =	vst v0  }
0x1e: {  	[tilespmem:s26+$0x2830] =	vst v0  }
0x1f: {  	[tilespmem:s26+$0x2840] =	vst v0  }
0x20: {  	[tilespmem:s26+$0x2850] =	vst v0  }
0x21: {  	[tilespmem:s26+$0x2860] =	vst v0;
	s30 =	simm.s32 $0x0  }
0x22: {  	[tilespmem:s30], [sflag:$0x2] =	stream.linear.gather [hbm4b:s6+s30], $0x1400, $0x38;
	[tilespmem:$0x1E800] =	vst v63  }
0x23: {  	_ = 	snop  }
0x24: {  	[spmem:s5] =	stream.linear.scatter [tilespmem:s16], [sflag:$0x1], $0x4000, $0x38;
	[tilespmem:$0x1E800] =	vst v63  }
0x25: {  	_ = 	snop  }
0x26: {  	[spmem:s7] =	stream.linear.scatter [tilespmem:s16], [sflag:$0x1], $0x4000, $0x38;
	[tilespmem:$0x1E800] =	vst v63  }
0x27: {  	_ = 	snop  }
0x28: {  	[spmem:s8] =	stream.linear.scatter [tilespmem:s16], [sflag:$0x1], $0x4000, $0x38;
	[tilespmem:$0x1E800] =	vst v63  }
0x29: {  	_ = 	snop  }
0x2a: {  	[spmem:s9] =	stream.linear.scatter [tilespmem:s16], [sflag:$0x1], $0x4000, $0x38;
	[tilespmem:$0x1E800] =	vst v63  }
0x2b: {  	_ = 	snop  }
0x2c: {  	[spmem:s10] =	stream.linear.scatter [tilespmem:s16], [sflag:$0x1], $0x4000, $0x38;
	[tilespmem:$0x1E800] =	vst v63  }
0x2d: {  	_ = 	snop  }
0x2e: {  	[tilespmem:s17], [sflag:$0x3] =	stream.linear.gather [hbm4b:s11+s30], $0x1400, $0x38;
	[tilespmem:$0x1E800] =	vst v63  }
0x2f: {  	_ =	swait.ge [sflag:s18], $0x1400  }
0x30: {  	[sflag:s18] =	ssyncset.done $0x0  }
0x31: {  	[sflag:s18] =	ssyncadd.s32 $0xFFFFEC00  }
0x32: {  	_ =	swait.ge [sflag:s19], $0x1400  }
0x33: {  	[sflag:s19] =	ssyncset.done $0x0  }
0x34: {  	[sflag:s19] =	ssyncadd.s32 $0xFFFFEC00  }
0x35: {  	_ =	swait.ge [sflag:s20], $0x4000  }
0x36: {  	[sflag:s20] =	ssyncset.done $0x0  }
0x37: {  	[sflag:s20] =	ssyncadd.s32 $0xFFFFC000  }
0x38: {  	_ =	swait.ge [sflag:s20], $0x4000  }
0x39: {  	[sflag:s20] =	ssyncset.done $0x0  }
0x3a: {  	[sflag:s20] =	ssyncadd.s32 $0xFFFFC000  }
0x3b: {  	_ =	swait.ge [sflag:s20], $0x4000  }
0x3c: {  	[sflag:s20] =	ssyncset.done $0x0  }
0x3d: {  	[sflag:s20] =	ssyncadd.s32 $0xFFFFC000  }
0x3e: {  	_ =	swait.ge [sflag:s20], $0x4000  }
0x3f: {  	[sflag:s20] =	ssyncset.done $0x0  }
0x40: {  	[sflag:s20] =	ssyncadd.s32 $0xFFFFC000  }
0x41: {  	_ =	swait.ge [sflag:s20], $0x4000  }
0x42: {  	[sflag:s20] =	ssyncset.done $0x0  }
0x43: {  	[sflag:s20] =	ssyncadd.s32 $0xFFFFC000  }
0x44: {  	[bflag:$0x0] =	sbarrier.arrive $0xFFFF  }
0x45: {  	[tilespmem:s16], [sflag:$0x1] =	stream.indirect.gather [hbm4b:s4+s21], $0x80, s30, s21, $0xb8;
	[tilespmem:$0x1E800] =	vst v63  }
0x46: {  	s31 =	simm.s32 $0x80  }
0x47: {  	[tilespmem:s22], [sflag:$0x2] =	stream.indirect.gather [hbm4b:s4+s21], $0x80, s31, s21, $0xb8;
	[tilespmem:$0x1E800] =	vst v63  }
0x48: {  	_ =	swait.ge [sflag:s20], $0x4000  }
0x49: {  	[sflag:s20] =	ssyncset.done $0x0  }
0x4a: {  	s29 =	simm.s32 $0x1400;
	[sflag:s20] =	ssyncadd.s32 $0xFFFFC000  }
0x4b: {  	[spmem:s2] =	stream.indirect.scatter.add.f32 [tilespmem:s16], [sflag:$0x3], $0x80, s29, s21, $0xb8;
	[tilespmem:$0x1E800] =	vst v63  }
0x4c: {  	_ =	swait.ge [sflag:s18], $0x4000  }
0x4d: {  	[sflag:s18] =	ssyncset.done $0x0  }
0x4e: {  	s30 =	simm.s32 $0x100;
	[sflag:s18] =	ssyncadd.s32 $0xFFFFC000  }
0x4f: {  	[tilespmem:s16], [sflag:$0x1] =	stream.indirect.gather [hbm4b:s4+s21], $0x80, s30, s21, $0xb8;
	[tilespmem:$0x1E800] =	vst v63  }
0x50: {  	_ =	swait.ge [sflag:s19], $0x4000  }
0x51: {  	[sflag:s19] =	ssyncset.done $0x0  }
0x52: {  	s31 =	simm.s32 $0x1480;
	[sflag:s19] =	ssyncadd.s32 $0xFFFFC000  }
0x53: {  	[spmem:s2] =	stream.indirect.scatter.add.f32 [tilespmem:s22], [sflag:$0x3], $0x80, s31, s21, $0xb8;
	[tilespmem:$0x1E800] =	vst v63  }
0x54: {  	_ =	swait.ge [sflag:s18], $0x4000  }
0x55: {  	s28 =	simm.s32 $0x800;
	s26 =	simm.s32 $0x100;
	[sflag:s18] =	ssyncset.done $0x0  }
.LBB2_4:
0x56: {  	s29 =	sadd.s32 $0x80, s26  }
0x57: {  	[sflag:s18] =	ssyncadd.s32 $0xFFFFC000;
	s30 =	smov.u32 s28;
	s31 =	sadd.s32 $0x400, s28  }
0x58: {  	[tilespmem:s22], [sflag:$0x2] =	stream.indirect.gather [hbm4b:s4+s21], $0x80, s29, s21, $0xb8;
	[tilespmem:$0x1E800] =	vst v63  }
0x59: {  	p0 =	sne.s32 s28, $0x4800;
	_ =	swait.ge [sflag:s20], $0x4000  }
0x5a: {  	[sflag:s20] =	ssyncset.done $0x0  }
0x5b: {  	s28 =	sadd.s32 $0x1400, s26;
	[sflag:s20] =	ssyncadd.s32 $0xFFFFC000  }
0x5c: {  	[spmem:s2] =	stream.indirect.scatter.add.f32 [tilespmem:s16], [sflag:$0x3], $0x80, s28, s21, $0xb8;
	[tilespmem:$0x1E800] =	vst v63  }
0x5d: {  	_ =	swait.ge [sflag:s18], $0x4000  }
0x5e: {  	[sflag:s18] =	ssyncset.done $0x0  }
0x5f: {  	s28 =	sadd.s32 $0x100, s26;
	[sflag:s18] =	ssyncadd.s32 $0xFFFFC000  }
0x60: {  	[tilespmem:s16], [sflag:$0x1] =	stream.indirect.gather [hbm4b:s4+s21], $0x80, s28, s21, $0xb8;
	[tilespmem:$0x1E800] =	vst v63  }
0x61: {  	_ =	swait.ge [sflag:s19], $0x4000  }
.Ltmp1:
0x62: {  	[sflag:s19] =	ssyncset.done $0x0;
	(pc) =	sbr.rel @p0 .LBB2_4-.Ltmp1, $4  }
0x63: {  	s26 =	sadd.s32 $0x1480, s26;
	[sflag:s19] =	ssyncadd.s32 $0xFFFFC000  }
0x64: {  	[spmem:s2] =	stream.indirect.scatter.add.f32 [tilespmem:s22], [sflag:$0x3], $0x80, s26, s21, $0xb8;
	[tilespmem:$0x1E800] =	vst v63  }
0x65: {  	_ =	swait.ge [sflag:s18], $0x4000  }
0x66: {  	s28 =	smov.u32 s31;
	s26 =	sshra.s32 s30, $0x2;
	[sflag:s18] =	ssyncset.done $0x0  }
0x67: {  	s28 =	sadd.s32 $0x80, s26;
	[sflag:s18] =	ssyncadd.s32 $0xFFFFC000  }
0x68: {  	[tilespmem:s22], [sflag:$0x2] =	stream.indirect.gather [hbm4b:s4+s21], $0x80, s28, s21, $0xb8;
	[tilespmem:$0x1E800] =	vst v63  }
0x69: {  	_ =	swait.ge [sflag:s20], $0x4000  }
0x6a: {  	[sflag:s20] =	ssyncset.done $0x0  }
0x6b: {  	s28 =	sadd.s32 $0x1400, s26;
	[sflag:s20] =	ssyncadd.s32 $0xFFFFC000  }
0x6c: {  	[spmem:s2] =	stream.indirect.scatter.add.f32 [tilespmem:s16], [sflag:$0x3], $0x80, s28, s21, $0xb8;
	[tilespmem:$0x1E800] =	vst v63  }
0x6d: {  	_ =	swait.ge [sflag:s18], $0x4000  }
0x6e: {  	[sflag:s18] =	ssyncset.done $0x0  }
0x6f: {  	s28 =	sadd.s32 $0x100, s26;
	[sflag:s18] =	ssyncadd.s32 $0xFFFFC000  }
0x70: {  	[tilespmem:s16], [sflag:$0x1] =	stream.indirect.gather [hbm4b:s4+s21], $0x80, s28, s21, $0xb8;
	[tilespmem:$0x1E800] =	vst v63  }
0x71: {  	_ =	swait.ge [sflag:s19], $0x4000  }
0x72: {  	[sflag:s19] =	ssyncset.done $0x0  }
0x73: {  	s29 =	sadd.s32 $0x1480, s26;
	[sflag:s19] =	ssyncadd.s32 $0xFFFFC000  }
0x74: {  	[spmem:s2] =	stream.indirect.scatter.add.f32 [tilespmem:s22], [sflag:$0x3], $0x80, s29, s21, $0xb8;
	[tilespmem:$0x1E800] =	vst v63  }
0x75: {  	_ =	swait.ge [sflag:s18], $0x4000  }
0x76: {  	[sflag:s18] =	ssyncset.done $0x0  }
0x77: {  	[sflag:s18] =	ssyncadd.s32 $0xFFFFC000  }
0x78: {  	[tilespmem:s22], [sflag:$0x2] =	stream.indirect.gather [hbm4b:s4+s21], $0x80, s23, s21, $0xb8;
	[tilespmem:$0x1E800] =	vst v63  }
0x79: {  	_ =	swait.ge [sflag:s20], $0x4000  }
0x7a: {  	[sflag:s20] =	ssyncset.done $0x0  }
0x7b: {  	[sflag:s20] =	ssyncadd.s32 $0xFFFFC000  }
0x7c: {  	[spmem:s2] =	stream.indirect.scatter.add.f32 [tilespmem:s16], [sflag:$0x3], $0x80, s24, s21, $0xb8;
	[tilespmem:$0x1E800] =	vst v63  }
0x7d: {  	_ =	swait.ge [sflag:s18], $0x4000  }
0x7e: {  	[sflag:s18] =	ssyncset.done $0x0  }
0x7f: {  	[sflag:s18] =	ssyncadd.s32 $0xFFFFC000  }
0x80: {  	_ =	swait.ge [sflag:s19], $0x4000  }
0x81: {  	[sflag:s19] =	ssyncset.done $0x0  }
0x82: {  	[sflag:s19] =	ssyncadd.s32 $0xFFFFC000  }
0x83: {  	[spmem:s2] =	stream.indirect.scatter.add.f32 [tilespmem:s22], [sflag:$0x3], $0x80, s25, s21, $0xb8;
	[tilespmem:$0x1E800] =	vst v63  }
0x84: {  	_ =	swait.ge [sflag:s18], $0x4000  }
0x85: {  	[sflag:s18] =	ssyncset.done $0x0  }
0x86: {  	s30 =	simm.s32 $0x0;
	[sflag:s18] =	ssyncadd.s32 $0xFFFFC000  }
0x87: {  	[tilespmem:s30], [sflag:$0x3] =	stream.linear.gather [hbm4b:s12+s30], $0x1400, $0x38;
	[tilespmem:$0x1E800] =	vst v63  }
0x88: {  	_ =	swait.ge [sflag:s18], $0x1400  }
0x89: {  	[sflag:s18] =	ssyncset.done $0x0  }
0x8a: {  	[sflag:s18] =	ssyncadd.s32 $0xFFFFEC00  }
0x8b: {  	[tilespmem:s17], [sflag:$0x3] =	stream.linear.gather [hbm4b:s13+s30], $0x1400, $0x38;
	[tilespmem:$0x1E800] =	vst v63  }
0x8c: {  	_ =	swait.ge [sflag:s18], $0x1400  }
0x8d: {  	[sflag:s18] =	ssyncset.done $0x0  }
0x8e: {  	[sflag:s18] =	ssyncadd.s32 $0xFFFFEC00  }
0x8f: {  	[tilespmem:s16], [sflag:$0x1] =	stream.indirect.gather [hbm4b:s4+s21], $0x80, s30, s21, $0xb8;
	[tilespmem:$0x1E800] =	vst v63  }
0x90: {  	s31 =	simm.s32 $0x80  }
0x91: {  	[tilespmem:s22], [sflag:$0x2] =	stream.indirect.gather [hbm4b:s4+s21], $0x80, s31, s21, $0xb8;
	[tilespmem:$0x1E800] =	vst v63  }
0x92: {  	_ =	swait.ge [sflag:s20], $0x4000  }
0x93: {  	[sflag:s20] =	ssyncset.done $0x0  }
0x94: {  	s29 =	simm.s32 $0x1400;
	[sflag:s20] =	ssyncadd.s32 $0xFFFFC000  }
0x95: {  	[spmem:s2] =	stream.indirect.scatter.add.f32 [tilespmem:s16], [sflag:$0x3], $0x80, s29, s21, $0xb8;
	[tilespmem:$0x1E800] =	vst v63  }
0x96: {  	_ =	swait.ge [sflag:s18], $0x4000  }
0x97: {  	[sflag:s18] =	ssyncset.done $0x0  }
0x98: {  	s30 =	simm.s32 $0x100;
	[sflag:s18] =	ssyncadd.s32 $0xFFFFC000  }
0x99: {  	[tilespmem:s16], [sflag:$0x1] =	stream.indirect.gather [hbm4b:s4+s21], $0x80, s30, s21, $0xb8;
	[tilespmem:$0x1E800] =	vst v63  }
0x9a: {  	_ =	swait.ge [sflag:s19], $0x4000  }
0x9b: {  	[sflag:s19] =	ssyncset.done $0x0  }
0x9c: {  	s31 =	simm.s32 $0x1480;
	[sflag:s19] =	ssyncadd.s32 $0xFFFFC000  }
0x9d: {  	[spmem:s2] =	stream.indirect.scatter.add.f32 [tilespmem:s22], [sflag:$0x3], $0x80, s31, s21, $0xb8;
	[tilespmem:$0x1E800] =	vst v63  }
0x9e: {  	_ =	swait.ge [sflag:s18], $0x4000  }
0x9f: {  	s26 =	simm.s32 $0x100;
	s28 =	simm.s32 $0x800;
	[sflag:s18] =	ssyncset.done $0x0  }
.LBB2_6:
0xa0: {  	s29 =	sadd.s32 $0x80, s26  }
0xa1: {  	[sflag:s18] =	ssyncadd.s32 $0xFFFFC000;
	s30 =	smov.u32 s28;
	s31 =	sadd.s32 $0x400, s28  }
0xa2: {  	[tilespmem:s22], [sflag:$0x2] =	stream.indirect.gather [hbm4b:s4+s21], $0x80, s29, s21, $0xb8;
	[tilespmem:$0x1E800] =	vst v63  }
0xa3: {  	p0 =	sne.s32 s28, $0x4800;
	_ =	swait.ge [sflag:s20], $0x4000  }
0xa4: {  	[sflag:s20] =	ssyncset.done $0x0  }
0xa5: {  	s28 =	sadd.s32 $0x1400, s26;
	[sflag:s20] =	ssyncadd.s32 $0xFFFFC000  }
0xa6: {  	[spmem:s2] =	stream.indirect.scatter.add.f32 [tilespmem:s16], [sflag:$0x3], $0x80, s28, s21, $0xb8;
	[tilespmem:$0x1E800] =	vst v63  }
0xa7: {  	_ =	swait.ge [sflag:s18], $0x4000  }
0xa8: {  	[sflag:s18] =	ssyncset.done $0x0  }
0xa9: {  	s28 =	sadd.s32 $0x100, s26;
	[sflag:s18] =	ssyncadd.s32 $0xFFFFC000  }
0xaa: {  	[tilespmem:s16], [sflag:$0x1] =	stream.indirect.gather [hbm4b:s4+s21], $0x80, s28, s21, $0xb8;
	[tilespmem:$0x1E800] =	vst v63  }
0xab: {  	_ =	swait.ge [sflag:s19], $0x4000  }
.Ltmp2:
0xac: {  	[sflag:s19] =	ssyncset.done $0x0;
	(pc) =	sbr.rel @p0 .LBB2_6-.Ltmp2, $4  }
0xad: {  	s26 =	sadd.s32 $0x1480, s26;
	[sflag:s19] =	ssyncadd.s32 $0xFFFFC000  }
0xae: {  	[spmem:s2] =	stream.indirect.scatter.add.f32 [tilespmem:s22], [sflag:$0x3], $0x80, s26, s21, $0xb8;
	[tilespmem:$0x1E800] =	vst v63  }
0xaf: {  	_ =	swait.ge [sflag:s18], $0x4000  }
0xb0: {  	s28 =	smov.u32 s31;
	s26 =	sshra.s32 s30, $0x2;
	[sflag:s18] =	ssyncset.done $0x0  }
0xb1: {  	s28 =	sadd.s32 $0x80, s26;
	[sflag:s18] =	ssyncadd.s32 $0xFFFFC000  }
0xb2: {  	[tilespmem:s22], [sflag:$0x2] =	stream.indirect.gather [hbm4b:s4+s21], $0x80, s28, s21, $0xb8;
	[tilespmem:$0x1E800] =	vst v63  }
0xb3: {  	_ =	swait.ge [sflag:s20], $0x4000  }
0xb4: {  	[sflag:s20] =	ssyncset.done $0x0  }
0xb5: {  	s30 =	sadd.s32 $0x1400, s26;
	[sflag:s20] =	ssyncadd.s32 $0xFFFFC000  }
0xb6: {  	[spmem:s2] =	stream.indirect.scatter.add.f32 [tilespmem:s16], [sflag:$0x3], $0x80, s30, s21, $0xb8;
	[tilespmem:$0x1E800] =	vst v63  }
0xb7: {  	_ =	swait.ge [sflag:s18], $0x4000  }
0xb8: {  	[sflag:s18] =	ssyncset.done $0x0  }
0xb9: {  	s31 =	sadd.s32 $0x100, s26;
	[sflag:s18] =	ssyncadd.s32 $0xFFFFC000  }
0xba: {  	[tilespmem:s16], [sflag:$0x1] =	stream.indirect.gather [hbm4b:s4+s21], $0x80, s31, s21, $0xb8;
	[tilespmem:$0x1E800] =	vst v63  }
0xbb: {  	_ =	swait.ge [sflag:s19], $0x4000  }
0xbc: {  	[sflag:s19] =	ssyncset.done $0x0  }
0xbd: {  	s29 =	sadd.s32 $0x1480, s26;
	[sflag:s19] =	ssyncadd.s32 $0xFFFFC000  }
0xbe: {  	[spmem:s2] =	stream.indirect.scatter.add.f32 [tilespmem:s22], [sflag:$0x3], $0x80, s29, s21, $0xb8;
	[tilespmem:$0x1E800] =	vst v63  }
0xbf: {  	_ =	swait.ge [sflag:s18], $0x4000  }
0xc0: {  	[sflag:s18] =	ssyncset.done $0x0  }
0xc1: {  	[sflag:s18] =	ssyncadd.s32 $0xFFFFC000  }
0xc2: {  	[tilespmem:s22], [sflag:$0x2] =	stream.indirect.gather [hbm4b:s4+s21], $0x80, s23, s21, $0xb8;
	[tilespmem:$0x1E800] =	vst v63  }
0xc3: {  	_ =	swait.ge [sflag:s20], $0x4000  }
0xc4: {  	[sflag:s20] =	ssyncset.done $0x0  }
0xc5: {  	[sflag:s20] =	ssyncadd.s32 $0xFFFFC000  }
0xc6: {  	[spmem:s2] =	stream.indirect.scatter.add.f32 [tilespmem:s16], [sflag:$0x3], $0x80, s24, s21, $0xb8;
	[tilespmem:$0x1E800] =	vst v63  }
0xc7: {  	_ =	swait.ge [sflag:s18], $0x4000  }
0xc8: {  	[sflag:s18] =	ssyncset.done $0x0  }
0xc9: {  	[sflag:s18] =	ssyncadd.s32 $0xFFFFC000  }
0xca: {  	_ =	swait.ge [sflag:s19], $0x4000  }
0xcb: {  	[sflag:s19] =	ssyncset.done $0x0  }
0xcc: {  	[sflag:s19] =	ssyncadd.s32 $0xFFFFC000  }
0xcd: {  	[spmem:s2] =	stream.indirect.scatter.add.f32 [tilespmem:s22], [sflag:$0x3], $0x80, s25, s21, $0xb8;
	[tilespmem:$0x1E800] =	vst v63  }
0xce: {  	_ =	swait.ge [sflag:s18], $0x4000  }
0xcf: {  	s3 =	sadd.s32 $0x1, s3;
	s30 =	sshll.u32 s0, $0x6;
	[sflag:s18] =	ssyncset.done $0x0  }
0xd0: {  	p0 =	sne.s32 s3, s15;
	s26 =	sor.u32 $0x1C03, s30;
	[sflag:s18] =	ssyncadd.s32 $0xFFFFC000  }
.Ltmp3:
0xd1: {  	s31 =	sshrl.u32 s5, $0x3;
	[bflag:$0x0] =	sbarrier.arrive $0xFFFF;
	(pc) =	sbr.rel @p0 .LBB2_1-.Ltmp3, $4  }
0xd2: {  	[hbm:s14], [sflag:s26] =	dma.local [spmem:s31], $0x2800  }
0xd3: {  	_ =	swait.ge [sflag:s18], $0x2800  }
0xd4: {  	[sflag:s18] =	ssyncset.done $0x0  }
0xd5: {  	[sflag:s18] =	ssyncadd.s32 $0xFFFFD800  }
0xd6: {  	_ =	sfence.sel $0x180000  }
0xd7: {  	[bflag:$0x0] =	sbarrier.arrive $0xFFFF  }
0xd8: {  	p0 =	sne.s32 s0, $0x0;
	_ =	strace $0x9000004A  }
0xd9: {  	s0 =	sadd.s32 @!p0 $0x100000, s1;
	[bflag:$0x2] =	sbarrier.arrive $0xFFFF  }
0xda: {  	[sflag:s0] =	ssyncadd.tile.s32 @!p0 $0x1;
	_ =	shalt  }
.Lfunc_end2:
_tile_overlayer_lowered:
.L_overlay_start_2:
0xdb: {  	(tag) =	ssettag $0x2  }
0xdc: {  	s0 =	rddreg [dreg:$0x0];
	s2 =	stileid.u32  }
0xdd: {  	s1 =	rddreg [dreg:$0x1];
	p0 =	sne.s32 s2, $0x0  }
0xde: {  	s3 =	rddreg [dreg:$0x2];
	[bflag:$0x3] =	sbarrier.arrive $0xFFFF;
	s2 =	simm.s32 @!p0 $0x1C03  }
0xdf: {  	[timem:s3], [sflag:s2] =	dma.local @!p0 [hbm:s0], s1  }
0xe0: {  	s0 =	simm.s32 @!p0 $0x3  }
0xe1: {  	_ =	swait.ge @!p0 [sflag:s0], s1  }
0xe2: {  	s1 =	ssub.s32 @!p0 $0x0, s1;
	[sflag:s0] =	ssyncset.done @!p0 $0x0  }
0xe3: {  	[sflag:s0] =	ssyncadd.s32 @!p0 s1  }
0xe4: {  	[bflag:$0x3] =	sbarrier.arrive $0xFFFF  }
0xe5: {  	_ =	shalt  }

// kernel: kernel.15.cloned.1.call-start
scs
__scs_entry_jumppad:
0x0: {  	(pc) =	sbr.rel $0x88, $3  }
0x1: {  	(tag) =	ssettag $0x0;
	lr =	simm.s32 $0x1  }
0x2: {  	[smem:$0x3F98] =	sst lr;
	_ =	strace $0xD0000000  }
0x3: {  	_ = 	snop  }
0x4: {  	_ = 	snop  }
0x5: {  	_ = 	snop  }
0x6: {  	_ = 	snop  }
0x7: {  	_ = 	snop  }
__scs_overlays_trampoline_lowered:
0x8: {  	[smem:$0x3FA7] =	sst s0  }
0x9: {  	[smem:$0x3FA8] =	sst s1  }
0xa: {  	[smem:$0x3FA9] =	sst s2  }
0xb: {  	[smem:$0x3FAA] =	sst s3  }
0xc: {  	[smem:$0x3FAB] =	sst s4  }
0xd: {  	[smem:$0x3FAC] =	sst s5  }
0xe: {  	[smem:$0x3FAD] =	sst s6  }
0xf: {  	[smem:$0x3FAE] =	sst s7  }
0x10: {  	[smem:$0x3FAF] =	sst s8  }
0x11: {  	[smem:$0x3FB0] =	sst s9;
	s0 =	simm.s32 @!p0 $0x0  }
0x12: {  	s1 =	sld [smem:$0x3F96];
	s0 =	simm.s32 @p0 $0x1  }
0x13: {  	[smem:$0x3FB1] =	sst s0;
	s0 =	simm.s32 @!p1 $0x0  }
0x14: {  	s2 =	sld [smem:$0x3F95];
	s0 =	simm.s32 @p1 $0x1  }
0x15: {  	[smem:$0x3FB2] =	sst s0;
	s0 =	simm.s32 @!p2 $0x0  }
0x16: {  	s3 =	sld [smem:$0x3FDB];
	s0 =	simm.s32 @p2 $0x1  }
0x17: {  	s4 =	simm.s32 $0x1BF5;
	[smem:$0x3FB4] =	sst s0  }
0x18: {  	s0 =	sld [smem:$0x3F97];
	_ =	swait.ge [sflag:s4], $0x0  }
0x19: {  	s7 =	sld [smem:$0x3F98]  }
0x1a: {  	s8 =	sadd.s32 $0xFFFFE003, lr  }
0x1b: {  	s9 =	sadd.s32 $0xFFFFFEF7, lr;
	s5 =	simm.s32 $0xFFFFFFFF;
	p2 =	slt.u32 s8, $0xFFFFF086  }
0x1c: {  	p1 =	slt.u32 s9, $0xF7A;
	s5 =	simm.s32 @!p2 $0x0  }
0x1d: {  	s5 =	simm.s32 @p1 $0x1;
	p0 =	seq.s32 s7, s2  }
0x1e: {  	s7 =	smul.u32 @!p0 $0xF7A, s2;
	p2 =	seq.s32 @!p0 s5, $0x0  }
0x1f: {  	s9 =	smul.u32 $0xF7A, s1;
	s8 =	simm.s32 @!p0 $0x1BF5;
	p2 =	por !p2, p0  }
0x20: {  	[sflag:s8] =	ssyncset.s32 @!p0 $0xFFFFF086;
	s6 =	sadd.s32 @!p0 s3, s7;
	s7 =	simm.s32 @!p0 $0x108  }
0x21: {  	s3 =	sadd.s32 s3, s9;
	s6 =	sadd.s32 @!p0 $0x88, s6;
	s7 =	simm.s32 @p2 $0x1082  }
0x22: {  	[simem:s7], [sflag:s8] =	dma.local @!p0 [hbm:s6], $0xF7A  }
0x23: {  	s9 =	sor.u32 $0xD0000000, s2;
	s6 =	simm.s32 $0x108;
	_ =	swait.ge @!p0 [sflag:s8], $0x0  }
0x24: {  	s3 =	sadd.s32 $0x88, s3;
	s6 =	simm.s32 @!p1 $0x1082;
	[sflag:s4] =	ssyncset.s32 $0xFFFFF086  }
0x25: {  	[simem:s6], [sflag:s4] =	dma.local [hbm:s3], $0xF7A  }
0x26: {  	[smem:$0x3F98] =	sst s1;
	(tag) =	ssettag s2;
	_ =	strace s9  }
0x27: {  	s1 =	sld [smem:$0x3FA8]  }
0x28: {  	s2 =	sld [smem:$0x3FA9]  }
0x29: {  	s4 =	sld [smem:$0x3FAB]  }
0x2a: {  	p0 =	seq.s32 s5, $0x0;
	s5 =	sld [smem:$0x3FAC]  }
0x2b: {  	s6 =	sld [smem:$0x3FAD]  }
0x2c: {  	s7 =	sld [smem:$0x3FAE]  }
0x2d: {  	s3 =	simm.s32 $0x108;
	s8 =	sld [smem:$0x3FAF]  }
0x2e: {  	s3 =	simm.s32 @!p0 $0x1082;
	s9 =	sld [smem:$0x3FB0]  }
0x2f: {  	lr =	sadd.s32 s0, s3;
	s0 =	sld [smem:$0x3FA7]  }
0x30: {  	s3 =	sld [smem:$0x3FAA]  }
0x31: {  	[smem:$0x3FB3] =	sst s10  }
0x32: {  	s10 =	sld [smem:$0x3FB1];
	_ =	sdelay $0x3  }
0x33: {  	p0 =	seq.s32 s10, $0x1;
	s10 =	sld [smem:$0x3FB3];
	_ =	sdelay $0x3  }
0x34: {  	[smem:$0x3FB3] =	sst s10  }
0x35: {  	s10 =	sld [smem:$0x3FB2];
	_ =	sdelay $0x3  }
0x36: {  	p1 =	seq.s32 s10, $0x1;
	s10 =	sld [smem:$0x3FB3];
	_ =	sdelay $0x3  }
0x37: {  	[smem:$0x3FB3] =	sst s10  }
0x38: {  	s10 =	sld [smem:$0x3FB4]  }
0x39: {  	_ = 	snop;
	(pc) =	sbr.ind lr, $3  }
0x3a: {  	_ = 	snop  }
0x3b: {  	_ = 	snop  }
0x3c: {  	p2 =	seq.s32 s10, $0x1;
	s10 =	sld [smem:$0x3FB3]  }
0x3d: {  	_ =	shalt  }
0x3e: {  	_ =	shalt  }
0x3f: {  	_ =	shalt  }
0x40: {  	_ =	shalt  }
0x41: {  	_ =	shalt  }
0x42: {  	_ =	shalt  }
0x43: {  	_ =	shalt  }
0x44: {  	_ =	shalt  }
0x45: {  	_ =	shalt  }
0x46: {  	_ =	shalt  }
0x47: {  	_ =	shalt  }
0x48: {  	_ =	shalt  }
0x49: {  	_ =	shalt  }
0x4a: {  	_ =	shalt  }
0x4b: {  	_ =	shalt  }
0x4c: {  	_ =	shalt  }
0x4d: {  	_ =	shalt  }
0x4e: {  	_ =	shalt  }
0x4f: {  	_ =	shalt  }
0x50: {  	_ =	shalt  }
0x51: {  	_ =	shalt  }
0x52: {  	_ =	shalt  }
0x53: {  	_ =	shalt  }
0x54: {  	_ =	shalt  }
0x55: {  	_ =	shalt  }
0x56: {  	_ =	shalt  }
0x57: {  	_ =	shalt  }
0x58: {  	_ =	shalt  }
0x59: {  	_ =	shalt  }
0x5a: {  	_ =	shalt  }
0x5b: {  	_ =	shalt  }
0x5c: {  	_ =	shalt  }
0x5d: {  	_ =	shalt  }
0x5e: {  	_ =	shalt  }
0x5f: {  	_ =	shalt  }
0x60: {  	_ =	shalt  }
0x61: {  	_ =	shalt  }
0x62: {  	_ =	shalt  }
0x63: {  	_ =	shalt  }
0x64: {  	_ =	shalt  }
0x65: {  	_ =	shalt  }
0x66: {  	_ =	shalt  }
0x67: {  	_ =	shalt  }
0x68: {  	_ =	shalt  }
0x69: {  	_ =	shalt  }
0x6a: {  	_ =	shalt  }
0x6b: {  	_ =	shalt  }
0x6c: {  	_ =	shalt  }
0x6d: {  	_ =	shalt  }
0x6e: {  	_ =	shalt  }
0x6f: {  	_ =	shalt  }
0x70: {  	_ =	shalt  }
0x71: {  	_ =	shalt  }
0x72: {  	_ =	shalt  }
0x73: {  	_ =	shalt  }
0x74: {  	_ =	shalt  }
0x75: {  	_ =	shalt  }
0x76: {  	_ =	shalt  }
0x77: {  	_ =	shalt  }
0x78: {  	_ =	shalt  }
0x79: {  	_ =	shalt  }
0x7a: {  	_ =	shalt  }
0x7b: {  	_ =	shalt  }
0x7c: {  	_ =	shalt  }
0x7d: {  	_ =	shalt  }
0x7e: {  	_ =	shalt  }
0x7f: {  	_ =	shalt  }
0x80: {  	_ =	shalt  }
0x81: {  	_ =	shalt  }
0x82: {  	_ =	shalt  }
0x83: {  	_ =	shalt  }
0x84: {  	_ =	shalt  }
0x85: {  	_ =	shalt  }
0x86: {  	_ =	shalt  }
0x87: {  	_ =	shalt  }
.Lfunc_end0:
.L_simem_size_0:
called_computation.2_lowered:
.L_overlay_start_0:
0x88: {  	s2 =	sld [smem:$0x3FD9]  }
0x89: {  	s3 =	sld [smem:$0x3FFE];
	_ =	sdelay $0x1  }
0x8a: {  	s1 =	srdreg.scid  }
0x8b: {  	s0 =	sand.u32 $0x1, s1  }
0x8c: {  	s14 =	sshll.u32 s0, $0xA;
	s2 =	sadd.s32 s3, s2  }
0x8d: {  	s2 =	sadd.s32 s2, s14  }
0x8e: {  	[smem:$0x3FBF] =	sst s2  }
0x8f: {  	_ = 	snop  }
0x90: {  	s2 =	sld [smem:$0x3FD0];
	_ =	sdelay $0x2  }
0x91: {  	s15 =	simm.s32 $0xA;
	s4 =	simm.s32 $0x10  }
0x92: {  	[smem:s4], [sflag:s15] =	dma.local [hbm:s2], $0x1  }
0x93: {  	_ =	swait.eq [sflag:s15], $0x1  }
0x94: {  	[sflag:s15] =	ssyncset.done $0x0  }
0x95: {  	[sflag:s15] =	ssyncadd.s32 $0xFFFFFFFF  }
0x96: {  	s16 =	sld [smem:$0x11];
	(tm) =	ssettm $0x1  }
0x97: {  	s17 =	sld [smem:$0x3FFB];
	_ =	sdelay $0x3  }
0x98: {  	_ =	strace s17  }
0x99: {  	s3 =	sld [smem:$0x3FFC];
	_ =	sdelay $0x3  }
0x9a: {  	_ =	strace s3  }
0x9b: {  	s3 =	sld [smem:$0x3FFD];
	_ =	sdelay $0x3  }
0x9c: {  	_ =	strace s3  }
0x9d: {  	_ =	strace $0x8FFFFFFF  }
0x9e: {  	s18 =	sld [smem:$0x3FDB];
	_ =	sdelay $0x1  }
0x9f: {  	s19 =	simm.s32 $_scs_section_size  }
0xa0: {  	s5 =	simm.s32 $_size__tile_overlayer_lowered;
	s6 =	simm.s32 $_tile_overlayer_lowered  }
0xa1: {  	s22 =	simm.s32 $0x1BFF;
	s21 =	sshll.u32 s6, $0x1;
	s3 =	sadd.s32 s19, s18  }
0xa2: {  	s7 =	simm.s32 $0x0;
	s20 =	sshll.u32 s5, $0x1;
	s5 =	sadd.s32 s21, s3  }
0xa3: {  	[timem:s7], [sflag:s22] =	dma.local [hbm:s5], s20  }
0xa4: {  	_ =	swait.ge [sflag:s22], s20  }
0xa5: {  	s4 =	ssub.s32 $0x0, s20;
	[sflag:s22] =	ssyncset.done $0x0  }
0xa6: {  	[sflag:s22] =	ssyncadd.s32 s4;
	_ =	sdelay $0x1  }
0xa7: {  	s23 =	simm.s32 $0x1B8B  }
0xa8: {  	_ =	swait.ge [sflag:s23], $0x1  }
0xa9: {  	[sflag:s23] =	ssyncset.done $0x0  }
0xaa: {  	s25 =	simm.s32 $0x1B8E;
	s24 =	sld [smem:$0x3FFE];
	[sflag:s23] =	ssyncadd.s32 $0xFFFFFFFF  }
0xab: {  	s26 =	simm.s32 $execute0_lowered;
	[smem:$0x3FD2] =	sst s25  }
0xac: {  	s5 =	sshll.u32 s26, $0x1;
	_ =	strace $0x8000004C;
	[dreg:$0x1] =	wrdreg $0xFFFFFFFF  }
0xad: {  	s28 =	simm.s32 $_size_execute0_lowered;
	s3 =	sadd.s32 s3, s5;
	[dreg:$0x0] =	wrdreg $0x0  }
0xae: {  	s5 =	sshll.u32 s28, $0x1;
	[dreg:$0x2] =	wrdreg s3  }
0xaf: {  	[dreg:$0x3] =	wrdreg s5  }
0xb0: {  	[dreg:$0x4] =	wrdreg $0xC0  }
0xb1: {  	_ =	task [dreg:s7], $0x5FFFF  }
0xb2: {  	[dreg:$0x1] =	wrdreg $0xFFFFFFFF  }
0xb3: {  	[dreg:$0x0] =	wrdreg $0x60  }
0xb4: {  	[dreg:$0x2] =	wrdreg s24  }
0xb5: {  	[dreg:$0x3] =	wrdreg s16  }
0xb6: {  	[dreg:$0x4] =	wrdreg $0xA8000  }
0xb7: {  	[dreg:$0x5] =	wrdreg $0x9  }
0xb8: {  	_ =	task.clear_ibuf [dreg:s7], $0x6FFFF;
	_ =	strace $0x9000004C  }
0xb9: {  	s29 =	simm.s32 $0x9;
	_ =	strace $0x8000004E  }
0xba: {  	_ =	swait.ge [sflag:s29], $0x1  }
0xbb: {  	[sflag:s29] =	ssyncadd.s32 $0xFFFFFFFF  }
0xbc: {  	_ =	strace $0x9000004E  }
0xbd: {  	_ =	sfence  }
0xbe: {  	s30 =	sld [smem:$0x0];
	_ =	sdelay $0x2  }
0xbf: {  	s31 =	sshll.u32 s1, $0xD;
	s1 =	sshrl.u32 s1, $0x2  }
0xc0: {  	s3 =	sand.u32 $0x4000, s31;
	s1 =	sadd.s32 s1, s30  }
0xc1: {  	s0 =	sor.u32 s3, s0;
	s1 =	sshll.u32 s1, $0x11  }
0xc2: {  	s0 =	sor.u32 s1, s0  }
0xc3: {  	s0 =	sadd.s32 $0x8F2B, s0  }
0xc4: {  	[sflag:s0] =	ssyncadd.remote.s32 $0x1  }
0xc5: {  	_ =	sfence.sel $0xFFFF  }
0xc6: {  	[dreg:$0x0] =	wrdreg $0xFFFFFFFF;
	(pc) =	sbr.abs _section_cstart, $3  }
0xc7: {  	[dreg:$0x1] =	wrdreg $0xFFFFFFFF  }
0xc8: {  	_ =	task.clear_ibuf [dreg:s7], $0x2FFFF;
	_ =	strace $0x9FFFFFFF  }
0xc9: {  	(tm) =	ssettm $0x7FFFFFFF  }
tec
execute0_lowered:
.L_overlay_start_1:
0x0: {  	(tag) =	ssettag $0x1  }
0x1: {  	s5 =	rddreg [dreg:$0x0]  }
0x2: {  	s0 =	rddreg [dreg:$0x1];
	s1 =	srdreg.scid  }
0x3: {  	s2 =	rddreg [dreg:$0x2];
	s25 =	stileid.u32  }
0x4: {  	s3 =	simm.s32 $0x0;
	s16 =	simm.s32 $0x2800;
	s17 =	simm.s32 $0x1400  }
0x5: {  	s18 =	simm.s32 $0x3;
	s19 =	simm.s32 $0x2;
	s20 =	simm.s32 $0x1  }
0x6: {  	s21 =	simm.s32 $0x80;
	s22 =	simm.s32 $0x6800;
	s23 =	simm.s32 $0x1380  }
0x7: {  	s24 =	simm.s32 $0x2700;
	s6 =	sand.u32 $0x1, s1;
	s1 =	rddreg [dreg:$0x3]  }
0x8: {  	s8 =	smul.u32 $0x2800, s25;
	[smem:$0x7FF] =	sst s3;
	s4 =	sadd.s32 $0x7600, s5  }
0x9: {  	s9 =	smul.u32 $0x50000, s25;
	p0 =	sne.s32 s25, $0x0;
	s25 =	simm.s32 $0x2780  }
0xa: {  	s7 =	smul.u32 $0x28000, s6;
	_ =	strace $0x8000004D;
	s30 =	ssub.s32 $0x2, s6  }
0xb: {  	s6 =	sshll.u32 s6, $0xB;
	s31 =	sshrl.u32 s30, $0x1;
	s9 =	sshrl.u32 s9, $0x2  }
0xc: {  	s14 =	sadd.s32 s6, s5;
	s7 =	sadd.s32 s8, s7;
	s8 =	sshrl.u32 s8, $0x3  }
0xd: {  	s15 =	ssub.s32 s30, s31;
	s14 =	sadd.s32 $0x57600, s14;
	s7 =	sshrl.u32 s7, $0x3  }
0xe: {  	s13 =	sadd.s32 s8, s5;
	s15 =	smax.u32 s15, $0x1;
	s12 =	sadd.s32 s7, s5  }
0xf: {  	s5 =	sadd.s32 s9, s2;
	s11 =	sadd.s32 $0x2600, s13;
	s13 =	sadd.s32 $0x2880, s13  }
0x10: {  	s6 =	sadd.s32 $0x61600, s12;
	s7 =	sadd.s32 $0x4000, s5;
	s8 =	sadd.s32 $0x8000, s5  }
0x11: {  	v0 =	vimm.f32 $0.0e+00;
	s9 =	sadd.s32 $0xC000, s5;
	s10 =	sadd.s32 $0x10000, s5;
	s12 =	sadd.s32 $0x61880, s12  }
.LBB2_1:
0x12: {  	s26 =	simm.s32 $0x0;
	s28 =	simm.s32 $0x200  }
.LBB2_2:
0x13: {  	p1 =	sne.s32 s28, $0xFE00;
	[tilespmem:s26+$0x2870] =	vst v0  }
0x14: {  	[tilespmem:s26+$0x2800] =	vst v0  }
0x15: {  	[tilespmem:s26+$0x2810] =	vst v0  }
.Ltmp0:
0x16: {  	[tilespmem:s26+$0x2820] =	vst v0;
	(pc) =	sbr.rel @p1 .LBB2_2-.Ltmp0, $4  }
0x17: {  	[tilespmem:s26+$0x2830] =	vst v0  }
0x18: {  	[tilespmem:s26+$0x2840] =	vst v0  }
0x19: {  	[tilespmem:s26+$0x2850] =	vst v0  }
0x1a: {  	[tilespmem:s26+$0x2860] =	vst v0;
	s26 =	sshra.s32 s28, $0x2;
	s28 =	sadd.s32 $0x200, s28  }
0x1b: {  	[tilespmem:s26+$0x2870] =	vst v0  }
0x1c: {  	[tilespmem:s26+$0x2800] =	vst v0  }
0x1d: {  	[tilespmem:s26+$0x2810] =	vst v0  }
0x1e: {  	[tilespmem:s26+$0x2820] =	vst v0  }
0x1f: {  	[tilespmem:s26+$0x2830] =	vst v0  }
0x20: {  	[tilespmem:s26+$0x2840] =	vst v0  }
0x21: {  	[tilespmem:s26+$0x2850] =	vst v0  }
0x22: {  	[tilespmem:s26+$0x2860] =	vst v0;
	s30 =	simm.s32 $0x0  }
0x23: {  	[tilespmem:s30], [sflag:$0x2] =	stream.linear.gather [hbm4b:s6+s30], $0x1400, $0x38;
	[tilespmem:$0x1E800] =	vst v63  }
0x24: {  	_ = 	snop  }
0x25: {  	[spmem:s5] =	stream.linear.scatter [tilespmem:s16], [sflag:$0x1], $0x4000, $0x38;
	[tilespmem:$0x1E800] =	vst v63  }
0x26: {  	_ = 	snop  }
0x27: {  	[spmem:s7] =	stream.linear.scatter [tilespmem:s16], [sflag:$0x1], $0x4000, $0x38;
	[tilespmem:$0x1E800] =	vst v63  }
0x28: {  	_ = 	snop  }
0x29: {  	[spmem:s8] =	stream.linear.scatter [tilespmem:s16], [sflag:$0x1], $0x4000, $0x38;
	[tilespmem:$0x1E800] =	vst v63  }
0x2a: {  	_ = 	snop  }
0x2b: {  	[spmem:s9] =	stream.linear.scatter [tilespmem:s16], [sflag:$0x1], $0x4000, $0x38;
	[tilespmem:$0x1E800] =	vst v63  }
0x2c: {  	_ = 	snop  }
0x2d: {  	[spmem:s10] =	stream.linear.scatter [tilespmem:s16], [sflag:$0x1], $0x4000, $0x38;
	[tilespmem:$0x1E800] =	vst v63  }
0x2e: {  	_ = 	snop  }
0x2f: {  	[tilespmem:s17], [sflag:$0x3] =	stream.linear.gather [hbm4b:s11+s30], $0x1400, $0x38;
	[tilespmem:$0x1E800] =	vst v63  }
0x30: {  	_ =	swait.ge [sflag:s18], $0x1400  }
0x31: {  	[sflag:s18] =	ssyncset.done $0x0  }
0x32: {  	[sflag:s18] =	ssyncadd.s32 $0xFFFFEC00  }
0x33: {  	_ =	swait.ge [sflag:s19], $0x1400  }
0x34: {  	[sflag:s19] =	ssyncset.done $0x0  }
0x35: {  	[sflag:s19] =	ssyncadd.s32 $0xFFFFEC00  }
0x36: {  	_ =	swait.ge [sflag:s20], $0x4000  }
0x37: {  	[sflag:s20] =	ssyncset.done $0x0  }
0x38: {  	[sflag:s20] =	ssyncadd.s32 $0xFFFFC000  }
0x39: {  	_ =	swait.ge [sflag:s20], $0x4000  }
0x3a: {  	[sflag:s20] =	ssyncset.done $0x0  }
0x3b: {  	[sflag:s20] =	ssyncadd.s32 $0xFFFFC000  }
0x3c: {  	_ =	swait.ge [sflag:s20], $0x4000  }
0x3d: {  	[sflag:s20] =	ssyncset.done $0x0  }
0x3e: {  	[sflag:s20] =	ssyncadd.s32 $0xFFFFC000  }
0x3f: {  	_ =	swait.ge [sflag:s20], $0x4000  }
0x40: {  	[sflag:s20] =	ssyncset.done $0x0  }
0x41: {  	[sflag:s20] =	ssyncadd.s32 $0xFFFFC000  }
0x42: {  	_ =	swait.ge [sflag:s20], $0x4000  }
0x43: {  	[sflag:s20] =	ssyncset.done $0x0  }
0x44: {  	[sflag:s20] =	ssyncadd.s32 $0xFFFFC000  }
0x45: {  	[bflag:$0x0] =	sbarrier.arrive $0xFFFF  }
0x46: {  	[tilespmem:s16], [sflag:$0x1] =	stream.indirect.gather [hbm4b:s4+s21], $0x80, s30, s21, $0xb8;
	[tilespmem:$0x1E800] =	vst v63  }
0x47: {  	s31 =	simm.s32 $0x80  }
0x48: {  	[tilespmem:s22], [sflag:$0x2] =	stream.indirect.gather [hbm4b:s4+s21], $0x80, s31, s21, $0xb8;
	[tilespmem:$0x1E800] =	vst v63  }
0x49: {  	_ =	swait.ge [sflag:s20], $0x4000  }
0x4a: {  	[sflag:s20] =	ssyncset.done $0x0  }
0x4b: {  	s29 =	simm.s32 $0x1400;
	[sflag:s20] =	ssyncadd.s32 $0xFFFFC000  }
0x4c: {  	[spmem:s2] =	stream.indirect.scatter.add.f32 [tilespmem:s16], [sflag:$0x3], $0x80, s29, s21, $0xb8;
	[tilespmem:$0x1E800] =	vst v63  }
0x4d: {  	_ =	swait.ge [sflag:s18], $0x4000  }
0x4e: {  	[sflag:s18] =	ssyncset.done $0x0  }
0x4f: {  	s30 =	simm.s32 $0x100;
	[sflag:s18] =	ssyncadd.s32 $0xFFFFC000  }
0x50: {  	[tilespmem:s16], [sflag:$0x1] =	stream.indirect.gather [hbm4b:s4+s21], $0x80, s30, s21, $0xb8;
	[tilespmem:$0x1E800] =	vst v63  }
0x51: {  	_ =	swait.ge [sflag:s19], $0x4000  }
0x52: {  	[sflag:s19] =	ssyncset.done $0x0  }
0x53: {  	s31 =	simm.s32 $0x1480;
	[sflag:s19] =	ssyncadd.s32 $0xFFFFC000  }
0x54: {  	[spmem:s2] =	stream.indirect.scatter.add.f32 [tilespmem:s22], [sflag:$0x3], $0x80, s31, s21, $0xb8;
	[tilespmem:$0x1E800] =	vst v63  }
0x55: {  	_ =	swait.ge [sflag:s18], $0x4000  }
0x56: {  	s28 =	simm.s32 $0x800;
	s26 =	simm.s32 $0x100;
	[sflag:s18] =	ssyncset.done $0x0  }
.LBB2_4:
0x57: {  	s29 =	sadd.s32 $0x80, s26  }
0x58: {  	[sflag:s18] =	ssyncadd.s32 $0xFFFFC000;
	s30 =	smov.u32 s28;
	s31 =	sadd.s32 $0x400, s28  }
0x59: {  	[tilespmem:s22], [sflag:$0x2] =	stream.indirect.gather [hbm4b:s4+s21], $0x80, s29, s21, $0xb8;
	[tilespmem:$0x1E800] =	vst v63  }
0x5a: {  	p1 =	sne.s32 s28, $0x4800;
	_ =	swait.ge [sflag:s20], $0x4000  }
0x5b: {  	[sflag:s20] =	ssyncset.done $0x0  }
0x5c: {  	s28 =	sadd.s32 $0x1400, s26;
	[sflag:s20] =	ssyncadd.s32 $0xFFFFC000  }
0x5d: {  	[spmem:s2] =	stream.indirect.scatter.add.f32 [tilespmem:s16], [sflag:$0x3], $0x80, s28, s21, $0xb8;
	[tilespmem:$0x1E800] =	vst v63  }
0x5e: {  	_ =	swait.ge [sflag:s18], $0x4000  }
0x5f: {  	[sflag:s18] =	ssyncset.done $0x0  }
0x60: {  	s28 =	sadd.s32 $0x100, s26;
	[sflag:s18] =	ssyncadd.s32 $0xFFFFC000  }
0x61: {  	[tilespmem:s16], [sflag:$0x1] =	stream.indirect.gather [hbm4b:s4+s21], $0x80, s28, s21, $0xb8;
	[tilespmem:$0x1E800] =	vst v63  }
0x62: {  	_ =	swait.ge [sflag:s19], $0x4000  }
.Ltmp1:
0x63: {  	[sflag:s19] =	ssyncset.done $0x0;
	(pc) =	sbr.rel @p1 .LBB2_4-.Ltmp1, $4  }
0x64: {  	s26 =	sadd.s32 $0x1480, s26;
	[sflag:s19] =	ssyncadd.s32 $0xFFFFC000  }
0x65: {  	[spmem:s2] =	stream.indirect.scatter.add.f32 [tilespmem:s22], [sflag:$0x3], $0x80, s26, s21, $0xb8;
	[tilespmem:$0x1E800] =	vst v63  }
0x66: {  	_ =	swait.ge [sflag:s18], $0x4000  }
0x67: {  	s28 =	smov.u32 s31;
	s26 =	sshra.s32 s30, $0x2;
	[sflag:s18] =	ssyncset.done $0x0  }
0x68: {  	s28 =	sadd.s32 $0x80, s26;
	[sflag:s18] =	ssyncadd.s32 $0xFFFFC000  }
0x69: {  	[tilespmem:s22], [sflag:$0x2] =	stream.indirect.gather [hbm4b:s4+s21], $0x80, s28, s21, $0xb8;
	[tilespmem:$0x1E800] =	vst v63  }
0x6a: {  	_ =	swait.ge [sflag:s20], $0x4000  }
0x6b: {  	[sflag:s20] =	ssyncset.done $0x0  }
0x6c: {  	s28 =	sadd.s32 $0x1400, s26;
	[sflag:s20] =	ssyncadd.s32 $0xFFFFC000  }
0x6d: {  	[spmem:s2] =	stream.indirect.scatter.add.f32 [tilespmem:s16], [sflag:$0x3], $0x80, s28, s21, $0xb8;
	[tilespmem:$0x1E800] =	vst v63  }
0x6e: {  	_ =	swait.ge [sflag:s18], $0x4000  }
0x6f: {  	[sflag:s18] =	ssyncset.done $0x0  }
0x70: {  	s28 =	sadd.s32 $0x100, s26;
	[sflag:s18] =	ssyncadd.s32 $0xFFFFC000  }
0x71: {  	[tilespmem:s16], [sflag:$0x1] =	stream.indirect.gather [hbm4b:s4+s21], $0x80, s28, s21, $0xb8;
	[tilespmem:$0x1E800] =	vst v63  }
0x72: {  	_ =	swait.ge [sflag:s19], $0x4000  }
0x73: {  	[sflag:s19] =	ssyncset.done $0x0  }
0x74: {  	s29 =	sadd.s32 $0x1480, s26;
	[sflag:s19] =	ssyncadd.s32 $0xFFFFC000  }
0x75: {  	[spmem:s2] =	stream.indirect.scatter.add.f32 [tilespmem:s22], [sflag:$0x3], $0x80, s29, s21, $0xb8;
	[tilespmem:$0x1E800] =	vst v63  }
0x76: {  	_ =	swait.ge [sflag:s18], $0x4000  }
0x77: {  	[sflag:s18] =	ssyncset.done $0x0  }
0x78: {  	[sflag:s18] =	ssyncadd.s32 $0xFFFFC000  }
0x79: {  	[tilespmem:s22], [sflag:$0x2] =	stream.indirect.gather [hbm4b:s4+s21], $0x80, s23, s21, $0xb8;
	[tilespmem:$0x1E800] =	vst v63  }
0x7a: {  	_ =	swait.ge [sflag:s20], $0x4000  }
0x7b: {  	[sflag:s20] =	ssyncset.done $0x0  }
0x7c: {  	[sflag:s20] =	ssyncadd.s32 $0xFFFFC000  }
0x7d: {  	[spmem:s2] =	stream.indirect.scatter.add.f32 [tilespmem:s16], [sflag:$0x3], $0x80, s24, s21, $0xb8;
	[tilespmem:$0x1E800] =	vst v63  }
0x7e: {  	_ =	swait.ge [sflag:s18], $0x4000  }
0x7f: {  	[sflag:s18] =	ssyncset.done $0x0  }
0x80: {  	[sflag:s18] =	ssyncadd.s32 $0xFFFFC000  }
0x81: {  	_ =	swait.ge [sflag:s19], $0x4000  }
0x82: {  	[sflag:s19] =	ssyncset.done $0x0  }
0x83: {  	[sflag:s19] =	ssyncadd.s32 $0xFFFFC000  }
0x84: {  	[spmem:s2] =	stream.indirect.scatter.add.f32 [tilespmem:s22], [sflag:$0x3], $0x80, s25, s21, $0xb8;
	[tilespmem:$0x1E800] =	vst v63  }
0x85: {  	_ =	swait.ge [sflag:s18], $0x4000  }
0x86: {  	[sflag:s18] =	ssyncset.done $0x0  }
0x87: {  	s30 =	simm.s32 $0x0;
	[sflag:s18] =	ssyncadd.s32 $0xFFFFC000  }
0x88: {  	[tilespmem:s30], [sflag:$0x3] =	stream.linear.gather [hbm4b:s12+s30], $0x1400, $0x38;
	[tilespmem:$0x1E800] =	vst v63  }
0x89: {  	_ =	swait.ge [sflag:s18], $0x1400  }
0x8a: {  	[sflag:s18] =	ssyncset.done $0x0  }
0x8b: {  	[sflag:s18] =	ssyncadd.s32 $0xFFFFEC00  }
0x8c: {  	[tilespmem:s17], [sflag:$0x3] =	stream.linear.gather [hbm4b:s13+s30], $0x1400, $0x38;
	[tilespmem:$0x1E800] =	vst v63  }
0x8d: {  	_ =	swait.ge [sflag:s18], $0x1400  }
0x8e: {  	[sflag:s18] =	ssyncset.done $0x0  }
0x8f: {  	[sflag:s18] =	ssyncadd.s32 $0xFFFFEC00  }
0x90: {  	[tilespmem:s16], [sflag:$0x1] =	stream.indirect.gather [hbm4b:s4+s21], $0x80, s30, s21, $0xb8;
	[tilespmem:$0x1E800] =	vst v63  }
0x91: {  	s31 =	simm.s32 $0x80  }
0x92: {  	[tilespmem:s22], [sflag:$0x2] =	stream.indirect.gather [hbm4b:s4+s21], $0x80, s31, s21, $0xb8;
	[tilespmem:$0x1E800] =	vst v63  }
0x93: {  	_ =	swait.ge [sflag:s20], $0x4000  }
0x94: {  	[sflag:s20] =	ssyncset.done $0x0  }
0x95: {  	s29 =	simm.s32 $0x1400;
	[sflag:s20] =	ssyncadd.s32 $0xFFFFC000  }
0x96: {  	[spmem:s2] =	stream.indirect.scatter.add.f32 [tilespmem:s16], [sflag:$0x3], $0x80, s29, s21, $0xb8;
	[tilespmem:$0x1E800] =	vst v63  }
0x97: {  	_ =	swait.ge [sflag:s18], $0x4000  }
0x98: {  	[sflag:s18] =	ssyncset.done $0x0  }
0x99: {  	s30 =	simm.s32 $0x100;
	[sflag:s18] =	ssyncadd.s32 $0xFFFFC000  }
0x9a: {  	[tilespmem:s16], [sflag:$0x1] =	stream.indirect.gather [hbm4b:s4+s21], $0x80, s30, s21, $0xb8;
	[tilespmem:$0x1E800] =	vst v63  }
0x9b: {  	_ =	swait.ge [sflag:s19], $0x4000  }
0x9c: {  	[sflag:s19] =	ssyncset.done $0x0  }
0x9d: {  	s31 =	simm.s32 $0x1480;
	[sflag:s19] =	ssyncadd.s32 $0xFFFFC000  }
0x9e: {  	[spmem:s2] =	stream.indirect.scatter.add.f32 [tilespmem:s22], [sflag:$0x3], $0x80, s31, s21, $0xb8;
	[tilespmem:$0x1E800] =	vst v63  }
0x9f: {  	_ =	swait.ge [sflag:s18], $0x4000  }
0xa0: {  	s26 =	simm.s32 $0x100;
	s28 =	simm.s32 $0x800;
	[sflag:s18] =	ssyncset.done $0x0  }
.LBB2_6:
0xa1: {  	s29 =	sadd.s32 $0x80, s26  }
0xa2: {  	[sflag:s18] =	ssyncadd.s32 $0xFFFFC000;
	s30 =	smov.u32 s28;
	s31 =	sadd.s32 $0x400, s28  }
0xa3: {  	[tilespmem:s22], [sflag:$0x2] =	stream.indirect.gather [hbm4b:s4+s21], $0x80, s29, s21, $0xb8;
	[tilespmem:$0x1E800] =	vst v63  }
0xa4: {  	p1 =	sne.s32 s28, $0x4800;
	_ =	swait.ge [sflag:s20], $0x4000  }
0xa5: {  	[sflag:s20] =	ssyncset.done $0x0  }
0xa6: {  	s28 =	sadd.s32 $0x1400, s26;
	[sflag:s20] =	ssyncadd.s32 $0xFFFFC000  }
0xa7: {  	[spmem:s2] =	stream.indirect.scatter.add.f32 [tilespmem:s16], [sflag:$0x3], $0x80, s28, s21, $0xb8;
	[tilespmem:$0x1E800] =	vst v63  }
0xa8: {  	_ =	swait.ge [sflag:s18], $0x4000  }
0xa9: {  	[sflag:s18] =	ssyncset.done $0x0  }
0xaa: {  	s28 =	sadd.s32 $0x100, s26;
	[sflag:s18] =	ssyncadd.s32 $0xFFFFC000  }
0xab: {  	[tilespmem:s16], [sflag:$0x1] =	stream.indirect.gather [hbm4b:s4+s21], $0x80, s28, s21, $0xb8;
	[tilespmem:$0x1E800] =	vst v63  }
0xac: {  	_ =	swait.ge [sflag:s19], $0x4000  }
.Ltmp2:
0xad: {  	[sflag:s19] =	ssyncset.done $0x0;
	(pc) =	sbr.rel @p1 .LBB2_6-.Ltmp2, $4  }
0xae: {  	s26 =	sadd.s32 $0x1480, s26;
	[sflag:s19] =	ssyncadd.s32 $0xFFFFC000  }
0xaf: {  	[spmem:s2] =	stream.indirect.scatter.add.f32 [tilespmem:s22], [sflag:$0x3], $0x80, s26, s21, $0xb8;
	[tilespmem:$0x1E800] =	vst v63  }
0xb0: {  	_ =	swait.ge [sflag:s18], $0x4000  }
0xb1: {  	s28 =	smov.u32 s31;
	s26 =	sshra.s32 s30, $0x2;
	[sflag:s18] =	ssyncset.done $0x0  }
0xb2: {  	s28 =	sadd.s32 $0x80, s26;
	[sflag:s18] =	ssyncadd.s32 $0xFFFFC000  }
0xb3: {  	[tilespmem:s22], [sflag:$0x2] =	stream.indirect.gather [hbm4b:s4+s21], $0x80, s28, s21, $0xb8;
	[tilespmem:$0x1E800] =	vst v63  }
0xb4: {  	_ =	swait.ge [sflag:s20], $0x4000  }
0xb5: {  	[sflag:s20] =	ssyncset.done $0x0  }
0xb6: {  	s29 =	sadd.s32 $0x1400, s26;
	[sflag:s20] =	ssyncadd.s32 $0xFFFFC000  }
0xb7: {  	[spmem:s2] =	stream.indirect.scatter.add.f32 [tilespmem:s16], [sflag:$0x3], $0x80, s29, s21, $0xb8;
	[tilespmem:$0x1E800] =	vst v63  }
0xb8: {  	_ =	swait.ge [sflag:s18], $0x4000  }
0xb9: {  	[sflag:s18] =	ssyncset.done $0x0  }
0xba: {  	s30 =	sadd.s32 $0x100, s26;
	[sflag:s18] =	ssyncadd.s32 $0xFFFFC000  }
0xbb: {  	[tilespmem:s16], [sflag:$0x1] =	stream.indirect.gather [hbm4b:s4+s21], $0x80, s30, s21, $0xb8;
	[tilespmem:$0x1E800] =	vst v63  }
0xbc: {  	_ =	swait.ge [sflag:s19], $0x4000  }
0xbd: {  	[sflag:s19] =	ssyncset.done $0x0  }
0xbe: {  	s31 =	sadd.s32 $0x1480, s26;
	[sflag:s19] =	ssyncadd.s32 $0xFFFFC000  }
0xbf: {  	[spmem:s2] =	stream.indirect.scatter.add.f32 [tilespmem:s22], [sflag:$0x3], $0x80, s31, s21, $0xb8;
	[tilespmem:$0x1E800] =	vst v63  }
0xc0: {  	_ =	swait.ge [sflag:s18], $0x4000  }
0xc1: {  	[sflag:s18] =	ssyncset.done $0x0  }
0xc2: {  	[sflag:s18] =	ssyncadd.s32 $0xFFFFC000  }
0xc3: {  	[tilespmem:s22], [sflag:$0x2] =	stream.indirect.gather [hbm4b:s4+s21], $0x80, s23, s21, $0xb8;
	[tilespmem:$0x1E800] =	vst v63  }
0xc4: {  	_ =	swait.ge [sflag:s20], $0x4000  }
0xc5: {  	[sflag:s20] =	ssyncset.done $0x0  }
0xc6: {  	[sflag:s20] =	ssyncadd.s32 $0xFFFFC000  }
0xc7: {  	[spmem:s2] =	stream.indirect.scatter.add.f32 [tilespmem:s16], [sflag:$0x3], $0x80, s24, s21, $0xb8;
	[tilespmem:$0x1E800] =	vst v63  }
0xc8: {  	_ =	swait.ge [sflag:s18], $0x4000  }
0xc9: {  	[sflag:s18] =	ssyncset.done $0x0  }
0xca: {  	[sflag:s18] =	ssyncadd.s32 $0xFFFFC000  }
0xcb: {  	_ =	swait.ge [sflag:s19], $0x4000  }
0xcc: {  	[sflag:s19] =	ssyncset.done $0x0  }
0xcd: {  	[sflag:s19] =	ssyncadd.s32 $0xFFFFC000  }
0xce: {  	[spmem:s2] =	stream.indirect.scatter.add.f32 [tilespmem:s22], [sflag:$0x3], $0x80, s25, s21, $0xb8;
	[tilespmem:$0x1E800] =	vst v63  }
0xcf: {  	_ =	swait.ge [sflag:s18], $0x4000  }
0xd0: {  	[sflag:s18] =	ssyncset.done $0x0  }
0xd1: {  	[sflag:s18] =	ssyncadd.s32 $0xFFFFC000  }
0xd2: {  	s26 =	simm.s32 @!p0 $0x0;
	s28 =	simm.s32 @!p0 $0x3;
	[bflag:$0x0] =	sbarrier.arrive $0xFFFF  }
0xd3: {  	[tilespmem:s26], [sflag:$0x3] =	stream.linear.gather @!p0 [hbm4b:s0+s26], $0x80, $0x38;
	[tilespmem:$0x1E800] =	vst v63  }
0xd4: {  	_ =	swait.ge @!p0 [sflag:s28], $0x80  }
0xd5: {  	[sflag:s28] =	ssyncset.done @!p0 $0x0  }
0xd6: {  	s29 =	simm.s32 @!p0 $0x80;
	s30 =	simm.s32 @!p0 $0x2800;
	[sflag:s28] =	ssyncadd.s32 @!p0 $0xFFFFFF80  }
0xd7: {  	[tilespmem:s30], [sflag:$0x1] =	stream.indirect.gather @!p0 [spmem:s2], $0x80, s26, s29, $0xb8;
	[tilespmem:$0x1E800] =	vst v63  }
0xd8: {  	s29 =	simm.s32 @!p0 $0x1  }
0xd9: {  	s3 =	sadd.s32 $0x1, s3;
	_ =	swait.ge @!p0 [sflag:s29], $0x4000  }
0xda: {  	p1 =	sne.s32 s3, s15;
	[sflag:s29] =	ssyncset.done @!p0 $0x0  }
.Ltmp3:
0xdb: {  	[sflag:s29] =	ssyncadd.s32 @!p0 $0xFFFFC000;
	(pc) =	sbr.rel @p1 .LBB2_1-.Ltmp3, $4  }
0xdc: {  	[hbm4b:s14+s26] =	stream.linear.scatter @!p0 [tilespmem:s30], [sflag:$0x3], $0x4000, $0x38;
	[tilespmem:$0x1E800] =	vst v63  }
0xdd: {  	_ =	swait.ge @!p0 [sflag:s28], $0x4000  }
0xde: {  	[sflag:s28] =	ssyncset.done @!p0 $0x0  }
0xdf: {  	[sflag:s28] =	ssyncadd.s32 @!p0 $0xFFFFC000  }
0xe0: {  	_ =	sfence.sel $0x180000  }
0xe1: {  	[bflag:$0x0] =	sbarrier.arrive $0xFFFF  }
0xe2: {  	_ =	strace $0x9000004D  }
0xe3: {  	s0 =	sadd.s32 @!p0 $0x100000, s1;
	[bflag:$0x2] =	sbarrier.arrive $0xFFFF  }
0xe4: {  	[sflag:s0] =	ssyncadd.tile.s32 @!p0 $0x1;
	_ =	shalt  }
.Lfunc_end2:
_tile_overlayer_lowered:
.L_overlay_start_2:
0xe5: {  	(tag) =	ssettag $0x2  }
0xe6: {  	s0 =	rddreg [dreg:$0x0];
	s2 =	stileid.u32  }
0xe7: {  	s1 =	rddreg [dreg:$0x1];
	p0 =	sne.s32 s2, $0x0  }
0xe8: {  	s3 =	rddreg [dreg:$0x2];
	[bflag:$0x3] =	sbarrier.arrive $0xFFFF;
	s2 =	simm.s32 @!p0 $0x1C03  }
0xe9: {  	[timem:s3], [sflag:s2] =	dma.local @!p0 [hbm:s0], s1  }
0xea: {  	s0 =	simm.s32 @!p0 $0x3  }
0xeb: {  	_ =	swait.ge @!p0 [sflag:s0], s1  }
0xec: {  	s1 =	ssub.s32 @!p0 $0x0, s1;
	[sflag:s0] =	ssyncset.done @!p0 $0x0  }
0xed: {  	[sflag:s0] =	ssyncadd.s32 @!p0 s1  }
0xee: {  	[bflag:$0x3] =	sbarrier.arrive $0xFFFF  }
0xef: {  	_ =	shalt  }

// kernel: kernel.9.cloned.1.call-start
scs
__scs_entry_jumppad:
0x0: {  	(pc) =	sbr.rel $0x88, $3  }
0x1: {  	(tag) =	ssettag $0x0;
	lr =	simm.s32 $0x1  }
0x2: {  	[smem:$0x3F98] =	sst lr;
	_ =	strace $0xD0000000  }
0x3: {  	_ = 	snop  }
0x4: {  	_ = 	snop  }
0x5: {  	_ = 	snop  }
0x6: {  	_ = 	snop  }
0x7: {  	_ = 	snop  }
__scs_overlays_trampoline_lowered:
0x8: {  	[smem:$0x3FA7] =	sst s0  }
0x9: {  	[smem:$0x3FA8] =	sst s1  }
0xa: {  	[smem:$0x3FA9] =	sst s2  }
0xb: {  	[smem:$0x3FAA] =	sst s3  }
0xc: {  	[smem:$0x3FAB] =	sst s4  }
0xd: {  	[smem:$0x3FAC] =	sst s5  }
0xe: {  	[smem:$0x3FAD] =	sst s6  }
0xf: {  	[smem:$0x3FAE] =	sst s7  }
0x10: {  	[smem:$0x3FAF] =	sst s8  }
0x11: {  	[smem:$0x3FB0] =	sst s9;
	s0 =	simm.s32 @!p0 $0x0  }
0x12: {  	s1 =	sld [smem:$0x3F96];
	s0 =	simm.s32 @p0 $0x1  }
0x13: {  	[smem:$0x3FB1] =	sst s0;
	s0 =	simm.s32 @!p1 $0x0  }
0x14: {  	s2 =	sld [smem:$0x3F95];
	s0 =	simm.s32 @p1 $0x1  }
0x15: {  	[smem:$0x3FB2] =	sst s0;
	s0 =	simm.s32 @!p2 $0x0  }
0x16: {  	s3 =	sld [smem:$0x3FDB];
	s0 =	simm.s32 @p2 $0x1  }
0x17: {  	s4 =	simm.s32 $0x1BF5;
	[smem:$0x3FB4] =	sst s0  }
0x18: {  	s0 =	sld [smem:$0x3F97];
	_ =	swait.ge [sflag:s4], $0x0  }
0x19: {  	s7 =	sld [smem:$0x3F98]  }
0x1a: {  	s8 =	sadd.s32 $0xFFFFE003, lr  }
0x1b: {  	s9 =	sadd.s32 $0xFFFFFEF7, lr;
	s5 =	simm.s32 $0xFFFFFFFF;
	p2 =	slt.u32 s8, $0xFFFFF086  }
0x1c: {  	p1 =	slt.u32 s9, $0xF7A;
	s5 =	simm.s32 @!p2 $0x0  }
0x1d: {  	s5 =	simm.s32 @p1 $0x1;
	p0 =	seq.s32 s7, s2  }
0x1e: {  	s7 =	smul.u32 @!p0 $0xF7A, s2;
	p2 =	seq.s32 @!p0 s5, $0x0  }
0x1f: {  	s9 =	smul.u32 $0xF7A, s1;
	s8 =	simm.s32 @!p0 $0x1BF5;
	p2 =	por !p2, p0  }
0x20: {  	[sflag:s8] =	ssyncset.s32 @!p0 $0xFFFFF086;
	s6 =	sadd.s32 @!p0 s3, s7;
	s7 =	simm.s32 @!p0 $0x108  }
0x21: {  	s3 =	sadd.s32 s3, s9;
	s6 =	sadd.s32 @!p0 $0x88, s6;
	s7 =	simm.s32 @p2 $0x1082  }
0x22: {  	[simem:s7], [sflag:s8] =	dma.local @!p0 [hbm:s6], $0xF7A  }
0x23: {  	s9 =	sor.u32 $0xD0000000, s2;
	s6 =	simm.s32 $0x108;
	_ =	swait.ge @!p0 [sflag:s8], $0x0  }
0x24: {  	s3 =	sadd.s32 $0x88, s3;
	s6 =	simm.s32 @!p1 $0x1082;
	[sflag:s4] =	ssyncset.s32 $0xFFFFF086  }
0x25: {  	[simem:s6], [sflag:s4] =	dma.local [hbm:s3], $0xF7A  }
0x26: {  	[smem:$0x3F98] =	sst s1;
	(tag) =	ssettag s2;
	_ =	strace s9  }
0x27: {  	s1 =	sld [smem:$0x3FA8]  }
0x28: {  	s2 =	sld [smem:$0x3FA9]  }
0x29: {  	s4 =	sld [smem:$0x3FAB]  }
0x2a: {  	p0 =	seq.s32 s5, $0x0;
	s5 =	sld [smem:$0x3FAC]  }
0x2b: {  	s6 =	sld [smem:$0x3FAD]  }
0x2c: {  	s7 =	sld [smem:$0x3FAE]  }
0x2d: {  	s3 =	simm.s32 $0x108;
	s8 =	sld [smem:$0x3FAF]  }
0x2e: {  	s3 =	simm.s32 @!p0 $0x1082;
	s9 =	sld [smem:$0x3FB0]  }
0x2f: {  	lr =	sadd.s32 s0, s3;
	s0 =	sld [smem:$0x3FA7]  }
0x30: {  	s3 =	sld [smem:$0x3FAA]  }
0x31: {  	[smem:$0x3FB3] =	sst s10  }
0x32: {  	s10 =	sld [smem:$0x3FB1];
	_ =	sdelay $0x3  }
0x33: {  	p0 =	seq.s32 s10, $0x1;
	s10 =	sld [smem:$0x3FB3];
	_ =	sdelay $0x3  }
0x34: {  	[smem:$0x3FB3] =	sst s10  }
0x35: {  	s10 =	sld [smem:$0x3FB2];
	_ =	sdelay $0x3  }
0x36: {  	p1 =	seq.s32 s10, $0x1;
	s10 =	sld [smem:$0x3FB3];
	_ =	sdelay $0x3  }
0x37: {  	[smem:$0x3FB3] =	sst s10  }
0x38: {  	s10 =	sld [smem:$0x3FB4]  }
0x39: {  	_ = 	snop;
	(pc) =	sbr.ind lr, $3  }
0x3a: {  	_ = 	snop  }
0x3b: {  	_ = 	snop  }
0x3c: {  	p2 =	seq.s32 s10, $0x1;
	s10 =	sld [smem:$0x3FB3]  }
0x3d: {  	_ =	shalt  }
0x3e: {  	_ =	shalt  }
0x3f: {  	_ =	shalt  }
0x40: {  	_ =	shalt  }
0x41: {  	_ =	shalt  }
0x42: {  	_ =	shalt  }
0x43: {  	_ =	shalt  }
0x44: {  	_ =	shalt  }
0x45: {  	_ =	shalt  }
0x46: {  	_ =	shalt  }
0x47: {  	_ =	shalt  }
0x48: {  	_ =	shalt  }
0x49: {  	_ =	shalt  }
0x4a: {  	_ =	shalt  }
0x4b: {  	_ =	shalt  }
0x4c: {  	_ =	shalt  }
0x4d: {  	_ =	shalt  }
0x4e: {  	_ =	shalt  }
0x4f: {  	_ =	shalt  }
0x50: {  	_ =	shalt  }
0x51: {  	_ =	shalt  }
0x52: {  	_ =	shalt  }
0x53: {  	_ =	shalt  }
0x54: {  	_ =	shalt  }
0x55: {  	_ =	shalt  }
0x56: {  	_ =	shalt  }
0x57: {  	_ =	shalt  }
0x58: {  	_ =	shalt  }
0x59: {  	_ =	shalt  }
0x5a: {  	_ =	shalt  }
0x5b: {  	_ =	shalt  }
0x5c: {  	_ =	shalt  }
0x5d: {  	_ =	shalt  }
0x5e: {  	_ =	shalt  }
0x5f: {  	_ =	shalt  }
0x60: {  	_ =	shalt  }
0x61: {  	_ =	shalt  }
0x62: {  	_ =	shalt  }
0x63: {  	_ =	shalt  }
0x64: {  	_ =	shalt  }
0x65: {  	_ =	shalt  }
0x66: {  	_ =	shalt  }
0x67: {  	_ =	shalt  }
0x68: {  	_ =	shalt  }
0x69: {  	_ =	shalt  }
0x6a: {  	_ =	shalt  }
0x6b: {  	_ =	shalt  }
0x6c: {  	_ =	shalt  }
0x6d: {  	_ =	shalt  }
0x6e: {  	_ =	shalt  }
0x6f: {  	_ =	shalt  }
0x70: {  	_ =	shalt  }
0x71: {  	_ =	shalt  }
0x72: {  	_ =	shalt  }
0x73: {  	_ =	shalt  }
0x74: {  	_ =	shalt  }
0x75: {  	_ =	shalt  }
0x76: {  	_ =	shalt  }
0x77: {  	_ =	shalt  }
0x78: {  	_ =	shalt  }
0x79: {  	_ =	shalt  }
0x7a: {  	_ =	shalt  }
0x7b: {  	_ =	shalt  }
0x7c: {  	_ =	shalt  }
0x7d: {  	_ =	shalt  }
0x7e: {  	_ =	shalt  }
0x7f: {  	_ =	shalt  }
0x80: {  	_ =	shalt  }
0x81: {  	_ =	shalt  }
0x82: {  	_ =	shalt  }
0x83: {  	_ =	shalt  }
0x84: {  	_ =	shalt  }
0x85: {  	_ =	shalt  }
0x86: {  	_ =	shalt  }
0x87: {  	_ =	shalt  }
.Lfunc_end0:
.L_simem_size_0:
called_computation_lowered:
.L_overlay_start_0:
0x88: {  	s2 =	sld [smem:$0x3FD9]  }
0x89: {  	s3 =	sld [smem:$0x3FFE];
	_ =	sdelay $0x1  }
0x8a: {  	s1 =	srdreg.scid  }
0x8b: {  	s0 =	sand.u32 $0x1, s1  }
0x8c: {  	s16 =	sshll.u32 s0, $0xA;
	s2 =	sadd.s32 s3, s2  }
0x8d: {  	s2 =	sadd.s32 s2, s16  }
0x8e: {  	[smem:$0x3FBF] =	sst s2  }
0x8f: {  	_ = 	snop  }
0x90: {  	(tm) =	ssettm $0x1  }
0x91: {  	s17 =	sld [smem:$0x3FFB];
	_ =	sdelay $0x3  }
0x92: {  	_ =	strace s17  }
0x93: {  	s2 =	sld [smem:$0x3FFC];
	_ =	sdelay $0x3  }
0x94: {  	_ =	strace s2  }
0x95: {  	s2 =	sld [smem:$0x3FFD];
	_ =	sdelay $0x3  }
0x96: {  	_ =	strace s2  }
0x97: {  	_ =	strace $0x8FFFFFFF  }
0x98: {  	s18 =	sld [smem:$0x3FDB];
	_ =	sdelay $0x1  }
0x99: {  	s19 =	simm.s32 $_scs_section_size  }
0x9a: {  	s4 =	simm.s32 $_size__tile_overlayer_lowered;
	s5 =	simm.s32 $_tile_overlayer_lowered  }
0x9b: {  	s22 =	simm.s32 $0x1BFF;
	s21 =	sshll.u32 s5, $0x1;
	s2 =	sadd.s32 s19, s18  }
0x9c: {  	s6 =	simm.s32 $0x0;
	s20 =	sshll.u32 s4, $0x1;
	s4 =	sadd.s32 s21, s2  }
0x9d: {  	[timem:s6], [sflag:s22] =	dma.local [hbm:s4], s20  }
0x9e: {  	_ =	swait.ge [sflag:s22], s20  }
0x9f: {  	s3 =	ssub.s32 $0x0, s20;
	[sflag:s22] =	ssyncset.done $0x0  }
0xa0: {  	[sflag:s22] =	ssyncadd.s32 s3;
	_ =	sdelay $0x1  }
0xa1: {  	s23 =	simm.s32 $0x1B8B  }
0xa2: {  	_ =	swait.ge [sflag:s23], $0x1  }
0xa3: {  	[sflag:s23] =	ssyncset.done $0x0  }
0xa4: {  	s25 =	simm.s32 $0x1B8E;
	s24 =	sld [smem:$0x3FFE];
	[sflag:s23] =	ssyncadd.s32 $0xFFFFFFFF  }
0xa5: {  	s26 =	simm.s32 $execute0_lowered;
	[smem:$0x3FD2] =	sst s25  }
0xa6: {  	s4 =	sshll.u32 s26, $0x1;
	_ =	strace $0x80000046;
	[dreg:$0x1] =	wrdreg $0xFFFFFFFF  }
0xa7: {  	s28 =	simm.s32 $_size_execute0_lowered;
	s2 =	sadd.s32 s2, s4;
	[dreg:$0x0] =	wrdreg $0x0  }
0xa8: {  	s4 =	sshll.u32 s28, $0x1;
	[dreg:$0x2] =	wrdreg s2  }
0xa9: {  	[dreg:$0x3] =	wrdreg s4  }
0xaa: {  	[dreg:$0x4] =	wrdreg $0xC0  }
0xab: {  	_ =	task [dreg:s6], $0x5FFFF  }
0xac: {  	[dreg:$0x1] =	wrdreg $0xFFFFFFFF  }
0xad: {  	[dreg:$0x0] =	wrdreg $0x60  }
0xae: {  	[dreg:$0x2] =	wrdreg s24  }
0xaf: {  	[dreg:$0x3] =	wrdreg $0x9  }
0xb0: {  	_ =	task.clear_ibuf [dreg:s6], $0x4FFFF;
	_ =	strace $0x90000046  }
0xb1: {  	s29 =	simm.s32 $0x9;
	_ =	strace $0x80000048  }
0xb2: {  	_ =	swait.ge [sflag:s29], $0x1  }
0xb3: {  	[sflag:s29] =	ssyncadd.s32 $0xFFFFFFFF  }
0xb4: {  	_ =	strace $0x90000048  }
0xb5: {  	_ =	sfence  }
0xb6: {  	s30 =	sld [smem:$0x0];
	_ =	sdelay $0x2  }
0xb7: {  	s31 =	sshll.u32 s1, $0xD;
	s1 =	sshrl.u32 s1, $0x2  }
0xb8: {  	s3 =	sand.u32 $0x4000, s31;
	s1 =	sadd.s32 s1, s30  }
0xb9: {  	s0 =	sor.u32 s3, s0;
	s1 =	sshll.u32 s1, $0x11  }
0xba: {  	s0 =	sor.u32 s1, s0  }
0xbb: {  	s0 =	sadd.s32 $0x8F2B, s0  }
0xbc: {  	[sflag:s0] =	ssyncadd.remote.s32 $0x1  }
0xbd: {  	_ =	sfence.sel $0xFFFF  }
0xbe: {  	[dreg:$0x0] =	wrdreg $0xFFFFFFFF;
	(pc) =	sbr.abs _section_cstart, $3  }
0xbf: {  	[dreg:$0x1] =	wrdreg $0xFFFFFFFF  }
0xc0: {  	_ =	task.clear_ibuf [dreg:s6], $0x2FFFF;
	_ =	strace $0x9FFFFFFF  }
0xc1: {  	(tm) =	ssettm $0x7FFFFFFF  }
tec
execute0_lowered:
.L_overlay_start_1:
0x0: {  	(tag) =	ssettag $0x1  }
0x1: {  	s1 =	srdreg.scid;
	s0 =	stileid.u32  }
0x2: {  	s3 =	rddreg [dreg:$0x0];
	s8 =	simm.s32 $0x80;
	s9 =	simm.s32 $0x400  }
0x3: {  	s4 =	sand.u32 $0x1, s1;
	s2 =	sshll.u32 s0, $0x1;
	s1 =	rddreg [dreg:$0x1]  }
0x4: {  	s6 =	sshrl.u32 s0, $0x2;
	s5 =	sor.u32 s4, s2;
	s2 =	simm.s32 $0x0  }
0x5: {  	s6 =	smul.u32 $0x14000, s6;
	s4 =	ssub.s32 $0x2, s4;
	s7 =	sshll.u32 s5, $0x7  }
0x6: {  	[smem:$0x7FF] =	sst s2;
	s5 =	smul.u32 $0x280, s5;
	s7 =	sand.u32 $0x380, s7  }
0x7: {  	s31 =	sshrl.u32 s4, $0x1;
	_ =	strace $0x80000047;
	s6 =	sor.u32 s6, s7  }
0x8: {  	s5 =	sadd.s32 s5, s3;
	s7 =	ssub.s32 s4, s31;
	s6 =	sshrl.u32 s6, $0x3  }
0x9: {  	s6 =	sadd.s32 s6, s3;
	s3 =	sadd.s32 $0x2600, s5;
	s5 =	smax.u32 s7, $0x1  }
0xa: {  	v0 =	vimm.f32 $0.0e+00;
	v1 =	vimm.f32 $1.000000000e+00;
	s7 =	simm.s32 $0x1400;
	s4 =	sadd.s32 $0x7600, s6;
	s6 =	simm.s32 $0x1  }
.LBB2_1:
0xb: {  	s10 =	simm.s32 $0x40;
	s11 =	simm.s32 $0x0  }
.LBB2_2:
0xc: {  	p0 =	sne.s32 s10, $0x9FC0;
	[tilespmem:s11+$0x1400] =	vst v0;
	s11 =	smov.u32 s10;
	s10 =	sadd.s32 $0x40, s10  }
.Ltmp0:
0xd: {  	(pc) =	sbr.rel @p0 .LBB2_2-.Ltmp0, $2  }
0xe: {  	_ =	sdelay $0x2  }
0xf: {  	s11 =	sshra.s32 s11, $0x2  }
0x10: {  	[tilespmem:s11+$0x1400] =	vst v0;
	s10 =	simm.s32 $0x0  }
0x11: {  	[tilespmem:s10], [sflag:$0x1] =	stream.linear.gather [hbm4b:s3+s10], $0x1400, $0x38;
	[tilespmem:$0x3C00] =	vst v63  }
0x12: {  	_ =	swait.ge [sflag:s6], $0x1400  }
0x13: {  	[sflag:s6] =	ssyncset.done $0x0  }
0x14: {  	s11 =	simm.s32 $0x0;
	s10 =	simm.s32 $0x40;
	[sflag:s6] =	ssyncadd.s32 $0xFFFFEC00  }
.LBB2_4:
0x15: {  	p0 =	sne.s32 s10, $0x4FC0;
	v2 =	vld [tilespmem:s11+$0x0];
	_ =	sdelay $0x3  }
.Ltmp1:
0x16: {  	(pc) =	sbr.rel @p0 .LBB2_4-.Ltmp1, $2  }
0x17: {  	_ =	sdelay $0x2  }
0x18: {  	s11 =	sshra.s32 s10, $0x2;
	s10 =	sadd.s32 $0x40, s10;
	[tilespmem:v2+s7+$0x0] =	vst.idx.add.f32.msk $0xffff, v1  }
0x19: {  	v2 =	vld [tilespmem:s11+$0x0];
	_ =	sdelay $0x5  }
0x1a: {  	s2 =	sadd.s32 $0x1, s2  }
0x1b: {  	p0 =	sne.s32 s2, s5  }
.Ltmp2:
0x1c: {  	[tilespmem:v2+s7+$0x0] =	vst.idx.add.f32.msk $0xffff, v1;
	(pc) =	sbr.rel @p0 .LBB2_1-.Ltmp2, $4  }
0x1d: {  	[hbm4b:s4+s8] =	stream.strided.scatter [tilespmem:s7], [sflag:$0x1], $0x2800, s9, s8, $0x38;
	[tilespmem:$0x3C00] =	vst v63  }
0x1e: {  	_ =	swait.ge [sflag:s6], $0x2800  }
0x1f: {  	[sflag:s6] =	ssyncset.done $0x0  }
0x20: {  	[sflag:s6] =	ssyncadd.s32 $0xFFFFD800  }
0x21: {  	_ =	sfence.sel $0x180000  }
0x22: {  	[bflag:$0x0] =	sbarrier.arrive $0xFFFF  }
0x23: {  	p0 =	sne.s32 s0, $0x0;
	_ =	strace $0x90000047  }
0x24: {  	s0 =	sadd.s32 @!p0 $0x100000, s1;
	[bflag:$0x2] =	sbarrier.arrive $0xFFFF  }
0x25: {  	[sflag:s0] =	ssyncadd.tile.s32 @!p0 $0x1;
	_ =	shalt  }
.Lfunc_end2:
_tile_overlayer_lowered:
.L_overlay_start_2:
0x26: {  	(tag) =	ssettag $0x2  }
0x27: {  	s0 =	rddreg [dreg:$0x0];
	s2 =	stileid.u32  }
0x28: {  	s1 =	rddreg [dreg:$0x1];
	p0 =	sne.s32 s2, $0x0  }
0x29: {  	s3 =	rddreg [dreg:$0x2];
	[bflag:$0x3] =	sbarrier.arrive $0xFFFF;
	s2 =	simm.s32 @!p0 $0x1C01  }
0x2a: {  	[timem:s3], [sflag:s2] =	dma.local @!p0 [hbm:s0], s1  }
0x2b: {  	s0 =	simm.s32 @!p0 $0x1  }
0x2c: {  	_ =	swait.ge @!p0 [sflag:s0], s1  }
0x2d: {  	s1 =	ssub.s32 @!p0 $0x0, s1;
	[sflag:s0] =	ssyncset.done @!p0 $0x0  }
0x2e: {  	[sflag:s0] =	ssyncadd.s32 @!p0 s1  }
0x2f: {  	[bflag:$0x3] =	sbarrier.arrive $0xFFFF  }
0x30: {  	_ =	shalt  }

</sc_bundles>
